<compile_context>
chip_gen: v7x
topology: tpu7x:2x2x1
jax: 0.10.2.dev20260603
libtpu: 0.0.44.dev20260713+nightly
codegen_flags: <defaults>
</compile_context>

<pallas_src>
import functools

import jax
import jax.numpy as jnp
from jax import lax
from jax.experimental import pallas as pl
from jax.experimental.pallas import tpu as pltpu
from jax.experimental.pallas import tpu_sc as plsc

N_TP = 4
N_GP = 2
E = 8
RAWOB = 512
NA = 128
DH = 512
T = 128
A = 16
N = T * A
DEXT = 16
DPAD = 128
VW = 8
M = 256
NB = N // M

NC = 2
NS = 16
NW = NC * NS
TOK_W = N // NW
L = 16


def _route_body(pick_hbm, ht_hbm, gp_hbm, obs_hbm,
                xo_hbm, xe_hbm, dest_hbm, offs_hbm,
                pick_all, ht_v, gp_v, dest_v, xo_buf, xe_buf,
                offs_v, sem, sem2, sem3):
    wid = lax.axis_index("s") * NC + lax.axis_index("c")
    base_tok = wid * TOK_W
    pick_cp = pltpu.async_copy(pick_hbm, pick_all, sem)
    ht_cp = pltpu.async_copy(ht_hbm.at[pl.ds(base_tok, TOK_W)], ht_v, sem3)
    gp_cp = pltpu.async_copy(gp_hbm.at[pl.ds(wid * L, L)], gp_v, sem3)
    obs_cp = pltpu.async_copy(obs_hbm.at[pl.ds(base_tok, TOK_W)], xo_buf, sem2)
    pick_cp.wait()

    lane = lax.iota(jnp.int32, L)
    myvreg0 = wid * (TOK_W // L)

    def hist_body(j, carry):
        total, pre = carry
        v = pick_all[pl.ds(j * L, L)]
        oh = jnp.zeros((L,), jnp.int32)
        for e in range(E):
            c = plsc.all_reduce_population_count(v == e)
            oh = oh + jnp.where(lane == e, c, 0)
        return total + oh, pre + jnp.where(j < myvreg0, oh, 0)

    total, pre = lax.fori_loop(
        0, N // L, hist_body,
        (jnp.zeros((L,), jnp.int32), jnp.zeros((L,), jnp.int32)))
    offs_excl = plsc.cumsum(total) - total

    @pl.when(wid == 0)
    def _():
        offs_v[...] = offs_excl
        pltpu.sync_copy(offs_v, offs_hbm)

    base = offs_excl + pre
    for v in range(TOK_W // L):
        pv = pick_all[pl.ds(base_tok + v * L, L)]
        dv = jnp.zeros((L,), jnp.int32)
        vcnt = jnp.zeros((L,), jnp.int32)
        for e in range(E):
            m = pv == e
            cs = plsc.cumsum(m.astype(jnp.int32))
            base_e = jnp.sum(jnp.where(lane == e, base, 0))
            dv = jnp.where(m, base_e + cs - 1, dv)
            c = plsc.all_reduce_population_count(m)
            vcnt = vcnt + jnp.where(lane == e, c, 0)
        dest_v[pl.ds(v * L, L)] = dv
        base = base + vcnt

    zero16 = jnp.zeros((L,), jnp.float32)
    for r in range(TOK_W):
        xe_buf[r, pl.ds(0, L)] = zero16
    ht_cp.wait()
    gp_cp.wait()
    gpr = gp_v[...]
    for v in range(TOK_W // L):
        rvec = lane + v * L
        htv = ht_v[pl.ds(v * L, L)]
        plsc.store_scatter(xe_buf, [rvec, jnp.zeros((L,), jnp.int32)],
                           htv.astype(jnp.float32))
        for k in range(N_TP):
            gpk = jnp.sum(jnp.where(lane == v * N_TP + k, gpr, 0))
            val = jnp.where(htv == k, -1.0, gpk.astype(jnp.float32))
            plsc.store_scatter(xe_buf, [rvec, jnp.full((L,), 1 + k, jnp.int32)],
                               val)

    dest_cp = pltpu.async_copy(dest_v, dest_hbm.at[pl.ds(base_tok, TOK_W)], sem3)
    obs_cp.wait()
    cp1 = pltpu.async_copy(xo_buf, xo_hbm.at[dest_v], sem)
    cp2 = pltpu.async_copy(xe_buf, xe_hbm.at[dest_v], sem2)
    cp1.wait()
    cp2.wait()
    dest_cp.wait()


@functools.cache
def _route():
  return functools.partial(
    pl.kernel,
    out_type=(
        jax.ShapeDtypeStruct((N, RAWOB), jnp.float32),
        jax.ShapeDtypeStruct((N, DPAD), jnp.float32),
        jax.ShapeDtypeStruct((N,), jnp.int32),
        jax.ShapeDtypeStruct((L,), jnp.int32),
    ),
    mesh=plsc.VectorSubcoreMesh(core_axis_name="c", subcore_axis_name="s", num_cores=NC, num_subcores=NS),
    compiler_params=pltpu.CompilerParams(needs_layout_passes=False),
    scratch_types=(
        pltpu.VMEM((N,), jnp.int32),
        pltpu.VMEM((TOK_W,), jnp.int32),
        pltpu.VMEM((L,), jnp.int32),
        pltpu.VMEM((TOK_W,), jnp.int32),
        pltpu.VMEM((TOK_W, RAWOB), jnp.float32),
        pltpu.VMEM((TOK_W, DPAD), jnp.float32),
        pltpu.VMEM((L,), jnp.int32),
        pltpu.SemaphoreType.DMA,
        pltpu.SemaphoreType.DMA,
        pltpu.SemaphoreType.DMA,
    ),
  )(_route_body)


def _gather_body(ls_hbm, dest_hbm, lf_hbm, idx_v, lbuf, sem):
    wid = lax.axis_index("s") * NC + lax.axis_index("c")
    base_tok = wid * TOK_W
    pltpu.sync_copy(dest_hbm.at[pl.ds(base_tok, TOK_W)], idx_v)
    pltpu.async_copy(ls_hbm.at[idx_v], lbuf, sem).wait()
    pltpu.sync_copy(lbuf, lf_hbm.at[pl.ds(base_tok, TOK_W)])


@functools.cache
def _gather():
  return functools.partial(
    pl.kernel,
    out_type=jax.ShapeDtypeStruct((N, NA), jnp.float32),
    mesh=plsc.VectorSubcoreMesh(core_axis_name="c", subcore_axis_name="s", num_cores=NC, num_subcores=NS),
    compiler_params=pltpu.CompilerParams(needs_layout_passes=False),
    scratch_types=(
        pltpu.VMEM((TOK_W,), jnp.int32),
        pltpu.VMEM((TOK_W, NA), jnp.float32),
        pltpu.SemaphoreType.DMA,
    ),
  )(_gather_body)


def _moe_body(offs_ref, xo_ref, xe_ref, W1_ref, W1e_ref, b1_ref, W2_ref,
              b2_ref, lo_ref):
    i = pl.program_id(0)
    row0 = i * M
    xo = xo_ref[...]
    xe = xe_ref[:, :DEXT]
    rid = row0 + lax.broadcasted_iota(jnp.int32, (M, 1), 0)

    def body(e, carry):
        s = offs_ref[e]
        t = offs_ref[e + 1]

        @pl.when((s < row0 + M) & (t > row0))
        def _():
            h = jnp.maximum(
                jnp.dot(xo, W1_ref[e], preferred_element_type=jnp.float32)
                + jnp.dot(xe, W1e_ref[e], preferred_element_type=jnp.float32)
                + b1_ref[e], 0.0)
            lg = (jnp.dot(h, W2_ref[e], preferred_element_type=jnp.float32)
                  + b2_ref[e])
            msk = (rid >= s) & (rid < t)
            lo_ref[...] = jnp.where(msk, lg, lo_ref[...])
        return carry

    lax.fori_loop(0, E, body, 0)


def _moe(offs, xo_s, xe_s, W1, W1e, b1, W2, b2):
    grid_spec = pltpu.PrefetchScalarGridSpec(
        num_scalar_prefetch=1,
        grid=(NB,),
        in_specs=[
            pl.BlockSpec((M, RAWOB), lambda i, s: (i, 0)),
            pl.BlockSpec((M, DPAD), lambda i, s: (i, 0)),
            pl.BlockSpec((E, DH, DH), lambda i, s: (0, 0, 0)),
            pl.BlockSpec((E, DEXT, DH), lambda i, s: (0, 0, 0)),
            pl.BlockSpec((E, DH), lambda i, s: (0, 0)),
            pl.BlockSpec((E, DH, NA), lambda i, s: (0, 0, 0)),
            pl.BlockSpec((E, NA), lambda i, s: (0, 0)),
        ],
        out_specs=[
            pl.BlockSpec((M, NA), lambda i, s: (i, 0)),
        ],
    )
    return pl.pallas_call(
        _moe_body,
        grid_spec=grid_spec,
        out_shape=(
            jax.ShapeDtypeStruct((N, NA), jnp.float32),
        ),
        compiler_params=pltpu.CompilerParams(
            dimension_semantics=("arbitrary",),
            vmem_limit_bytes=100 * 1024 * 1024,
        ),
    )(offs, xo_s, xe_s, W1, W1e, b1, W2, b2)[0]


def _critic_body(obs_ref, ht_ref, gp_ref, Wc1_ref, Wc1e_ref, bc1_ref,
                 Wc2_ref, bc2_ref, vo_ref):
    ht = ht_ref[...]
    gp16 = gp_ref[...]
    lanec = lax.broadcasted_iota(jnp.int32, (M, DEXT), 1)
    htb = jnp.broadcast_to(ht, (M, DEXT))
    gp_rep = jnp.repeat(gp16, A, axis=0)
    gp_pad = jnp.pad(gp_rep, ((0, 0), (1, DEXT - 1 - N_TP)))
    xe = jnp.where(lanec == 0, htb.astype(jnp.float32),
                   jnp.where((lanec >= 1) & (lanec <= N_TP),
                             jnp.where(lanec - 1 == htb, -1.0,
                                       gp_pad.astype(jnp.float32)),
                             0.0))
    xo = obs_ref[...]
    hc = jnp.maximum(
        jnp.dot(xo, Wc1_ref[...], preferred_element_type=jnp.float32)
        + jnp.dot(xe, Wc1e_ref[...], preferred_element_type=jnp.float32)
        + bc1_ref[...], 0.0)
    vo_ref[...] = (jnp.dot(hc, Wc2_ref[...], preferred_element_type=jnp.float32)
                   + bc2_ref[...])


def _critic(obs2, ht2, gp, Wc1, Wc1e, bc1, Wc2p, bc2p):
    return pl.pallas_call(
        _critic_body,
        grid=(NB,),
        in_specs=[
            pl.BlockSpec((M, RAWOB), lambda i: (i, 0)),
            pl.BlockSpec((M, 1), lambda i: (i, 0)),
            pl.BlockSpec((M // A, N_TP), lambda i: (i, 0)),
            pl.BlockSpec((DH, DH), lambda i: (0, 0)),
            pl.BlockSpec((DEXT, DH), lambda i: (0, 0)),
            pl.BlockSpec((1, DH), lambda i: (0, 0)),
            pl.BlockSpec((DH, VW), lambda i: (0, 0)),
            pl.BlockSpec((1, VW), lambda i: (0, 0)),
        ],
        out_specs=pl.BlockSpec((M, VW), lambda i: (i, 0)),
        out_shape=jax.ShapeDtypeStruct((N, VW), jnp.float32),
        compiler_params=pltpu.CompilerParams(
            dimension_semantics=("parallel",),
            vmem_limit_bytes=100 * 1024 * 1024,
        ),
    )(obs2, ht2, gp, Wc1, Wc1e, bc1, Wc2p, bc2p)


def kernel(hete_pick, obs, hete_type, gp_sel_summary, thread_index,
           W1, b1, W2, b2, Wc1, bc1, Wc2, bc2):
    pick = hete_pick.reshape(N).astype(jnp.int32)
    ht = hete_type.reshape(N).astype(jnp.int32)
    gpf = gp_sel_summary.reshape(T * N_TP).astype(jnp.int32)
    obs2 = obs.reshape(N, RAWOB)
    W1e = jnp.pad(W1[:, RAWOB:, :], ((0, 0), (0, DEXT - 5), (0, 0)))
    Wc1e = jnp.pad(Wc1[RAWOB:, :], ((0, DEXT - 5), (0, 0)))
    Wc2p = jnp.pad(Wc2, ((0, 0), (0, VW - 1)))
    bc2p = jnp.pad(bc2, (0, VW - 1)).reshape(1, VW)
    bc1_2 = bc1.reshape(1, DH)

    xo_s, xe_s, dest, offs = _route()(pick, ht, gpf, obs2)
    vs = _critic(obs2, ht.reshape(N, 1), gp_sel_summary.astype(jnp.int32),
                 Wc1, Wc1e, bc1_2, Wc2p, bc2p)
    ls = _moe(offs, xo_s, xe_s, W1, W1e, b1, W2, b2)
    lf = _gather()(ls, dest)
    return lf.reshape(T, A, NA), vs[:, :1].reshape(T, A, 1)

# --- scband reference (transcript-rebuilt; emitter-appended) ---
"""Pipeline reference for scband-hete-net-24180665877189 (READ-ONLY COPY).

The authoritative reference and input builder live on the scoring server;
editing this copy changes nothing except your own understanding.
"""

import jax, jax.numpy as jnp
import numpy as np

N_TP = 4
N_GP = 2
N_NETS = N_TP * N_GP
RAWOB = 512
N_ACTION = 128
D_IN = RAWOB + N_TP + 1
D_HID = 512
T = 128
A = 16


def setup_inputs(seed: int = 0) -> dict:
    key = jax.random.key(seed)
    ks = jax.random.split(key, 16)
    inp = {}
    inp['hete_pick'] = jax.random.randint(ks[0], (T, A), 0, N_NETS)
    inp['obs'] = jax.random.normal(ks[1], (T, A, RAWOB), dtype=jnp.float32)
    inp['hete_type'] = jax.random.randint(ks[2], (T, A), 0, N_TP)
    inp['gp_sel_summary'] = jax.random.randint(ks[3], (T, N_TP), 0, N_GP)
    inp['thread_index'] = jnp.arange(T)
    # Per-expert actor MLP params for the n_tp * n_gp flat net placeholder list
    inp['W1'] = jax.random.normal(ks[4], (N_NETS, D_IN, D_HID), dtype=jnp.float32) / np.sqrt(D_IN)
    inp['b1'] = jnp.zeros((N_NETS, D_HID), dtype=jnp.float32)
    inp['W2'] = jax.random.normal(ks[5], (N_NETS, D_HID, N_ACTION), dtype=jnp.float32) / np.sqrt(D_HID)
    inp['b2'] = jnp.zeros((N_NETS, N_ACTION), dtype=jnp.float32)
    # Central critic params
    inp['Wc1'] = jax.random.normal(ks[6], (D_IN, D_HID), dtype=jnp.float32) / np.sqrt(D_IN)
    inp['bc1'] = jnp.zeros((D_HID,), dtype=jnp.float32)
    inp['Wc2'] = jax.random.normal(ks[7], (D_HID, 1), dtype=jnp.float32) / np.sqrt(D_HID)
    inp['bc2'] = jnp.zeros((1,), dtype=jnp.float32)
    return inp


def reference(hete_pick, obs, hete_type, gp_sel_summary, thread_index, W1, b1, W2, b2, Wc1, bc1, Wc2, bc2):
    n_thread, n_agents = hete_pick.shape
    # gp = repeat_at(gp_sel_summary, 1, n_agents): [T, A, n_tp]
    gp = jnp.repeat(gp_sel_summary[:, None, :].astype(jnp.float32), n_agents, axis=1)
    # scatter_righthand: write -1 at position hete_type along last dim
    onehot = jax.nn.one_hot(hete_type, N_TP, dtype=jnp.float32)
    gp_sel_summary_obs = gp * (1.0 - onehot) + (-1.0) * onehot
    # cat_last_dim(obs, hete_type[..., None]); cat_last_dim(obs, gp_sel_summary_obs)
    x = jnp.concatenate([obs, hete_type[..., None].astype(jnp.float32), gp_sel_summary_obs], axis=-1)
    xf = x.reshape(-1, D_IN)  # [T*A, D_IN] flattened tokens
    # distribute_compute: route each (thread, agent) token to net hete_pick[t, a]
    pick = hete_pick.reshape(-1)
    mask = (pick[:, None] == jnp.arange(N_NETS)[None, :]).astype(jnp.float32)  # [N, E]
    # per-expert actor MLP over tokens; routed selection via mask (top-1 dispatch)
    h = jax.nn.relu(jnp.einsum('nd,edh->enh', xf, W1) + b1[:, None, :])
    logits_e = jnp.einsum('enh,eha->ena', h, W2) + b2[:, None, :]
    logits = jnp.einsum('ne,ena->na', mask, logits_e)
    logits = logits.reshape(n_thread, n_agents, N_ACTION)
    # central critic estimate_state (replaces 'vph' in actor result)
    hc = jax.nn.relu(xf @ Wc1 + bc1)
    value = (hc @ Wc2 + bc2).reshape(n_thread, n_agents, 1)
    return logits, value

if __name__ == "__main__":
    import jax
    _d = setup_inputs()
    print(jax.jit(kernel)(*tuple(_d.values())))

</pallas_src>

<mosaic_0001>
#map = affine_map<(d0, d1) -> (0)>
#map1 = affine_map<(d0, d1) -> (0, 0)>
module attributes {stable_mosaic.version = 14 : i64} {
  func.func @_route_body(%arg0: i32, %arg1: i32, %arg2: memref<2048xi32, #tpu.memory_space<hbm>>, %arg3: memref<2048xi32, #tpu.memory_space<hbm>>, %arg4: memref<512xi32, #tpu.memory_space<hbm>>, %arg5: memref<2048x512xf32, #tpu.memory_space<hbm>>, %arg6: memref<2048x512xf32, #tpu.memory_space<hbm>>, %arg7: memref<2048x128xf32, #tpu.memory_space<hbm>>, %arg8: memref<2048xi32, #tpu.memory_space<hbm>>, %arg9: memref<16xi32, #tpu.memory_space<hbm>>, %arg10: memref<2048xi32, #tpu.memory_space<vmem>>, %arg11: memref<64xi32, #tpu.memory_space<vmem>>, %arg12: memref<16xi32, #tpu.memory_space<vmem>>, %arg13: memref<64xi32, #tpu.memory_space<vmem>>, %arg14: memref<64x512xf32, #tpu.memory_space<vmem>>, %arg15: memref<64x128xf32, #tpu.memory_space<vmem>>, %arg16: memref<16xi32, #tpu.memory_space<vmem>>, %arg17: memref<!tpu.dma_semaphore, #tpu.memory_space<semaphore_mem>>, %arg18: memref<!tpu.dma_semaphore, #tpu.memory_space<semaphore_mem>>, %arg19: memref<!tpu.dma_semaphore, #tpu.memory_space<semaphore_mem>>) attributes {dimension_semantics = [#tpu.dimension_semantics<core_parallel>, #tpu.dimension_semantics<subcore_parallel>], iteration_bounds = array<i64: 2, 16>, scalar_prefetch = 0 : i64, scratch_operands = 10 : i64, tpu.core_type = #tpu.core_type<sc_vector_subcore>, window_params = [{transform_indices = #map}, {transform_indices = #map}, {transform_indices = #map}, {transform_indices = #map1}, {transform_indices = #map1}, {transform_indices = #map1}, {transform_indices = #map}, {transform_indices = #map}]} {
    %mul3A = arith.constant 2 : i32
    %mul3A_0 = arith.muli %arg1, %mul3A : i32
    %add3A = arith.addi %mul3A_0, %arg0 : i32
    %mul3A_1 = arith.constant 64 : i32
    %mul3A_2 = arith.muli %add3A, %mul3A_1 : i32
    tpu.enqueue_dma source(%arg2 : memref<2048xi32, #tpu.memory_space<hbm>>) target(%arg10 : memref<2048xi32, #tpu.memory_space<vmem>>) target_semaphore(%arg17 : memref<!tpu.dma_semaphore, #tpu.memory_space<semaphore_mem>>)
    %dma_start3A = tpu.memref_slice %arg3[%mul3A_2] : memref<2048xi32, #tpu.memory_space<hbm>> -> memref<64xi32, #tpu.memory_space<hbm>>
    %dma_start3A_3 = tpu.memref_slice %arg3[%mul3A_2] : memref<2048xi32, #tpu.memory_space<hbm>> -> memref<64xi32, #tpu.memory_space<hbm>>
    tpu.enqueue_dma source(%dma_start3A_3 : memref<64xi32, #tpu.memory_space<hbm>>) target(%arg11 : memref<64xi32, #tpu.memory_space<vmem>>) target_semaphore(%arg19 : memref<!tpu.dma_semaphore, #tpu.memory_space<semaphore_mem>>)
    %mul3A_4 = arith.constant 16 : i32
    %mul3A_5 = arith.muli %add3A, %mul3A_4 : i32
    %dma_start3A_6 = tpu.memref_slice %arg4[%mul3A_5] : memref<512xi32, #tpu.memory_space<hbm>> -> memref<16xi32, #tpu.memory_space<hbm>>
    %dma_start3A_7 = tpu.memref_slice %arg4[%mul3A_5] : memref<512xi32, #tpu.memory_space<hbm>> -> memref<16xi32, #tpu.memory_space<hbm>>
    tpu.enqueue_dma source(%dma_start3A_7 : memref<16xi32, #tpu.memory_space<hbm>>) target(%arg12 : memref<16xi32, #tpu.memory_space<vmem>>) target_semaphore(%arg19 : memref<!tpu.dma_semaphore, #tpu.memory_space<semaphore_mem>>)
    %dma_start3A_8 = arith.constant 0 : i32
    %dma_start3A_9 = tpu.memref_slice %arg5[%mul3A_2, %dma_start3A_8] : memref<2048x512xf32, #tpu.memory_space<hbm>> -> memref<64x512xf32, #tpu.memory_space<hbm>>
    %dma_start3A_10 = arith.constant 0 : i32
    %dma_start3A_11 = tpu.memref_slice %arg5[%mul3A_2, %dma_start3A_10] : memref<2048x512xf32, #tpu.memory_space<hbm>> -> memref<64x512xf32, #tpu.memory_space<hbm>>
    tpu.enqueue_dma source(%dma_start3A_11 : memref<64x512xf32, #tpu.memory_space<hbm>>) target(%arg14 : memref<64x512xf32, #tpu.memory_space<vmem>>) target_semaphore(%arg18 : memref<!tpu.dma_semaphore, #tpu.memory_space<semaphore_mem>>)
    tpu.wait_dma2 semaphore(%arg17 : memref<!tpu.dma_semaphore, #tpu.memory_space<semaphore_mem>>) src(%arg2 : memref<2048xi32, #tpu.memory_space<hbm>>) dst(%arg10 : memref<2048xi32, #tpu.memory_space<vmem>>)
    %iota3A = tpu.iota {dimensions = array<i32: 0>} : vector<16xi32>
    %mul3A_12 = arith.constant 4 : i32
    %mul3A_13 = arith.muli %add3A, %mul3A_12 : i32
    %broadcast_in_dim3A = arith.constant 0 : i32
    %broadcast_in_dim3A_14 = vector.broadcast %broadcast_in_dim3A : i32 to vector<16xi32>
    %broadcast_in_dim3A_15 = arith.constant 0 : i32
    %broadcast_in_dim3A_16 = vector.broadcast %broadcast_in_dim3A_15 : i32 to vector<16xi32>
    %scan3A = arith.constant 0 : i32
    %scan3A_17 = arith.constant 128 : i32
    %scan3A_18 = arith.addi %scan3A, %scan3A_17 : i32
    %scan3A_19 = arith.constant 1 : i32
    %scan3A_20:2 = scf.for %scan3A_1692 = %scan3A to %scan3A_18 step %scan3A_19 iter_args(%scan3A_1693 = %broadcast_in_dim3A_14, %scan3A_1694 = %broadcast_in_dim3A_16) -> (vector<16xi32>, vector<16xi32>)  : i32 {
      %mul3A_1695 = arith.constant 16 : i32
      %mul3A_1696 = arith.muli %scan3A_1692, %mul3A_1695 : i32
      %get3A_1697 = arith.index_cast %mul3A_1696 : i32 to index
      %get3A_1698 = tpu.vector_load %arg10[%get3A_1697] {strides = array<i32>} : memref<2048xi32, #tpu.memory_space<vmem>>, vector<16xi32>,
      %broadcast_in_dim3A_1699 = arith.constant 0 : i32
      %broadcast_in_dim3A_1700 = vector.broadcast %broadcast_in_dim3A_1699 : i32 to vector<16xi32>
      %eq3A_1701 = arith.constant 0 : i32
      %eq3A_1702 = vector.broadcast %eq3A_1701 : i32 to vector<16xi32>
      %eq3A_1703 = arith.cmpi eq, %get3A_1698, %eq3A_1702 : vector<16xi32>
      %all_reduce_population_count3A_1704 = tpu.all_reduce %eq3A_1703 {dim = 0 : i64, kind = #tpu.reduction_kind<sum>} : vector<16xi1> -> vector<16xi32>
      %eq3A_1705 = arith.constant 0 : i32
      %eq3A_1706 = vector.broadcast %eq3A_1705 : i32 to vector<16xi32>
      %eq3A_1707 = arith.cmpi eq, %iota3A, %eq3A_1706 : vector<16xi32>
      %jit3A_1708 = arith.constant 0 : i32
      %broadcast_in_dim3A_1709 = vector.broadcast %jit3A_1708 : i32 to vector<16xi32>
      %select_n3A_1710 = arith.select %eq3A_1707, %all_reduce_population_count3A_1704, %broadcast_in_dim3A_1709 : vector<16xi1>, vector<16xi32>
      %add3A_1711 = arith.addi %broadcast_in_dim3A_1700, %select_n3A_1710 : vector<16xi32>
      %eq3A_1712 = arith.constant 1 : i32
      %eq3A_1713 = vector.broadcast %eq3A_1712 : i32 to vector<16xi32>
      %eq3A_1714 = arith.cmpi eq, %get3A_1698, %eq3A_1713 : vector<16xi32>
      %all_reduce_population_count3A_1715 = tpu.all_reduce %eq3A_1714 {dim = 0 : i64, kind = #tpu.reduction_kind<sum>} : vector<16xi1> -> vector<16xi32>
      %eq3A_1716 = arith.constant 1 : i32
      %eq3A_1717 = vector.broadcast %eq3A_1716 : i32 to vector<16xi32>
      %eq3A_1718 = arith.cmpi eq, %iota3A, %eq3A_1717 : vector<16xi32>
      %jit3A_1719 = arith.constant 0 : i32
      %broadcast_in_dim3A_1720 = vector.broadcast %jit3A_1719 : i32 to vector<16xi32>
      %select_n3A_1721 = arith.select %eq3A_1718, %all_reduce_population_count3A_1715, %broadcast_in_dim3A_1720 : vector<16xi1>, vector<16xi32>
      %add3A_1722 = arith.addi %add3A_1711, %select_n3A_1721 : vector<16xi32>
      %eq3A_1723 = arith.constant 2 : i32
      %eq3A_1724 = vector.broadcast %eq3A_1723 : i32 to vector<16xi32>
      %eq3A_1725 = arith.cmpi eq, %get3A_1698, %eq3A_1724 : vector<16xi32>
      %all_reduce_population_count3A_1726 = tpu.all_reduce %eq3A_1725 {dim = 0 : i64, kind = #tpu.reduction_kind<sum>} : vector<16xi1> -> vector<16xi32>
      %eq3A_1727 = arith.constant 2 : i32
      %eq3A_1728 = vector.broadcast %eq3A_1727 : i32 to vector<16xi32>
      %eq3A_1729 = arith.cmpi eq, %iota3A, %eq3A_1728 : vector<16xi32>
      %jit3A_1730 = arith.constant 0 : i32
      %broadcast_in_dim3A_1731 = vector.broadcast %jit3A_1730 : i32 to vector<16xi32>
      %select_n3A_1732 = arith.select %eq3A_1729, %all_reduce_population_count3A_1726, %broadcast_in_dim3A_1731 : vector<16xi1>, vector<16xi32>
      %add3A_1733 = arith.addi %add3A_1722, %select_n3A_1732 : vector<16xi32>
      %eq3A_1734 = arith.constant 3 : i32
      %eq3A_1735 = vector.broadcast %eq3A_1734 : i32 to vector<16xi32>
      %eq3A_1736 = arith.cmpi eq, %get3A_1698, %eq3A_1735 : vector<16xi32>
      %all_reduce_population_count3A_1737 = tpu.all_reduce %eq3A_1736 {dim = 0 : i64, kind = #tpu.reduction_kind<sum>} : vector<16xi1> -> vector<16xi32>
      %eq3A_1738 = arith.constant 3 : i32
      %eq3A_1739 = vector.broadcast %eq3A_1738 : i32 to vector<16xi32>
      %eq3A_1740 = arith.cmpi eq, %iota3A, %eq3A_1739 : vector<16xi32>
      %jit3A_1741 = arith.constant 0 : i32
      %broadcast_in_dim3A_1742 = vector.broadcast %jit3A_1741 : i32 to vector<16xi32>
      %select_n3A_1743 = arith.select %eq3A_1740, %all_reduce_population_count3A_1737, %broadcast_in_dim3A_1742 : vector<16xi1>, vector<16xi32>
      %add3A_1744 = arith.addi %add3A_1733, %select_n3A_1743 : vector<16xi32>
      %eq3A_1745 = arith.constant 4 : i32
      %eq3A_1746 = vector.broadcast %eq3A_1745 : i32 to vector<16xi32>
      %eq3A_1747 = arith.cmpi eq, %get3A_1698, %eq3A_1746 : vector<16xi32>
      %all_reduce_population_count3A_1748 = tpu.all_reduce %eq3A_1747 {dim = 0 : i64, kind = #tpu.reduction_kind<sum>} : vector<16xi1> -> vector<16xi32>
      %eq3A_1749 = arith.constant 4 : i32
      %eq3A_1750 = vector.broadcast %eq3A_1749 : i32 to vector<16xi32>
      %eq3A_1751 = arith.cmpi eq, %iota3A, %eq3A_1750 : vector<16xi32>
      %jit3A_1752 = arith.constant 0 : i32
      %broadcast_in_dim3A_1753 = vector.broadcast %jit3A_1752 : i32 to vector<16xi32>
      %select_n3A_1754 = arith.select %eq3A_1751, %all_reduce_population_count3A_1748, %broadcast_in_dim3A_1753 : vector<16xi1>, vector<16xi32>
      %add3A_1755 = arith.addi %add3A_1744, %select_n3A_1754 : vector<16xi32>
      %eq3A_1756 = arith.constant 5 : i32
      %eq3A_1757 = vector.broadcast %eq3A_1756 : i32 to vector<16xi32>
      %eq3A_1758 = arith.cmpi eq, %get3A_1698, %eq3A_1757 : vector<16xi32>
      %all_reduce_population_count3A_1759 = tpu.all_reduce %eq3A_1758 {dim = 0 : i64, kind = #tpu.reduction_kind<sum>} : vector<16xi1> -> vector<16xi32>
      %eq3A_1760 = arith.constant 5 : i32
      %eq3A_1761 = vector.broadcast %eq3A_1760 : i32 to vector<16xi32>
      %eq3A_1762 = arith.cmpi eq, %iota3A, %eq3A_1761 : vector<16xi32>
      %jit3A_1763 = arith.constant 0 : i32
      %broadcast_in_dim3A_1764 = vector.broadcast %jit3A_1763 : i32 to vector<16xi32>
      %select_n3A_1765 = arith.select %eq3A_1762, %all_reduce_population_count3A_1759, %broadcast_in_dim3A_1764 : vector<16xi1>, vector<16xi32>
      %add3A_1766 = arith.addi %add3A_1755, %select_n3A_1765 : vector<16xi32>
      %eq3A_1767 = arith.constant 6 : i32
      %eq3A_1768 = vector.broadcast %eq3A_1767 : i32 to vector<16xi32>
      %eq3A_1769 = arith.cmpi eq, %get3A_1698, %eq3A_1768 : vector<16xi32>
      %all_reduce_population_count3A_1770 = tpu.all_reduce %eq3A_1769 {dim = 0 : i64, kind = #tpu.reduction_kind<sum>} : vector<16xi1> -> vector<16xi32>
      %eq3A_1771 = arith.constant 6 : i32
      %eq3A_1772 = vector.broadcast %eq3A_1771 : i32 to vector<16xi32>
      %eq3A_1773 = arith.cmpi eq, %iota3A, %eq3A_1772 : vector<16xi32>
      %jit3A_1774 = arith.constant 0 : i32
      %broadcast_in_dim3A_1775 = vector.broadcast %jit3A_1774 : i32 to vector<16xi32>
      %select_n3A_1776 = arith.select %eq3A_1773, %all_reduce_population_count3A_1770, %broadcast_in_dim3A_1775 : vector<16xi1>, vector<16xi32>
      %add3A_1777 = arith.addi %add3A_1766, %select_n3A_1776 : vector<16xi32>
      %eq3A_1778 = arith.constant 7 : i32
      %eq3A_1779 = vector.broadcast %eq3A_1778 : i32 to vector<16xi32>
      %eq3A_1780 = arith.cmpi eq, %get3A_1698, %eq3A_1779 : vector<16xi32>
      %all_reduce_population_count3A_1781 = tpu.all_reduce %eq3A_1780 {dim = 0 : i64, kind = #tpu.reduction_kind<sum>} : vector<16xi1> -> vector<16xi32>
      %eq3A_1782 = arith.constant 7 : i32
      %eq3A_1783 = vector.broadcast %eq3A_1782 : i32 to vector<16xi32>
      %eq3A_1784 = arith.cmpi eq, %iota3A, %eq3A_1783 : vector<16xi32>
      %jit3A_1785 = arith.constant 0 : i32
      %broadcast_in_dim3A_1786 = vector.broadcast %jit3A_1785 : i32 to vector<16xi32>
      %select_n3A_1787 = arith.select %eq3A_1784, %all_reduce_population_count3A_1781, %broadcast_in_dim3A_1786 : vector<16xi1>, vector<16xi32>
      %add3A_1788 = arith.addi %add3A_1777, %select_n3A_1787 : vector<16xi32>
      %add3A_1789 = arith.addi %scan3A_1693, %add3A_1788 : vector<16xi32>
      %lt3A = arith.cmpi slt, %scan3A_1692, %mul3A_13 : i32
      %jit3A_1790 = arith.constant 0 : i32
      %broadcast_in_dim3A_1791 = vector.broadcast %jit3A_1790 : i32 to vector<16xi32>
      %select_n3A_1792 = arith.select %lt3A, %add3A_1788, %broadcast_in_dim3A_1791 : vector<16xi32>
      %add3A_1793 = arith.addi %scan3A_1694, %select_n3A_1792 : vector<16xi32>
      scf.yield %add3A_1789, %add3A_1793 : vector<16xi32>, vector<16xi32>
    }
    %scan3A_21 = arith.constant 128 : i32
    %broadcast_in_dim3A_22 = arith.constant true
    %broadcast_in_dim3A_23 = vector.broadcast %broadcast_in_dim3A_22 : i1 to vector<16xi1>
    %masked_cumsum3A = tpu.scan <sum>, %scan3A_20#0 masked %broadcast_in_dim3A_23 : vector<16xi32>, vector<16xi1> -> vector<16xi32>
    %sub3A = arith.subi %masked_cumsum3A, %scan3A_20#0 : vector<16xi32>
    %eq3A = arith.constant 0 : i32
    %eq3A_24 = arith.cmpi eq, %add3A, %eq3A : i32
    %convert_element_type3A = arith.extui %eq3A_24 : i1 to i32
    %cond3A = arith.constant 0 : i32
    %cond3A_25 = arith.cmpi ne, %convert_element_type3A, %cond3A : i32
    scf.if %cond3A_25 {
      %swap3A_1692 = arith.constant 0 : index
      %swap3A_1693 = tpu.vector_load %arg16[%swap3A_1692] {strides = array<i32>} : memref<16xi32, #tpu.memory_space<vmem>>, vector<16xi32>,
      tpu.vector_store %arg16[%swap3A_1692], %sub3A {strides = array<i32>} : memref<16xi32, #tpu.memory_space<vmem>>, vector<16xi32>,
      "tpu.region"() ({
        %run_scoped3A = tpu.sem_alloc : memref<!tpu.dma_semaphore, #tpu.memory_space<semaphore_mem>>
        tpu.enqueue_dma source(%arg16 : memref<16xi32, #tpu.memory_space<vmem>>) target(%arg9 : memref<16xi32, #tpu.memory_space<hbm>>) target_semaphore(%run_scoped3A : memref<!tpu.dma_semaphore, #tpu.memory_space<semaphore_mem>>)
        tpu.wait_dma2 semaphore(%run_scoped3A : memref<!tpu.dma_semaphore, #tpu.memory_space<semaphore_mem>>) src(%arg16 : memref<16xi32, #tpu.memory_space<vmem>>) dst(%arg9 : memref<16xi32, #tpu.memory_space<hbm>>)
        tpu.yield
      }) : () -> ()
    } else {
    }
    %add3A_26 = arith.addi %sub3A, %scan3A_20#1 : vector<16xi32>
    %add3A_27 = arith.constant 0 : i32
    %add3A_28 = arith.addi %mul3A_2, %add3A_27 : i32
    %get3A = arith.index_cast %add3A_28 : i32 to index
    %get3A_29 = tpu.vector_load %arg10[%get3A] {strides = array<i32>} : memref<2048xi32, #tpu.memory_space<vmem>>, vector<16xi32>,
    %broadcast_in_dim3A_30 = arith.constant 0 : i32
    %broadcast_in_dim3A_31 = vector.broadcast %broadcast_in_dim3A_30 : i32 to vector<16xi32>
    %broadcast_in_dim3A_32 = arith.constant 0 : i32
    %broadcast_in_dim3A_33 = vector.broadcast %broadcast_in_dim3A_32 : i32 to vector<16xi32>
    %eq3A_34 = arith.constant 0 : i32
    %eq3A_35 = vector.broadcast %eq3A_34 : i32 to vector<16xi32>
    %eq3A_36 = arith.cmpi eq, %get3A_29, %eq3A_35 : vector<16xi32>
    %convert_element_type3A_37 = arith.extui %eq3A_36 : vector<16xi1> to vector<16xi32>
    %broadcast_in_dim3A_38 = arith.constant true
    %broadcast_in_dim3A_39 = vector.broadcast %broadcast_in_dim3A_38 : i1 to vector<16xi1>
    %masked_cumsum3A_40 = tpu.scan <sum>, %convert_element_type3A_37 masked %broadcast_in_dim3A_39 : vector<16xi32>, vector<16xi1> -> vector<16xi32>
    %eq3A_41 = arith.constant 0 : i32
    %eq3A_42 = vector.broadcast %eq3A_41 : i32 to vector<16xi32>
    %eq3A_43 = arith.cmpi eq, %iota3A, %eq3A_42 : vector<16xi32>
    %jit3A = arith.constant 0 : i32
    %broadcast_in_dim3A_44 = vector.broadcast %jit3A : i32 to vector<16xi32>
    %select_n3A = arith.select %eq3A_43, %add3A_26, %broadcast_in_dim3A_44 : vector<16xi1>, vector<16xi32>
    %reduce_sum3A = arith.constant true
    %reduce_sum3A_45 = vector.broadcast %reduce_sum3A : i1 to vector<16xi1>
    %reduce_sum3A_46 = tpu.scan <sum>, %select_n3A masked %reduce_sum3A_45 : vector<16xi32>, vector<16xi1> -> vector<16xi32>
    %reduce_sum3A_47 = vector.extract %reduce_sum3A_46[15] : i32 from vector<16xi32>
    %add3A_48 = vector.broadcast %reduce_sum3A_47 : i32 to vector<16xi32>
    %add3A_49 = arith.addi %add3A_48, %masked_cumsum3A_40 : vector<16xi32>
    %sub3A_50 = arith.constant 1 : i32
    %sub3A_51 = vector.broadcast %sub3A_50 : i32 to vector<16xi32>
    %sub3A_52 = arith.subi %add3A_49, %sub3A_51 : vector<16xi32>
    %select_n3A_53 = arith.select %eq3A_36, %sub3A_52, %broadcast_in_dim3A_31 : vector<16xi1>, vector<16xi32>
    %all_reduce_population_count3A = tpu.all_reduce %eq3A_36 {dim = 0 : i64, kind = #tpu.reduction_kind<sum>} : vector<16xi1> -> vector<16xi32>
    %eq3A_54 = arith.constant 0 : i32
    %eq3A_55 = vector.broadcast %eq3A_54 : i32 to vector<16xi32>
    %eq3A_56 = arith.cmpi eq, %iota3A, %eq3A_55 : vector<16xi32>
    %jit3A_57 = arith.constant 0 : i32
    %broadcast_in_dim3A_58 = vector.broadcast %jit3A_57 : i32 to vector<16xi32>
    %select_n3A_59 = arith.select %eq3A_56, %all_reduce_population_count3A, %broadcast_in_dim3A_58 : vector<16xi1>, vector<16xi32>
    %add3A_60 = arith.addi %broadcast_in_dim3A_33, %select_n3A_59 : vector<16xi32>
    %eq3A_61 = arith.constant 1 : i32
    %eq3A_62 = vector.broadcast %eq3A_61 : i32 to vector<16xi32>
    %eq3A_63 = arith.cmpi eq, %get3A_29, %eq3A_62 : vector<16xi32>
    %convert_element_type3A_64 = arith.extui %eq3A_63 : vector<16xi1> to vector<16xi32>
    %broadcast_in_dim3A_65 = arith.constant true
    %broadcast_in_dim3A_66 = vector.broadcast %broadcast_in_dim3A_65 : i1 to vector<16xi1>
    %masked_cumsum3A_67 = tpu.scan <sum>, %convert_element_type3A_64 masked %broadcast_in_dim3A_66 : vector<16xi32>, vector<16xi1> -> vector<16xi32>
    %eq3A_68 = arith.constant 1 : i32
    %eq3A_69 = vector.broadcast %eq3A_68 : i32 to vector<16xi32>
    %eq3A_70 = arith.cmpi eq, %iota3A, %eq3A_69 : vector<16xi32>
    %jit3A_71 = arith.constant 0 : i32
    %broadcast_in_dim3A_72 = vector.broadcast %jit3A_71 : i32 to vector<16xi32>
    %select_n3A_73 = arith.select %eq3A_70, %add3A_26, %broadcast_in_dim3A_72 : vector<16xi1>, vector<16xi32>
    %reduce_sum3A_74 = arith.constant true
    %reduce_sum3A_75 = vector.broadcast %reduce_sum3A_74 : i1 to vector<16xi1>
    %reduce_sum3A_76 = tpu.scan <sum>, %select_n3A_73 masked %reduce_sum3A_75 : vector<16xi32>, vector<16xi1> -> vector<16xi32>
    %reduce_sum3A_77 = vector.extract %reduce_sum3A_76[15] : i32 from vector<16xi32>
    %add3A_78 = vector.broadcast %reduce_sum3A_77 : i32 to vector<16xi32>
    %add3A_79 = arith.addi %add3A_78, %masked_cumsum3A_67 : vector<16xi32>
    %sub3A_80 = arith.constant 1 : i32
    %sub3A_81 = vector.broadcast %sub3A_80 : i32 to vector<16xi32>
    %sub3A_82 = arith.subi %add3A_79, %sub3A_81 : vector<16xi32>
    %select_n3A_83 = arith.select %eq3A_63, %sub3A_82, %select_n3A_53 : vector<16xi1>, vector<16xi32>
    %all_reduce_population_count3A_84 = tpu.all_reduce %eq3A_63 {dim = 0 : i64, kind = #tpu.reduction_kind<sum>} : vector<16xi1> -> vector<16xi32>
    %eq3A_85 = arith.constant 1 : i32
    %eq3A_86 = vector.broadcast %eq3A_85 : i32 to vector<16xi32>
    %eq3A_87 = arith.cmpi eq, %iota3A, %eq3A_86 : vector<16xi32>
    %jit3A_88 = arith.constant 0 : i32
    %broadcast_in_dim3A_89 = vector.broadcast %jit3A_88 : i32 to vector<16xi32>
    %select_n3A_90 = arith.select %eq3A_87, %all_reduce_population_count3A_84, %broadcast_in_dim3A_89 : vector<16xi1>, vector<16xi32>
    %add3A_91 = arith.addi %add3A_60, %select_n3A_90 : vector<16xi32>
    %eq3A_92 = arith.constant 2 : i32
    %eq3A_93 = vector.broadcast %eq3A_92 : i32 to vector<16xi32>
    %eq3A_94 = arith.cmpi eq, %get3A_29, %eq3A_93 : vector<16xi32>
    %convert_element_type3A_95 = arith.extui %eq3A_94 : vector<16xi1> to vector<16xi32>
    %broadcast_in_dim3A_96 = arith.constant true
    %broadcast_in_dim3A_97 = vector.broadcast %broadcast_in_dim3A_96 : i1 to vector<16xi1>
    %masked_cumsum3A_98 = tpu.scan <sum>, %convert_element_type3A_95 masked %broadcast_in_dim3A_97 : vector<16xi32>, vector<16xi1> -> vector<16xi32>
    %eq3A_99 = arith.constant 2 : i32
    %eq3A_100 = vector.broadcast %eq3A_99 : i32 to vector<16xi32>
    %eq3A_101 = arith.cmpi eq, %iota3A, %eq3A_100 : vector<16xi32>
    %jit3A_102 = arith.constant 0 : i32
    %broadcast_in_dim3A_103 = vector.broadcast %jit3A_102 : i32 to vector<16xi32>
    %select_n3A_104 = arith.select %eq3A_101, %add3A_26, %broadcast_in_dim3A_103 : vector<16xi1>, vector<16xi32>
    %reduce_sum3A_105 = arith.constant true
    %reduce_sum3A_106 = vector.broadcast %reduce_sum3A_105 : i1 to vector<16xi1>
    %reduce_sum3A_107 = tpu.scan <sum>, %select_n3A_104 masked %reduce_sum3A_106 : vector<16xi32>, vector<16xi1> -> vector<16xi32>
    %reduce_sum3A_108 = vector.extract %reduce_sum3A_107[15] : i32 from vector<16xi32>
    %add3A_109 = vector.broadcast %reduce_sum3A_108 : i32 to vector<16xi32>
    %add3A_110 = arith.addi %add3A_109, %masked_cumsum3A_98 : vector<16xi32>
    %sub3A_111 = arith.constant 1 : i32
    %sub3A_112 = vector.broadcast %sub3A_111 : i32 to vector<16xi32>
    %sub3A_113 = arith.subi %add3A_110, %sub3A_112 : vector<16xi32>
    %select_n3A_114 = arith.select %eq3A_94, %sub3A_113, %select_n3A_83 : vector<16xi1>, vector<16xi32>
    %all_reduce_population_count3A_115 = tpu.all_reduce %eq3A_94 {dim = 0 : i64, kind = #tpu.reduction_kind<sum>} : vector<16xi1> -> vector<16xi32>
    %eq3A_116 = arith.constant 2 : i32
    %eq3A_117 = vector.broadcast %eq3A_116 : i32 to vector<16xi32>
    %eq3A_118 = arith.cmpi eq, %iota3A, %eq3A_117 : vector<16xi32>
    %jit3A_119 = arith.constant 0 : i32
    %broadcast_in_dim3A_120 = vector.broadcast %jit3A_119 : i32 to vector<16xi32>
    %select_n3A_121 = arith.select %eq3A_118, %all_reduce_population_count3A_115, %broadcast_in_dim3A_120 : vector<16xi1>, vector<16xi32>
    %add3A_122 = arith.addi %add3A_91, %select_n3A_121 : vector<16xi32>
    %eq3A_123 = arith.constant 3 : i32
    %eq3A_124 = vector.broadcast %eq3A_123 : i32 to vector<16xi32>
    %eq3A_125 = arith.cmpi eq, %get3A_29, %eq3A_124 : vector<16xi32>
    %convert_element_type3A_126 = arith.extui %eq3A_125 : vector<16xi1> to vector<16xi32>
    %broadcast_in_dim3A_127 = arith.constant true
    %broadcast_in_dim3A_128 = vector.broadcast %broadcast_in_dim3A_127 : i1 to vector<16xi1>
    %masked_cumsum3A_129 = tpu.scan <sum>, %convert_element_type3A_126 masked %broadcast_in_dim3A_128 : vector<16xi32>, vector<16xi1> -> vector<16xi32>
    %eq3A_130 = arith.constant 3 : i32
    %eq3A_131 = vector.broadcast %eq3A_130 : i32 to vector<16xi32>
    %eq3A_132 = arith.cmpi eq, %iota3A, %eq3A_131 : vector<16xi32>
    %jit3A_133 = arith.constant 0 : i32
    %broadcast_in_dim3A_134 = vector.broadcast %jit3A_133 : i32 to vector<16xi32>
    %select_n3A_135 = arith.select %eq3A_132, %add3A_26, %broadcast_in_dim3A_134 : vector<16xi1>, vector<16xi32>
    %reduce_sum3A_136 = arith.constant true
    %reduce_sum3A_137 = vector.broadcast %reduce_sum3A_136 : i1 to vector<16xi1>
    %reduce_sum3A_138 = tpu.scan <sum>, %select_n3A_135 masked %reduce_sum3A_137 : vector<16xi32>, vector<16xi1> -> vector<16xi32>
    %reduce_sum3A_139 = vector.extract %reduce_sum3A_138[15] : i32 from vector<16xi32>
    %add3A_140 = vector.broadcast %reduce_sum3A_139 : i32 to vector<16xi32>
    %add3A_141 = arith.addi %add3A_140, %masked_cumsum3A_129 : vector<16xi32>
    %sub3A_142 = arith.constant 1 : i32
    %sub3A_143 = vector.broadcast %sub3A_142 : i32 to vector<16xi32>
    %sub3A_144 = arith.subi %add3A_141, %sub3A_143 : vector<16xi32>
    %select_n3A_145 = arith.select %eq3A_125, %sub3A_144, %select_n3A_114 : vector<16xi1>, vector<16xi32>
    %all_reduce_population_count3A_146 = tpu.all_reduce %eq3A_125 {dim = 0 : i64, kind = #tpu.reduction_kind<sum>} : vector<16xi1> -> vector<16xi32>
    %eq3A_147 = arith.constant 3 : i32
    %eq3A_148 = vector.broadcast %eq3A_147 : i32 to vector<16xi32>
    %eq3A_149 = arith.cmpi eq, %iota3A, %eq3A_148 : vector<16xi32>
    %jit3A_150 = arith.constant 0 : i32
    %broadcast_in_dim3A_151 = vector.broadcast %jit3A_150 : i32 to vector<16xi32>
    %select_n3A_152 = arith.select %eq3A_149, %all_reduce_population_count3A_146, %broadcast_in_dim3A_151 : vector<16xi1>, vector<16xi32>
    %add3A_153 = arith.addi %add3A_122, %select_n3A_152 : vector<16xi32>
    %eq3A_154 = arith.constant 4 : i32
    %eq3A_155 = vector.broadcast %eq3A_154 : i32 to vector<16xi32>
    %eq3A_156 = arith.cmpi eq, %get3A_29, %eq3A_155 : vector<16xi32>
    %convert_element_type3A_157 = arith.extui %eq3A_156 : vector<16xi1> to vector<16xi32>
    %broadcast_in_dim3A_158 = arith.constant true
    %broadcast_in_dim3A_159 = vector.broadcast %broadcast_in_dim3A_158 : i1 to vector<16xi1>
    %masked_cumsum3A_160 = tpu.scan <sum>, %convert_element_type3A_157 masked %broadcast_in_dim3A_159 : vector<16xi32>, vector<16xi1> -> vector<16xi32>
    %eq3A_161 = arith.constant 4 : i32
    %eq3A_162 = vector.broadcast %eq3A_161 : i32 to vector<16xi32>
    %eq3A_163 = arith.cmpi eq, %iota3A, %eq3A_162 : vector<16xi32>
    %jit3A_164 = arith.constant 0 : i32
    %broadcast_in_dim3A_165 = vector.broadcast %jit3A_164 : i32 to vector<16xi32>
    %select_n3A_166 = arith.select %eq3A_163, %add3A_26, %broadcast_in_dim3A_165 : vector<16xi1>, vector<16xi32>
    %reduce_sum3A_167 = arith.constant true
    %reduce_sum3A_168 = vector.broadcast %reduce_sum3A_167 : i1 to vector<16xi1>
    %reduce_sum3A_169 = tpu.scan <sum>, %select_n3A_166 masked %reduce_sum3A_168 : vector<16xi32>, vector<16xi1> -> vector<16xi32>
    %reduce_sum3A_170 = vector.extract %reduce_sum3A_169[15] : i32 from vector<16xi32>
    %add3A_171 = vector.broadcast %reduce_sum3A_170 : i32 to vector<16xi32>
    %add3A_172 = arith.addi %add3A_171, %masked_cumsum3A_160 : vector<16xi32>
    %sub3A_173 = arith.constant 1 : i32
    %sub3A_174 = vector.broadcast %sub3A_173 : i32 to vector<16xi32>
    %sub3A_175 = arith.subi %add3A_172, %sub3A_174 : vector<16xi32>
    %select_n3A_176 = arith.select %eq3A_156, %sub3A_175, %select_n3A_145 : vector<16xi1>, vector<16xi32>
    %all_reduce_population_count3A_177 = tpu.all_reduce %eq3A_156 {dim = 0 : i64, kind = #tpu.reduction_kind<sum>} : vector<16xi1> -> vector<16xi32>
    %eq3A_178 = arith.constant 4 : i32
    %eq3A_179 = vector.broadcast %eq3A_178 : i32 to vector<16xi32>
    %eq3A_180 = arith.cmpi eq, %iota3A, %eq3A_179 : vector<16xi32>
    %jit3A_181 = arith.constant 0 : i32
    %broadcast_in_dim3A_182 = vector.broadcast %jit3A_181 : i32 to vector<16xi32>
    %select_n3A_183 = arith.select %eq3A_180, %all_reduce_population_count3A_177, %broadcast_in_dim3A_182 : vector<16xi1>, vector<16xi32>
    %add3A_184 = arith.addi %add3A_153, %select_n3A_183 : vector<16xi32>
    %eq3A_185 = arith.constant 5 : i32
    %eq3A_186 = vector.broadcast %eq3A_185 : i32 to vector<16xi32>
    %eq3A_187 = arith.cmpi eq, %get3A_29, %eq3A_186 : vector<16xi32>
    %convert_element_type3A_188 = arith.extui %eq3A_187 : vector<16xi1> to vector<16xi32>
    %broadcast_in_dim3A_189 = arith.constant true
    %broadcast_in_dim3A_190 = vector.broadcast %broadcast_in_dim3A_189 : i1 to vector<16xi1>
    %masked_cumsum3A_191 = tpu.scan <sum>, %convert_element_type3A_188 masked %broadcast_in_dim3A_190 : vector<16xi32>, vector<16xi1> -> vector<16xi32>
    %eq3A_192 = arith.constant 5 : i32
    %eq3A_193 = vector.broadcast %eq3A_192 : i32 to vector<16xi32>
    %eq3A_194 = arith.cmpi eq, %iota3A, %eq3A_193 : vector<16xi32>
    %jit3A_195 = arith.constant 0 : i32
    %broadcast_in_dim3A_196 = vector.broadcast %jit3A_195 : i32 to vector<16xi32>
    %select_n3A_197 = arith.select %eq3A_194, %add3A_26, %broadcast_in_dim3A_196 : vector<16xi1>, vector<16xi32>
    %reduce_sum3A_198 = arith.constant true
    %reduce_sum3A_199 = vector.broadcast %reduce_sum3A_198 : i1 to vector<16xi1>
    %reduce_sum3A_200 = tpu.scan <sum>, %select_n3A_197 masked %reduce_sum3A_199 : vector<16xi32>, vector<16xi1> -> vector<16xi32>
    %reduce_sum3A_201 = vector.extract %reduce_sum3A_200[15] : i32 from vector<16xi32>
    %add3A_202 = vector.broadcast %reduce_sum3A_201 : i32 to vector<16xi32>
    %add3A_203 = arith.addi %add3A_202, %masked_cumsum3A_191 : vector<16xi32>
    %sub3A_204 = arith.constant 1 : i32
    %sub3A_205 = vector.broadcast %sub3A_204 : i32 to vector<16xi32>
    %sub3A_206 = arith.subi %add3A_203, %sub3A_205 : vector<16xi32>
    %select_n3A_207 = arith.select %eq3A_187, %sub3A_206, %select_n3A_176 : vector<16xi1>, vector<16xi32>
    %all_reduce_population_count3A_208 = tpu.all_reduce %eq3A_187 {dim = 0 : i64, kind = #tpu.reduction_kind<sum>} : vector<16xi1> -> vector<16xi32>
    %eq3A_209 = arith.constant 5 : i32
    %eq3A_210 = vector.broadcast %eq3A_209 : i32 to vector<16xi32>
    %eq3A_211 = arith.cmpi eq, %iota3A, %eq3A_210 : vector<16xi32>
    %jit3A_212 = arith.constant 0 : i32
    %broadcast_in_dim3A_213 = vector.broadcast %jit3A_212 : i32 to vector<16xi32>
    %select_n3A_214 = arith.select %eq3A_211, %all_reduce_population_count3A_208, %broadcast_in_dim3A_213 : vector<16xi1>, vector<16xi32>
    %add3A_215 = arith.addi %add3A_184, %select_n3A_214 : vector<16xi32>
    %eq3A_216 = arith.constant 6 : i32
    %eq3A_217 = vector.broadcast %eq3A_216 : i32 to vector<16xi32>
    %eq3A_218 = arith.cmpi eq, %get3A_29, %eq3A_217 : vector<16xi32>
    %convert_element_type3A_219 = arith.extui %eq3A_218 : vector<16xi1> to vector<16xi32>
    %broadcast_in_dim3A_220 = arith.constant true
    %broadcast_in_dim3A_221 = vector.broadcast %broadcast_in_dim3A_220 : i1 to vector<16xi1>
    %masked_cumsum3A_222 = tpu.scan <sum>, %convert_element_type3A_219 masked %broadcast_in_dim3A_221 : vector<16xi32>, vector<16xi1> -> vector<16xi32>
    %eq3A_223 = arith.constant 6 : i32
    %eq3A_224 = vector.broadcast %eq3A_223 : i32 to vector<16xi32>
    %eq3A_225 = arith.cmpi eq, %iota3A, %eq3A_224 : vector<16xi32>
    %jit3A_226 = arith.constant 0 : i32
    %broadcast_in_dim3A_227 = vector.broadcast %jit3A_226 : i32 to vector<16xi32>
    %select_n3A_228 = arith.select %eq3A_225, %add3A_26, %broadcast_in_dim3A_227 : vector<16xi1>, vector<16xi32>
    %reduce_sum3A_229 = arith.constant true
    %reduce_sum3A_230 = vector.broadcast %reduce_sum3A_229 : i1 to vector<16xi1>
    %reduce_sum3A_231 = tpu.scan <sum>, %select_n3A_228 masked %reduce_sum3A_230 : vector<16xi32>, vector<16xi1> -> vector<16xi32>
    %reduce_sum3A_232 = vector.extract %reduce_sum3A_231[15] : i32 from vector<16xi32>
    %add3A_233 = vector.broadcast %reduce_sum3A_232 : i32 to vector<16xi32>
    %add3A_234 = arith.addi %add3A_233, %masked_cumsum3A_222 : vector<16xi32>
    %sub3A_235 = arith.constant 1 : i32
    %sub3A_236 = vector.broadcast %sub3A_235 : i32 to vector<16xi32>
    %sub3A_237 = arith.subi %add3A_234, %sub3A_236 : vector<16xi32>
    %select_n3A_238 = arith.select %eq3A_218, %sub3A_237, %select_n3A_207 : vector<16xi1>, vector<16xi32>
    %all_reduce_population_count3A_239 = tpu.all_reduce %eq3A_218 {dim = 0 : i64, kind = #tpu.reduction_kind<sum>} : vector<16xi1> -> vector<16xi32>
    %eq3A_240 = arith.constant 6 : i32
    %eq3A_241 = vector.broadcast %eq3A_240 : i32 to vector<16xi32>
    %eq3A_242 = arith.cmpi eq, %iota3A, %eq3A_241 : vector<16xi32>
    %jit3A_243 = arith.constant 0 : i32
    %broadcast_in_dim3A_244 = vector.broadcast %jit3A_243 : i32 to vector<16xi32>
    %select_n3A_245 = arith.select %eq3A_242, %all_reduce_population_count3A_239, %broadcast_in_dim3A_244 : vector<16xi1>, vector<16xi32>
    %add3A_246 = arith.addi %add3A_215, %select_n3A_245 : vector<16xi32>
    %eq3A_247 = arith.constant 7 : i32
    %eq3A_248 = vector.broadcast %eq3A_247 : i32 to vector<16xi32>
    %eq3A_249 = arith.cmpi eq, %get3A_29, %eq3A_248 : vector<16xi32>
    %convert_element_type3A_250 = arith.extui %eq3A_249 : vector<16xi1> to vector<16xi32>
    %broadcast_in_dim3A_251 = arith.constant true
    %broadcast_in_dim3A_252 = vector.broadcast %broadcast_in_dim3A_251 : i1 to vector<16xi1>
    %masked_cumsum3A_253 = tpu.scan <sum>, %convert_element_type3A_250 masked %broadcast_in_dim3A_252 : vector<16xi32>, vector<16xi1> -> vector<16xi32>
    %eq3A_254 = arith.constant 7 : i32
    %eq3A_255 = vector.broadcast %eq3A_254 : i32 to vector<16xi32>
    %eq3A_256 = arith.cmpi eq, %iota3A, %eq3A_255 : vector<16xi32>
    %jit3A_257 = arith.constant 0 : i32
    %broadcast_in_dim3A_258 = vector.broadcast %jit3A_257 : i32 to vector<16xi32>
    %select_n3A_259 = arith.select %eq3A_256, %add3A_26, %broadcast_in_dim3A_258 : vector<16xi1>, vector<16xi32>
    %reduce_sum3A_260 = arith.constant true
    %reduce_sum3A_261 = vector.broadcast %reduce_sum3A_260 : i1 to vector<16xi1>
    %reduce_sum3A_262 = tpu.scan <sum>, %select_n3A_259 masked %reduce_sum3A_261 : vector<16xi32>, vector<16xi1> -> vector<16xi32>
    %reduce_sum3A_263 = vector.extract %reduce_sum3A_262[15] : i32 from vector<16xi32>
    %add3A_264 = vector.broadcast %reduce_sum3A_263 : i32 to vector<16xi32>
    %add3A_265 = arith.addi %add3A_264, %masked_cumsum3A_253 : vector<16xi32>
    %sub3A_266 = arith.constant 1 : i32
    %sub3A_267 = vector.broadcast %sub3A_266 : i32 to vector<16xi32>
    %sub3A_268 = arith.subi %add3A_265, %sub3A_267 : vector<16xi32>
    %select_n3A_269 = arith.select %eq3A_249, %sub3A_268, %select_n3A_238 : vector<16xi1>, vector<16xi32>
    %all_reduce_population_count3A_270 = tpu.all_reduce %eq3A_249 {dim = 0 : i64, kind = #tpu.reduction_kind<sum>} : vector<16xi1> -> vector<16xi32>
    %eq3A_271 = arith.constant 7 : i32
    %eq3A_272 = vector.broadcast %eq3A_271 : i32 to vector<16xi32>
    %eq3A_273 = arith.cmpi eq, %iota3A, %eq3A_272 : vector<16xi32>
    %jit3A_274 = arith.constant 0 : i32
    %broadcast_in_dim3A_275 = vector.broadcast %jit3A_274 : i32 to vector<16xi32>
    %select_n3A_276 = arith.select %eq3A_273, %all_reduce_population_count3A_270, %broadcast_in_dim3A_275 : vector<16xi1>, vector<16xi32>
    %add3A_277 = arith.addi %add3A_246, %select_n3A_276 : vector<16xi32>
    %swap3A = arith.constant 0 : index
    %swap3A_278 = tpu.vector_load %arg13[%swap3A] {strides = array<i32>} : memref<64xi32, #tpu.memory_space<vmem>>, vector<16xi32>,
    tpu.vector_store %arg13[%swap3A], %select_n3A_269 {strides = array<i32>} : memref<64xi32, #tpu.memory_space<vmem>>, vector<16xi32>,
    %add3A_279 = arith.addi %add3A_26, %add3A_277 : vector<16xi32>
    %add3A_280 = arith.constant 16 : i32
    %add3A_281 = arith.addi %mul3A_2, %add3A_280 : i32
    %get3A_282 = arith.index_cast %add3A_281 : i32 to index
    %get3A_283 = tpu.vector_load %arg10[%get3A_282] {strides = array<i32>} : memref<2048xi32, #tpu.memory_space<vmem>>, vector<16xi32>,
    %broadcast_in_dim3A_284 = arith.constant 0 : i32
    %broadcast_in_dim3A_285 = vector.broadcast %broadcast_in_dim3A_284 : i32 to vector<16xi32>
    %broadcast_in_dim3A_286 = arith.constant 0 : i32
    %broadcast_in_dim3A_287 = vector.broadcast %broadcast_in_dim3A_286 : i32 to vector<16xi32>
    %eq3A_288 = arith.constant 0 : i32
    %eq3A_289 = vector.broadcast %eq3A_288 : i32 to vector<16xi32>
    %eq3A_290 = arith.cmpi eq, %get3A_283, %eq3A_289 : vector<16xi32>
    %convert_element_type3A_291 = arith.extui %eq3A_290 : vector<16xi1> to vector<16xi32>
    %broadcast_in_dim3A_292 = arith.constant true
    %broadcast_in_dim3A_293 = vector.broadcast %broadcast_in_dim3A_292 : i1 to vector<16xi1>
    %masked_cumsum3A_294 = tpu.scan <sum>, %convert_element_type3A_291 masked %broadcast_in_dim3A_293 : vector<16xi32>, vector<16xi1> -> vector<16xi32>
    %eq3A_295 = arith.constant 0 : i32
    %eq3A_296 = vector.broadcast %eq3A_295 : i32 to vector<16xi32>
    %eq3A_297 = arith.cmpi eq, %iota3A, %eq3A_296 : vector<16xi32>
    %jit3A_298 = arith.constant 0 : i32
    %broadcast_in_dim3A_299 = vector.broadcast %jit3A_298 : i32 to vector<16xi32>
    %select_n3A_300 = arith.select %eq3A_297, %add3A_279, %broadcast_in_dim3A_299 : vector<16xi1>, vector<16xi32>
    %reduce_sum3A_301 = arith.constant true
    %reduce_sum3A_302 = vector.broadcast %reduce_sum3A_301 : i1 to vector<16xi1>
    %reduce_sum3A_303 = tpu.scan <sum>, %select_n3A_300 masked %reduce_sum3A_302 : vector<16xi32>, vector<16xi1> -> vector<16xi32>
    %reduce_sum3A_304 = vector.extract %reduce_sum3A_303[15] : i32 from vector<16xi32>
    %add3A_305 = vector.broadcast %reduce_sum3A_304 : i32 to vector<16xi32>
    %add3A_306 = arith.addi %add3A_305, %masked_cumsum3A_294 : vector<16xi32>
    %sub3A_307 = arith.constant 1 : i32
    %sub3A_308 = vector.broadcast %sub3A_307 : i32 to vector<16xi32>
    %sub3A_309 = arith.subi %add3A_306, %sub3A_308 : vector<16xi32>
    %select_n3A_310 = arith.select %eq3A_290, %sub3A_309, %broadcast_in_dim3A_285 : vector<16xi1>, vector<16xi32>
    %all_reduce_population_count3A_311 = tpu.all_reduce %eq3A_290 {dim = 0 : i64, kind = #tpu.reduction_kind<sum>} : vector<16xi1> -> vector<16xi32>
    %eq3A_312 = arith.constant 0 : i32
    %eq3A_313 = vector.broadcast %eq3A_312 : i32 to vector<16xi32>
    %eq3A_314 = arith.cmpi eq, %iota3A, %eq3A_313 : vector<16xi32>
    %jit3A_315 = arith.constant 0 : i32
    %broadcast_in_dim3A_316 = vector.broadcast %jit3A_315 : i32 to vector<16xi32>
    %select_n3A_317 = arith.select %eq3A_314, %all_reduce_population_count3A_311, %broadcast_in_dim3A_316 : vector<16xi1>, vector<16xi32>
    %add3A_318 = arith.addi %broadcast_in_dim3A_287, %select_n3A_317 : vector<16xi32>
    %eq3A_319 = arith.constant 1 : i32
    %eq3A_320 = vector.broadcast %eq3A_319 : i32 to vector<16xi32>
    %eq3A_321 = arith.cmpi eq, %get3A_283, %eq3A_320 : vector<16xi32>
    %convert_element_type3A_322 = arith.extui %eq3A_321 : vector<16xi1> to vector<16xi32>
    %broadcast_in_dim3A_323 = arith.constant true
    %broadcast_in_dim3A_324 = vector.broadcast %broadcast_in_dim3A_323 : i1 to vector<16xi1>
    %masked_cumsum3A_325 = tpu.scan <sum>, %convert_element_type3A_322 masked %broadcast_in_dim3A_324 : vector<16xi32>, vector<16xi1> -> vector<16xi32>
    %eq3A_326 = arith.constant 1 : i32
    %eq3A_327 = vector.broadcast %eq3A_326 : i32 to vector<16xi32>
    %eq3A_328 = arith.cmpi eq, %iota3A, %eq3A_327 : vector<16xi32>
    %jit3A_329 = arith.constant 0 : i32
    %broadcast_in_dim3A_330 = vector.broadcast %jit3A_329 : i32 to vector<16xi32>
    %select_n3A_331 = arith.select %eq3A_328, %add3A_279, %broadcast_in_dim3A_330 : vector<16xi1>, vector<16xi32>
    %reduce_sum3A_332 = arith.constant true
    %reduce_sum3A_333 = vector.broadcast %reduce_sum3A_332 : i1 to vector<16xi1>
    %reduce_sum3A_334 = tpu.scan <sum>, %select_n3A_331 masked %reduce_sum3A_333 : vector<16xi32>, vector<16xi1> -> vector<16xi32>
    %reduce_sum3A_335 = vector.extract %reduce_sum3A_334[15] : i32 from vector<16xi32>
    %add3A_336 = vector.broadcast %reduce_sum3A_335 : i32 to vector<16xi32>
    %add3A_337 = arith.addi %add3A_336, %masked_cumsum3A_325 : vector<16xi32>
    %sub3A_338 = arith.constant 1 : i32
    %sub3A_339 = vector.broadcast %sub3A_338 : i32 to vector<16xi32>
    %sub3A_340 = arith.subi %add3A_337, %sub3A_339 : vector<16xi32>
    %select_n3A_341 = arith.select %eq3A_321, %sub3A_340, %select_n3A_310 : vector<16xi1>, vector<16xi32>
    %all_reduce_population_count3A_342 = tpu.all_reduce %eq3A_321 {dim = 0 : i64, kind = #tpu.reduction_kind<sum>} : vector<16xi1> -> vector<16xi32>
    %eq3A_343 = arith.constant 1 : i32
    %eq3A_344 = vector.broadcast %eq3A_343 : i32 to vector<16xi32>
    %eq3A_345 = arith.cmpi eq, %iota3A, %eq3A_344 : vector<16xi32>
    %jit3A_346 = arith.constant 0 : i32
    %broadcast_in_dim3A_347 = vector.broadcast %jit3A_346 : i32 to vector<16xi32>
    %select_n3A_348 = arith.select %eq3A_345, %all_reduce_population_count3A_342, %broadcast_in_dim3A_347 : vector<16xi1>, vector<16xi32>
    %add3A_349 = arith.addi %add3A_318, %select_n3A_348 : vector<16xi32>
    %eq3A_350 = arith.constant 2 : i32
    %eq3A_351 = vector.broadcast %eq3A_350 : i32 to vector<16xi32>
    %eq3A_352 = arith.cmpi eq, %get3A_283, %eq3A_351 : vector<16xi32>
    %convert_element_type3A_353 = arith.extui %eq3A_352 : vector<16xi1> to vector<16xi32>
    %broadcast_in_dim3A_354 = arith.constant true
    %broadcast_in_dim3A_355 = vector.broadcast %broadcast_in_dim3A_354 : i1 to vector<16xi1>
    %masked_cumsum3A_356 = tpu.scan <sum>, %convert_element_type3A_353 masked %broadcast_in_dim3A_355 : vector<16xi32>, vector<16xi1> -> vector<16xi32>
    %eq3A_357 = arith.constant 2 : i32
    %eq3A_358 = vector.broadcast %eq3A_357 : i32 to vector<16xi32>
    %eq3A_359 = arith.cmpi eq, %iota3A, %eq3A_358 : vector<16xi32>
    %jit3A_360 = arith.constant 0 : i32
    %broadcast_in_dim3A_361 = vector.broadcast %jit3A_360 : i32 to vector<16xi32>
    %select_n3A_362 = arith.select %eq3A_359, %add3A_279, %broadcast_in_dim3A_361 : vector<16xi1>, vector<16xi32>
    %reduce_sum3A_363 = arith.constant true
    %reduce_sum3A_364 = vector.broadcast %reduce_sum3A_363 : i1 to vector<16xi1>
    %reduce_sum3A_365 = tpu.scan <sum>, %select_n3A_362 masked %reduce_sum3A_364 : vector<16xi32>, vector<16xi1> -> vector<16xi32>
    %reduce_sum3A_366 = vector.extract %reduce_sum3A_365[15] : i32 from vector<16xi32>
    %add3A_367 = vector.broadcast %reduce_sum3A_366 : i32 to vector<16xi32>
    %add3A_368 = arith.addi %add3A_367, %masked_cumsum3A_356 : vector<16xi32>
    %sub3A_369 = arith.constant 1 : i32
    %sub3A_370 = vector.broadcast %sub3A_369 : i32 to vector<16xi32>
    %sub3A_371 = arith.subi %add3A_368, %sub3A_370 : vector<16xi32>
    %select_n3A_372 = arith.select %eq3A_352, %sub3A_371, %select_n3A_341 : vector<16xi1>, vector<16xi32>
    %all_reduce_population_count3A_373 = tpu.all_reduce %eq3A_352 {dim = 0 : i64, kind = #tpu.reduction_kind<sum>} : vector<16xi1> -> vector<16xi32>
    %eq3A_374 = arith.constant 2 : i32
    %eq3A_375 = vector.broadcast %eq3A_374 : i32 to vector<16xi32>
    %eq3A_376 = arith.cmpi eq, %iota3A, %eq3A_375 : vector<16xi32>
    %jit3A_377 = arith.constant 0 : i32
    %broadcast_in_dim3A_378 = vector.broadcast %jit3A_377 : i32 to vector<16xi32>
    %select_n3A_379 = arith.select %eq3A_376, %all_reduce_population_count3A_373, %broadcast_in_dim3A_378 : vector<16xi1>, vector<16xi32>
    %add3A_380 = arith.addi %add3A_349, %select_n3A_379 : vector<16xi32>
    %eq3A_381 = arith.constant 3 : i32
    %eq3A_382 = vector.broadcast %eq3A_381 : i32 to vector<16xi32>
    %eq3A_383 = arith.cmpi eq, %get3A_283, %eq3A_382 : vector<16xi32>
    %convert_element_type3A_384 = arith.extui %eq3A_383 : vector<16xi1> to vector<16xi32>
    %broadcast_in_dim3A_385 = arith.constant true
    %broadcast_in_dim3A_386 = vector.broadcast %broadcast_in_dim3A_385 : i1 to vector<16xi1>
    %masked_cumsum3A_387 = tpu.scan <sum>, %convert_element_type3A_384 masked %broadcast_in_dim3A_386 : vector<16xi32>, vector<16xi1> -> vector<16xi32>
    %eq3A_388 = arith.constant 3 : i32
    %eq3A_389 = vector.broadcast %eq3A_388 : i32 to vector<16xi32>
    %eq3A_390 = arith.cmpi eq, %iota3A, %eq3A_389 : vector<16xi32>
    %jit3A_391 = arith.constant 0 : i32
    %broadcast_in_dim3A_392 = vector.broadcast %jit3A_391 : i32 to vector<16xi32>
    %select_n3A_393 = arith.select %eq3A_390, %add3A_279, %broadcast_in_dim3A_392 : vector<16xi1>, vector<16xi32>
    %reduce_sum3A_394 = arith.constant true
    %reduce_sum3A_395 = vector.broadcast %reduce_sum3A_394 : i1 to vector<16xi1>
    %reduce_sum3A_396 = tpu.scan <sum>, %select_n3A_393 masked %reduce_sum3A_395 : vector<16xi32>, vector<16xi1> -> vector<16xi32>
    %reduce_sum3A_397 = vector.extract %reduce_sum3A_396[15] : i32 from vector<16xi32>
    %add3A_398 = vector.broadcast %reduce_sum3A_397 : i32 to vector<16xi32>
    %add3A_399 = arith.addi %add3A_398, %masked_cumsum3A_387 : vector<16xi32>
    %sub3A_400 = arith.constant 1 : i32
    %sub3A_401 = vector.broadcast %sub3A_400 : i32 to vector<16xi32>
    %sub3A_402 = arith.subi %add3A_399, %sub3A_401 : vector<16xi32>
    %select_n3A_403 = arith.select %eq3A_383, %sub3A_402, %select_n3A_372 : vector<16xi1>, vector<16xi32>
    %all_reduce_population_count3A_404 = tpu.all_reduce %eq3A_383 {dim = 0 : i64, kind = #tpu.reduction_kind<sum>} : vector<16xi1> -> vector<16xi32>
    %eq3A_405 = arith.constant 3 : i32
    %eq3A_406 = vector.broadcast %eq3A_405 : i32 to vector<16xi32>
    %eq3A_407 = arith.cmpi eq, %iota3A, %eq3A_406 : vector<16xi32>
    %jit3A_408 = arith.constant 0 : i32
    %broadcast_in_dim3A_409 = vector.broadcast %jit3A_408 : i32 to vector<16xi32>
    %select_n3A_410 = arith.select %eq3A_407, %all_reduce_population_count3A_404, %broadcast_in_dim3A_409 : vector<16xi1>, vector<16xi32>
    %add3A_411 = arith.addi %add3A_380, %select_n3A_410 : vector<16xi32>
    %eq3A_412 = arith.constant 4 : i32
    %eq3A_413 = vector.broadcast %eq3A_412 : i32 to vector<16xi32>
    %eq3A_414 = arith.cmpi eq, %get3A_283, %eq3A_413 : vector<16xi32>
    %convert_element_type3A_415 = arith.extui %eq3A_414 : vector<16xi1> to vector<16xi32>
    %broadcast_in_dim3A_416 = arith.constant true
    %broadcast_in_dim3A_417 = vector.broadcast %broadcast_in_dim3A_416 : i1 to vector<16xi1>
    %masked_cumsum3A_418 = tpu.scan <sum>, %convert_element_type3A_415 masked %broadcast_in_dim3A_417 : vector<16xi32>, vector<16xi1> -> vector<16xi32>
    %eq3A_419 = arith.constant 4 : i32
    %eq3A_420 = vector.broadcast %eq3A_419 : i32 to vector<16xi32>
    %eq3A_421 = arith.cmpi eq, %iota3A, %eq3A_420 : vector<16xi32>
    %jit3A_422 = arith.constant 0 : i32
    %broadcast_in_dim3A_423 = vector.broadcast %jit3A_422 : i32 to vector<16xi32>
    %select_n3A_424 = arith.select %eq3A_421, %add3A_279, %broadcast_in_dim3A_423 : vector<16xi1>, vector<16xi32>
    %reduce_sum3A_425 = arith.constant true
    %reduce_sum3A_426 = vector.broadcast %reduce_sum3A_425 : i1 to vector<16xi1>
    %reduce_sum3A_427 = tpu.scan <sum>, %select_n3A_424 masked %reduce_sum3A_426 : vector<16xi32>, vector<16xi1> -> vector<16xi32>
    %reduce_sum3A_428 = vector.extract %reduce_sum3A_427[15] : i32 from vector<16xi32>
    %add3A_429 = vector.broadcast %reduce_sum3A_428 : i32 to vector<16xi32>
    %add3A_430 = arith.addi %add3A_429, %masked_cumsum3A_418 : vector<16xi32>
    %sub3A_431 = arith.constant 1 : i32
    %sub3A_432 = vector.broadcast %sub3A_431 : i32 to vector<16xi32>
    %sub3A_433 = arith.subi %add3A_430, %sub3A_432 : vector<16xi32>
    %select_n3A_434 = arith.select %eq3A_414, %sub3A_433, %select_n3A_403 : vector<16xi1>, vector<16xi32>
    %all_reduce_population_count3A_435 = tpu.all_reduce %eq3A_414 {dim = 0 : i64, kind = #tpu.reduction_kind<sum>} : vector<16xi1> -> vector<16xi32>
    %eq3A_436 = arith.constant 4 : i32
    %eq3A_437 = vector.broadcast %eq3A_436 : i32 to vector<16xi32>
    %eq3A_438 = arith.cmpi eq, %iota3A, %eq3A_437 : vector<16xi32>
    %jit3A_439 = arith.constant 0 : i32
    %broadcast_in_dim3A_440 = vector.broadcast %jit3A_439 : i32 to vector<16xi32>
    %select_n3A_441 = arith.select %eq3A_438, %all_reduce_population_count3A_435, %broadcast_in_dim3A_440 : vector<16xi1>, vector<16xi32>
    %add3A_442 = arith.addi %add3A_411, %select_n3A_441 : vector<16xi32>
    %eq3A_443 = arith.constant 5 : i32
    %eq3A_444 = vector.broadcast %eq3A_443 : i32 to vector<16xi32>
    %eq3A_445 = arith.cmpi eq, %get3A_283, %eq3A_444 : vector<16xi32>
    %convert_element_type3A_446 = arith.extui %eq3A_445 : vector<16xi1> to vector<16xi32>
    %broadcast_in_dim3A_447 = arith.constant true
    %broadcast_in_dim3A_448 = vector.broadcast %broadcast_in_dim3A_447 : i1 to vector<16xi1>
    %masked_cumsum3A_449 = tpu.scan <sum>, %convert_element_type3A_446 masked %broadcast_in_dim3A_448 : vector<16xi32>, vector<16xi1> -> vector<16xi32>
    %eq3A_450 = arith.constant 5 : i32
    %eq3A_451 = vector.broadcast %eq3A_450 : i32 to vector<16xi32>
    %eq3A_452 = arith.cmpi eq, %iota3A, %eq3A_451 : vector<16xi32>
    %jit3A_453 = arith.constant 0 : i32
    %broadcast_in_dim3A_454 = vector.broadcast %jit3A_453 : i32 to vector<16xi32>
    %select_n3A_455 = arith.select %eq3A_452, %add3A_279, %broadcast_in_dim3A_454 : vector<16xi1>, vector<16xi32>
    %reduce_sum3A_456 = arith.constant true
    %reduce_sum3A_457 = vector.broadcast %reduce_sum3A_456 : i1 to vector<16xi1>
    %reduce_sum3A_458 = tpu.scan <sum>, %select_n3A_455 masked %reduce_sum3A_457 : vector<16xi32>, vector<16xi1> -> vector<16xi32>
    %reduce_sum3A_459 = vector.extract %reduce_sum3A_458[15] : i32 from vector<16xi32>
    %add3A_460 = vector.broadcast %reduce_sum3A_459 : i32 to vector<16xi32>
    %add3A_461 = arith.addi %add3A_460, %masked_cumsum3A_449 : vector<16xi32>
    %sub3A_462 = arith.constant 1 : i32
    %sub3A_463 = vector.broadcast %sub3A_462 : i32 to vector<16xi32>
    %sub3A_464 = arith.subi %add3A_461, %sub3A_463 : vector<16xi32>
    %select_n3A_465 = arith.select %eq3A_445, %sub3A_464, %select_n3A_434 : vector<16xi1>, vector<16xi32>
    %all_reduce_population_count3A_466 = tpu.all_reduce %eq3A_445 {dim = 0 : i64, kind = #tpu.reduction_kind<sum>} : vector<16xi1> -> vector<16xi32>
    %eq3A_467 = arith.constant 5 : i32
    %eq3A_468 = vector.broadcast %eq3A_467 : i32 to vector<16xi32>
    %eq3A_469 = arith.cmpi eq, %iota3A, %eq3A_468 : vector<16xi32>
    %jit3A_470 = arith.constant 0 : i32
    %broadcast_in_dim3A_471 = vector.broadcast %jit3A_470 : i32 to vector<16xi32>
    %select_n3A_472 = arith.select %eq3A_469, %all_reduce_population_count3A_466, %broadcast_in_dim3A_471 : vector<16xi1>, vector<16xi32>
    %add3A_473 = arith.addi %add3A_442, %select_n3A_472 : vector<16xi32>
    %eq3A_474 = arith.constant 6 : i32
    %eq3A_475 = vector.broadcast %eq3A_474 : i32 to vector<16xi32>
    %eq3A_476 = arith.cmpi eq, %get3A_283, %eq3A_475 : vector<16xi32>
    %convert_element_type3A_477 = arith.extui %eq3A_476 : vector<16xi1> to vector<16xi32>
    %broadcast_in_dim3A_478 = arith.constant true
    %broadcast_in_dim3A_479 = vector.broadcast %broadcast_in_dim3A_478 : i1 to vector<16xi1>
    %masked_cumsum3A_480 = tpu.scan <sum>, %convert_element_type3A_477 masked %broadcast_in_dim3A_479 : vector<16xi32>, vector<16xi1> -> vector<16xi32>
    %eq3A_481 = arith.constant 6 : i32
    %eq3A_482 = vector.broadcast %eq3A_481 : i32 to vector<16xi32>
    %eq3A_483 = arith.cmpi eq, %iota3A, %eq3A_482 : vector<16xi32>
    %jit3A_484 = arith.constant 0 : i32
    %broadcast_in_dim3A_485 = vector.broadcast %jit3A_484 : i32 to vector<16xi32>
    %select_n3A_486 = arith.select %eq3A_483, %add3A_279, %broadcast_in_dim3A_485 : vector<16xi1>, vector<16xi32>
    %reduce_sum3A_487 = arith.constant true
    %reduce_sum3A_488 = vector.broadcast %reduce_sum3A_487 : i1 to vector<16xi1>
    %reduce_sum3A_489 = tpu.scan <sum>, %select_n3A_486 masked %reduce_sum3A_488 : vector<16xi32>, vector<16xi1> -> vector<16xi32>
    %reduce_sum3A_490 = vector.extract %reduce_sum3A_489[15] : i32 from vector<16xi32>
    %add3A_491 = vector.broadcast %reduce_sum3A_490 : i32 to vector<16xi32>
    %add3A_492 = arith.addi %add3A_491, %masked_cumsum3A_480 : vector<16xi32>
    %sub3A_493 = arith.constant 1 : i32
    %sub3A_494 = vector.broadcast %sub3A_493 : i32 to vector<16xi32>
    %sub3A_495 = arith.subi %add3A_492, %sub3A_494 : vector<16xi32>
    %select_n3A_496 = arith.select %eq3A_476, %sub3A_495, %select_n3A_465 : vector<16xi1>, vector<16xi32>
    %all_reduce_population_count3A_497 = tpu.all_reduce %eq3A_476 {dim = 0 : i64, kind = #tpu.reduction_kind<sum>} : vector<16xi1> -> vector<16xi32>
    %eq3A_498 = arith.constant 6 : i32
    %eq3A_499 = vector.broadcast %eq3A_498 : i32 to vector<16xi32>
    %eq3A_500 = arith.cmpi eq, %iota3A, %eq3A_499 : vector<16xi32>
    %jit3A_501 = arith.constant 0 : i32
    %broadcast_in_dim3A_502 = vector.broadcast %jit3A_501 : i32 to vector<16xi32>
    %select_n3A_503 = arith.select %eq3A_500, %all_reduce_population_count3A_497, %broadcast_in_dim3A_502 : vector<16xi1>, vector<16xi32>
    %add3A_504 = arith.addi %add3A_473, %select_n3A_503 : vector<16xi32>
    %eq3A_505 = arith.constant 7 : i32
    %eq3A_506 = vector.broadcast %eq3A_505 : i32 to vector<16xi32>
    %eq3A_507 = arith.cmpi eq, %get3A_283, %eq3A_506 : vector<16xi32>
    %convert_element_type3A_508 = arith.extui %eq3A_507 : vector<16xi1> to vector<16xi32>
    %broadcast_in_dim3A_509 = arith.constant true
    %broadcast_in_dim3A_510 = vector.broadcast %broadcast_in_dim3A_509 : i1 to vector<16xi1>
    %masked_cumsum3A_511 = tpu.scan <sum>, %convert_element_type3A_508 masked %broadcast_in_dim3A_510 : vector<16xi32>, vector<16xi1> -> vector<16xi32>
    %eq3A_512 = arith.constant 7 : i32
    %eq3A_513 = vector.broadcast %eq3A_512 : i32 to vector<16xi32>
    %eq3A_514 = arith.cmpi eq, %iota3A, %eq3A_513 : vector<16xi32>
    %jit3A_515 = arith.constant 0 : i32
    %broadcast_in_dim3A_516 = vector.broadcast %jit3A_515 : i32 to vector<16xi32>
    %select_n3A_517 = arith.select %eq3A_514, %add3A_279, %broadcast_in_dim3A_516 : vector<16xi1>, vector<16xi32>
    %reduce_sum3A_518 = arith.constant true
    %reduce_sum3A_519 = vector.broadcast %reduce_sum3A_518 : i1 to vector<16xi1>
    %reduce_sum3A_520 = tpu.scan <sum>, %select_n3A_517 masked %reduce_sum3A_519 : vector<16xi32>, vector<16xi1> -> vector<16xi32>
    %reduce_sum3A_521 = vector.extract %reduce_sum3A_520[15] : i32 from vector<16xi32>
    %add3A_522 = vector.broadcast %reduce_sum3A_521 : i32 to vector<16xi32>
    %add3A_523 = arith.addi %add3A_522, %masked_cumsum3A_511 : vector<16xi32>
    %sub3A_524 = arith.constant 1 : i32
    %sub3A_525 = vector.broadcast %sub3A_524 : i32 to vector<16xi32>
    %sub3A_526 = arith.subi %add3A_523, %sub3A_525 : vector<16xi32>
    %select_n3A_527 = arith.select %eq3A_507, %sub3A_526, %select_n3A_496 : vector<16xi1>, vector<16xi32>
    %all_reduce_population_count3A_528 = tpu.all_reduce %eq3A_507 {dim = 0 : i64, kind = #tpu.reduction_kind<sum>} : vector<16xi1> -> vector<16xi32>
    %eq3A_529 = arith.constant 7 : i32
    %eq3A_530 = vector.broadcast %eq3A_529 : i32 to vector<16xi32>
    %eq3A_531 = arith.cmpi eq, %iota3A, %eq3A_530 : vector<16xi32>
    %jit3A_532 = arith.constant 0 : i32
    %broadcast_in_dim3A_533 = vector.broadcast %jit3A_532 : i32 to vector<16xi32>
    %select_n3A_534 = arith.select %eq3A_531, %all_reduce_population_count3A_528, %broadcast_in_dim3A_533 : vector<16xi1>, vector<16xi32>
    %add3A_535 = arith.addi %add3A_504, %select_n3A_534 : vector<16xi32>
    %swap3A_536 = arith.constant 16 : index
    %swap3A_537 = tpu.vector_load %arg13[%swap3A_536] {strides = array<i32>} : memref<64xi32, #tpu.memory_space<vmem>>, vector<16xi32>,
    tpu.vector_store %arg13[%swap3A_536], %select_n3A_527 {strides = array<i32>} : memref<64xi32, #tpu.memory_space<vmem>>, vector<16xi32>,
    %add3A_538 = arith.addi %add3A_279, %add3A_535 : vector<16xi32>
    %add3A_539 = arith.constant 32 : i32
    %add3A_540 = arith.addi %mul3A_2, %add3A_539 : i32
    %get3A_541 = arith.index_cast %add3A_540 : i32 to index
    %get3A_542 = tpu.vector_load %arg10[%get3A_541] {strides = array<i32>} : memref<2048xi32, #tpu.memory_space<vmem>>, vector<16xi32>,
    %broadcast_in_dim3A_543 = arith.constant 0 : i32
    %broadcast_in_dim3A_544 = vector.broadcast %broadcast_in_dim3A_543 : i32 to vector<16xi32>
    %broadcast_in_dim3A_545 = arith.constant 0 : i32
    %broadcast_in_dim3A_546 = vector.broadcast %broadcast_in_dim3A_545 : i32 to vector<16xi32>
    %eq3A_547 = arith.constant 0 : i32
    %eq3A_548 = vector.broadcast %eq3A_547 : i32 to vector<16xi32>
    %eq3A_549 = arith.cmpi eq, %get3A_542, %eq3A_548 : vector<16xi32>
    %convert_element_type3A_550 = arith.extui %eq3A_549 : vector<16xi1> to vector<16xi32>
    %broadcast_in_dim3A_551 = arith.constant true
    %broadcast_in_dim3A_552 = vector.broadcast %broadcast_in_dim3A_551 : i1 to vector<16xi1>
    %masked_cumsum3A_553 = tpu.scan <sum>, %convert_element_type3A_550 masked %broadcast_in_dim3A_552 : vector<16xi32>, vector<16xi1> -> vector<16xi32>
    %eq3A_554 = arith.constant 0 : i32
    %eq3A_555 = vector.broadcast %eq3A_554 : i32 to vector<16xi32>
    %eq3A_556 = arith.cmpi eq, %iota3A, %eq3A_555 : vector<16xi32>
    %jit3A_557 = arith.constant 0 : i32
    %broadcast_in_dim3A_558 = vector.broadcast %jit3A_557 : i32 to vector<16xi32>
    %select_n3A_559 = arith.select %eq3A_556, %add3A_538, %broadcast_in_dim3A_558 : vector<16xi1>, vector<16xi32>
    %reduce_sum3A_560 = arith.constant true
    %reduce_sum3A_561 = vector.broadcast %reduce_sum3A_560 : i1 to vector<16xi1>
    %reduce_sum3A_562 = tpu.scan <sum>, %select_n3A_559 masked %reduce_sum3A_561 : vector<16xi32>, vector<16xi1> -> vector<16xi32>
    %reduce_sum3A_563 = vector.extract %reduce_sum3A_562[15] : i32 from vector<16xi32>
    %add3A_564 = vector.broadcast %reduce_sum3A_563 : i32 to vector<16xi32>
    %add3A_565 = arith.addi %add3A_564, %masked_cumsum3A_553 : vector<16xi32>
    %sub3A_566 = arith.constant 1 : i32
    %sub3A_567 = vector.broadcast %sub3A_566 : i32 to vector<16xi32>
    %sub3A_568 = arith.subi %add3A_565, %sub3A_567 : vector<16xi32>
    %select_n3A_569 = arith.select %eq3A_549, %sub3A_568, %broadcast_in_dim3A_544 : vector<16xi1>, vector<16xi32>
    %all_reduce_population_count3A_570 = tpu.all_reduce %eq3A_549 {dim = 0 : i64, kind = #tpu.reduction_kind<sum>} : vector<16xi1> -> vector<16xi32>
    %eq3A_571 = arith.constant 0 : i32
    %eq3A_572 = vector.broadcast %eq3A_571 : i32 to vector<16xi32>
    %eq3A_573 = arith.cmpi eq, %iota3A, %eq3A_572 : vector<16xi32>
    %jit3A_574 = arith.constant 0 : i32
    %broadcast_in_dim3A_575 = vector.broadcast %jit3A_574 : i32 to vector<16xi32>
    %select_n3A_576 = arith.select %eq3A_573, %all_reduce_population_count3A_570, %broadcast_in_dim3A_575 : vector<16xi1>, vector<16xi32>
    %add3A_577 = arith.addi %broadcast_in_dim3A_546, %select_n3A_576 : vector<16xi32>
    %eq3A_578 = arith.constant 1 : i32
    %eq3A_579 = vector.broadcast %eq3A_578 : i32 to vector<16xi32>
    %eq3A_580 = arith.cmpi eq, %get3A_542, %eq3A_579 : vector<16xi32>
    %convert_element_type3A_581 = arith.extui %eq3A_580 : vector<16xi1> to vector<16xi32>
    %broadcast_in_dim3A_582 = arith.constant true
    %broadcast_in_dim3A_583 = vector.broadcast %broadcast_in_dim3A_582 : i1 to vector<16xi1>
    %masked_cumsum3A_584 = tpu.scan <sum>, %convert_element_type3A_581 masked %broadcast_in_dim3A_583 : vector<16xi32>, vector<16xi1> -> vector<16xi32>
    %eq3A_585 = arith.constant 1 : i32
    %eq3A_586 = vector.broadcast %eq3A_585 : i32 to vector<16xi32>
    %eq3A_587 = arith.cmpi eq, %iota3A, %eq3A_586 : vector<16xi32>
    %jit3A_588 = arith.constant 0 : i32
    %broadcast_in_dim3A_589 = vector.broadcast %jit3A_588 : i32 to vector<16xi32>
    %select_n3A_590 = arith.select %eq3A_587, %add3A_538, %broadcast_in_dim3A_589 : vector<16xi1>, vector<16xi32>
    %reduce_sum3A_591 = arith.constant true
    %reduce_sum3A_592 = vector.broadcast %reduce_sum3A_591 : i1 to vector<16xi1>
    %reduce_sum3A_593 = tpu.scan <sum>, %select_n3A_590 masked %reduce_sum3A_592 : vector<16xi32>, vector<16xi1> -> vector<16xi32>
    %reduce_sum3A_594 = vector.extract %reduce_sum3A_593[15] : i32 from vector<16xi32>
    %add3A_595 = vector.broadcast %reduce_sum3A_594 : i32 to vector<16xi32>
    %add3A_596 = arith.addi %add3A_595, %masked_cumsum3A_584 : vector<16xi32>
    %sub3A_597 = arith.constant 1 : i32
    %sub3A_598 = vector.broadcast %sub3A_597 : i32 to vector<16xi32>
    %sub3A_599 = arith.subi %add3A_596, %sub3A_598 : vector<16xi32>
    %select_n3A_600 = arith.select %eq3A_580, %sub3A_599, %select_n3A_569 : vector<16xi1>, vector<16xi32>
    %all_reduce_population_count3A_601 = tpu.all_reduce %eq3A_580 {dim = 0 : i64, kind = #tpu.reduction_kind<sum>} : vector<16xi1> -> vector<16xi32>
    %eq3A_602 = arith.constant 1 : i32
    %eq3A_603 = vector.broadcast %eq3A_602 : i32 to vector<16xi32>
    %eq3A_604 = arith.cmpi eq, %iota3A, %eq3A_603 : vector<16xi32>
    %jit3A_605 = arith.constant 0 : i32
    %broadcast_in_dim3A_606 = vector.broadcast %jit3A_605 : i32 to vector<16xi32>
    %select_n3A_607 = arith.select %eq3A_604, %all_reduce_population_count3A_601, %broadcast_in_dim3A_606 : vector<16xi1>, vector<16xi32>
    %add3A_608 = arith.addi %add3A_577, %select_n3A_607 : vector<16xi32>
    %eq3A_609 = arith.constant 2 : i32
    %eq3A_610 = vector.broadcast %eq3A_609 : i32 to vector<16xi32>
    %eq3A_611 = arith.cmpi eq, %get3A_542, %eq3A_610 : vector<16xi32>
    %convert_element_type3A_612 = arith.extui %eq3A_611 : vector<16xi1> to vector<16xi32>
    %broadcast_in_dim3A_613 = arith.constant true
    %broadcast_in_dim3A_614 = vector.broadcast %broadcast_in_dim3A_613 : i1 to vector<16xi1>
    %masked_cumsum3A_615 = tpu.scan <sum>, %convert_element_type3A_612 masked %broadcast_in_dim3A_614 : vector<16xi32>, vector<16xi1> -> vector<16xi32>
    %eq3A_616 = arith.constant 2 : i32
    %eq3A_617 = vector.broadcast %eq3A_616 : i32 to vector<16xi32>
    %eq3A_618 = arith.cmpi eq, %iota3A, %eq3A_617 : vector<16xi32>
    %jit3A_619 = arith.constant 0 : i32
    %broadcast_in_dim3A_620 = vector.broadcast %jit3A_619 : i32 to vector<16xi32>
    %select_n3A_621 = arith.select %eq3A_618, %add3A_538, %broadcast_in_dim3A_620 : vector<16xi1>, vector<16xi32>
    %reduce_sum3A_622 = arith.constant true
    %reduce_sum3A_623 = vector.broadcast %reduce_sum3A_622 : i1 to vector<16xi1>
    %reduce_sum3A_624 = tpu.scan <sum>, %select_n3A_621 masked %reduce_sum3A_623 : vector<16xi32>, vector<16xi1> -> vector<16xi32>
    %reduce_sum3A_625 = vector.extract %reduce_sum3A_624[15] : i32 from vector<16xi32>
    %add3A_626 = vector.broadcast %reduce_sum3A_625 : i32 to vector<16xi32>
    %add3A_627 = arith.addi %add3A_626, %masked_cumsum3A_615 : vector<16xi32>
    %sub3A_628 = arith.constant 1 : i32
    %sub3A_629 = vector.broadcast %sub3A_628 : i32 to vector<16xi32>
    %sub3A_630 = arith.subi %add3A_627, %sub3A_629 : vector<16xi32>
    %select_n3A_631 = arith.select %eq3A_611, %sub3A_630, %select_n3A_600 : vector<16xi1>, vector<16xi32>
    %all_reduce_population_count3A_632 = tpu.all_reduce %eq3A_611 {dim = 0 : i64, kind = #tpu.reduction_kind<sum>} : vector<16xi1> -> vector<16xi32>
    %eq3A_633 = arith.constant 2 : i32
    %eq3A_634 = vector.broadcast %eq3A_633 : i32 to vector<16xi32>
    %eq3A_635 = arith.cmpi eq, %iota3A, %eq3A_634 : vector<16xi32>
    %jit3A_636 = arith.constant 0 : i32
    %broadcast_in_dim3A_637 = vector.broadcast %jit3A_636 : i32 to vector<16xi32>
    %select_n3A_638 = arith.select %eq3A_635, %all_reduce_population_count3A_632, %broadcast_in_dim3A_637 : vector<16xi1>, vector<16xi32>
    %add3A_639 = arith.addi %add3A_608, %select_n3A_638 : vector<16xi32>
    %eq3A_640 = arith.constant 3 : i32
    %eq3A_641 = vector.broadcast %eq3A_640 : i32 to vector<16xi32>
    %eq3A_642 = arith.cmpi eq, %get3A_542, %eq3A_641 : vector<16xi32>
    %convert_element_type3A_643 = arith.extui %eq3A_642 : vector<16xi1> to vector<16xi32>
    %broadcast_in_dim3A_644 = arith.constant true
    %broadcast_in_dim3A_645 = vector.broadcast %broadcast_in_dim3A_644 : i1 to vector<16xi1>
    %masked_cumsum3A_646 = tpu.scan <sum>, %convert_element_type3A_643 masked %broadcast_in_dim3A_645 : vector<16xi32>, vector<16xi1> -> vector<16xi32>
    %eq3A_647 = arith.constant 3 : i32
    %eq3A_648 = vector.broadcast %eq3A_647 : i32 to vector<16xi32>
    %eq3A_649 = arith.cmpi eq, %iota3A, %eq3A_648 : vector<16xi32>
    %jit3A_650 = arith.constant 0 : i32
    %broadcast_in_dim3A_651 = vector.broadcast %jit3A_650 : i32 to vector<16xi32>
    %select_n3A_652 = arith.select %eq3A_649, %add3A_538, %broadcast_in_dim3A_651 : vector<16xi1>, vector<16xi32>
    %reduce_sum3A_653 = arith.constant true
    %reduce_sum3A_654 = vector.broadcast %reduce_sum3A_653 : i1 to vector<16xi1>
    %reduce_sum3A_655 = tpu.scan <sum>, %select_n3A_652 masked %reduce_sum3A_654 : vector<16xi32>, vector<16xi1> -> vector<16xi32>
    %reduce_sum3A_656 = vector.extract %reduce_sum3A_655[15] : i32 from vector<16xi32>
    %add3A_657 = vector.broadcast %reduce_sum3A_656 : i32 to vector<16xi32>
    %add3A_658 = arith.addi %add3A_657, %masked_cumsum3A_646 : vector<16xi32>
    %sub3A_659 = arith.constant 1 : i32
    %sub3A_660 = vector.broadcast %sub3A_659 : i32 to vector<16xi32>
    %sub3A_661 = arith.subi %add3A_658, %sub3A_660 : vector<16xi32>
    %select_n3A_662 = arith.select %eq3A_642, %sub3A_661, %select_n3A_631 : vector<16xi1>, vector<16xi32>
    %all_reduce_population_count3A_663 = tpu.all_reduce %eq3A_642 {dim = 0 : i64, kind = #tpu.reduction_kind<sum>} : vector<16xi1> -> vector<16xi32>
    %eq3A_664 = arith.constant 3 : i32
    %eq3A_665 = vector.broadcast %eq3A_664 : i32 to vector<16xi32>
    %eq3A_666 = arith.cmpi eq, %iota3A, %eq3A_665 : vector<16xi32>
    %jit3A_667 = arith.constant 0 : i32
    %broadcast_in_dim3A_668 = vector.broadcast %jit3A_667 : i32 to vector<16xi32>
    %select_n3A_669 = arith.select %eq3A_666, %all_reduce_population_count3A_663, %broadcast_in_dim3A_668 : vector<16xi1>, vector<16xi32>
    %add3A_670 = arith.addi %add3A_639, %select_n3A_669 : vector<16xi32>
    %eq3A_671 = arith.constant 4 : i32
    %eq3A_672 = vector.broadcast %eq3A_671 : i32 to vector<16xi32>
    %eq3A_673 = arith.cmpi eq, %get3A_542, %eq3A_672 : vector<16xi32>
    %convert_element_type3A_674 = arith.extui %eq3A_673 : vector<16xi1> to vector<16xi32>
    %broadcast_in_dim3A_675 = arith.constant true
    %broadcast_in_dim3A_676 = vector.broadcast %broadcast_in_dim3A_675 : i1 to vector<16xi1>
    %masked_cumsum3A_677 = tpu.scan <sum>, %convert_element_type3A_674 masked %broadcast_in_dim3A_676 : vector<16xi32>, vector<16xi1> -> vector<16xi32>
    %eq3A_678 = arith.constant 4 : i32
    %eq3A_679 = vector.broadcast %eq3A_678 : i32 to vector<16xi32>
    %eq3A_680 = arith.cmpi eq, %iota3A, %eq3A_679 : vector<16xi32>
    %jit3A_681 = arith.constant 0 : i32
    %broadcast_in_dim3A_682 = vector.broadcast %jit3A_681 : i32 to vector<16xi32>
    %select_n3A_683 = arith.select %eq3A_680, %add3A_538, %broadcast_in_dim3A_682 : vector<16xi1>, vector<16xi32>
    %reduce_sum3A_684 = arith.constant true
    %reduce_sum3A_685 = vector.broadcast %reduce_sum3A_684 : i1 to vector<16xi1>
    %reduce_sum3A_686 = tpu.scan <sum>, %select_n3A_683 masked %reduce_sum3A_685 : vector<16xi32>, vector<16xi1> -> vector<16xi32>
    %reduce_sum3A_687 = vector.extract %reduce_sum3A_686[15] : i32 from vector<16xi32>
    %add3A_688 = vector.broadcast %reduce_sum3A_687 : i32 to vector<16xi32>
    %add3A_689 = arith.addi %add3A_688, %masked_cumsum3A_677 : vector<16xi32>
    %sub3A_690 = arith.constant 1 : i32
    %sub3A_691 = vector.broadcast %sub3A_690 : i32 to vector<16xi32>
    %sub3A_692 = arith.subi %add3A_689, %sub3A_691 : vector<16xi32>
    %select_n3A_693 = arith.select %eq3A_673, %sub3A_692, %select_n3A_662 : vector<16xi1>, vector<16xi32>
    %all_reduce_population_count3A_694 = tpu.all_reduce %eq3A_673 {dim = 0 : i64, kind = #tpu.reduction_kind<sum>} : vector<16xi1> -> vector<16xi32>
    %eq3A_695 = arith.constant 4 : i32
    %eq3A_696 = vector.broadcast %eq3A_695 : i32 to vector<16xi32>
    %eq3A_697 = arith.cmpi eq, %iota3A, %eq3A_696 : vector<16xi32>
    %jit3A_698 = arith.constant 0 : i32
    %broadcast_in_dim3A_699 = vector.broadcast %jit3A_698 : i32 to vector<16xi32>
    %select_n3A_700 = arith.select %eq3A_697, %all_reduce_population_count3A_694, %broadcast_in_dim3A_699 : vector<16xi1>, vector<16xi32>
    %add3A_701 = arith.addi %add3A_670, %select_n3A_700 : vector<16xi32>
    %eq3A_702 = arith.constant 5 : i32
    %eq3A_703 = vector.broadcast %eq3A_702 : i32 to vector<16xi32>
    %eq3A_704 = arith.cmpi eq, %get3A_542, %eq3A_703 : vector<16xi32>
    %convert_element_type3A_705 = arith.extui %eq3A_704 : vector<16xi1> to vector<16xi32>
    %broadcast_in_dim3A_706 = arith.constant true
    %broadcast_in_dim3A_707 = vector.broadcast %broadcast_in_dim3A_706 : i1 to vector<16xi1>
    %masked_cumsum3A_708 = tpu.scan <sum>, %convert_element_type3A_705 masked %broadcast_in_dim3A_707 : vector<16xi32>, vector<16xi1> -> vector<16xi32>
    %eq3A_709 = arith.constant 5 : i32
    %eq3A_710 = vector.broadcast %eq3A_709 : i32 to vector<16xi32>
    %eq3A_711 = arith.cmpi eq, %iota3A, %eq3A_710 : vector<16xi32>
    %jit3A_712 = arith.constant 0 : i32
    %broadcast_in_dim3A_713 = vector.broadcast %jit3A_712 : i32 to vector<16xi32>
    %select_n3A_714 = arith.select %eq3A_711, %add3A_538, %broadcast_in_dim3A_713 : vector<16xi1>, vector<16xi32>
    %reduce_sum3A_715 = arith.constant true
    %reduce_sum3A_716 = vector.broadcast %reduce_sum3A_715 : i1 to vector<16xi1>
    %reduce_sum3A_717 = tpu.scan <sum>, %select_n3A_714 masked %reduce_sum3A_716 : vector<16xi32>, vector<16xi1> -> vector<16xi32>
    %reduce_sum3A_718 = vector.extract %reduce_sum3A_717[15] : i32 from vector<16xi32>
    %add3A_719 = vector.broadcast %reduce_sum3A_718 : i32 to vector<16xi32>
    %add3A_720 = arith.addi %add3A_719, %masked_cumsum3A_708 : vector<16xi32>
    %sub3A_721 = arith.constant 1 : i32
    %sub3A_722 = vector.broadcast %sub3A_721 : i32 to vector<16xi32>
    %sub3A_723 = arith.subi %add3A_720, %sub3A_722 : vector<16xi32>
    %select_n3A_724 = arith.select %eq3A_704, %sub3A_723, %select_n3A_693 : vector<16xi1>, vector<16xi32>
    %all_reduce_population_count3A_725 = tpu.all_reduce %eq3A_704 {dim = 0 : i64, kind = #tpu.reduction_kind<sum>} : vector<16xi1> -> vector<16xi32>
    %eq3A_726 = arith.constant 5 : i32
    %eq3A_727 = vector.broadcast %eq3A_726 : i32 to vector<16xi32>
    %eq3A_728 = arith.cmpi eq, %iota3A, %eq3A_727 : vector<16xi32>
    %jit3A_729 = arith.constant 0 : i32
    %broadcast_in_dim3A_730 = vector.broadcast %jit3A_729 : i32 to vector<16xi32>
    %select_n3A_731 = arith.select %eq3A_728, %all_reduce_population_count3A_725, %broadcast_in_dim3A_730 : vector<16xi1>, vector<16xi32>
    %add3A_732 = arith.addi %add3A_701, %select_n3A_731 : vector<16xi32>
    %eq3A_733 = arith.constant 6 : i32
    %eq3A_734 = vector.broadcast %eq3A_733 : i32 to vector<16xi32>
    %eq3A_735 = arith.cmpi eq, %get3A_542, %eq3A_734 : vector<16xi32>
    %convert_element_type3A_736 = arith.extui %eq3A_735 : vector<16xi1> to vector<16xi32>
    %broadcast_in_dim3A_737 = arith.constant true
    %broadcast_in_dim3A_738 = vector.broadcast %broadcast_in_dim3A_737 : i1 to vector<16xi1>
    %masked_cumsum3A_739 = tpu.scan <sum>, %convert_element_type3A_736 masked %broadcast_in_dim3A_738 : vector<16xi32>, vector<16xi1> -> vector<16xi32>
    %eq3A_740 = arith.constant 6 : i32
    %eq3A_741 = vector.broadcast %eq3A_740 : i32 to vector<16xi32>
    %eq3A_742 = arith.cmpi eq, %iota3A, %eq3A_741 : vector<16xi32>
    %jit3A_743 = arith.constant 0 : i32
    %broadcast_in_dim3A_744 = vector.broadcast %jit3A_743 : i32 to vector<16xi32>
    %select_n3A_745 = arith.select %eq3A_742, %add3A_538, %broadcast_in_dim3A_744 : vector<16xi1>, vector<16xi32>
    %reduce_sum3A_746 = arith.constant true
    %reduce_sum3A_747 = vector.broadcast %reduce_sum3A_746 : i1 to vector<16xi1>
    %reduce_sum3A_748 = tpu.scan <sum>, %select_n3A_745 masked %reduce_sum3A_747 : vector<16xi32>, vector<16xi1> -> vector<16xi32>
    %reduce_sum3A_749 = vector.extract %reduce_sum3A_748[15] : i32 from vector<16xi32>
    %add3A_750 = vector.broadcast %reduce_sum3A_749 : i32 to vector<16xi32>
    %add3A_751 = arith.addi %add3A_750, %masked_cumsum3A_739 : vector<16xi32>
    %sub3A_752 = arith.constant 1 : i32
    %sub3A_753 = vector.broadcast %sub3A_752 : i32 to vector<16xi32>
    %sub3A_754 = arith.subi %add3A_751, %sub3A_753 : vector<16xi32>
    %select_n3A_755 = arith.select %eq3A_735, %sub3A_754, %select_n3A_724 : vector<16xi1>, vector<16xi32>
    %all_reduce_population_count3A_756 = tpu.all_reduce %eq3A_735 {dim = 0 : i64, kind = #tpu.reduction_kind<sum>} : vector<16xi1> -> vector<16xi32>
    %eq3A_757 = arith.constant 6 : i32
    %eq3A_758 = vector.broadcast %eq3A_757 : i32 to vector<16xi32>
    %eq3A_759 = arith.cmpi eq, %iota3A, %eq3A_758 : vector<16xi32>
    %jit3A_760 = arith.constant 0 : i32
    %broadcast_in_dim3A_761 = vector.broadcast %jit3A_760 : i32 to vector<16xi32>
    %select_n3A_762 = arith.select %eq3A_759, %all_reduce_population_count3A_756, %broadcast_in_dim3A_761 : vector<16xi1>, vector<16xi32>
    %add3A_763 = arith.addi %add3A_732, %select_n3A_762 : vector<16xi32>
    %eq3A_764 = arith.constant 7 : i32
    %eq3A_765 = vector.broadcast %eq3A_764 : i32 to vector<16xi32>
    %eq3A_766 = arith.cmpi eq, %get3A_542, %eq3A_765 : vector<16xi32>
    %convert_element_type3A_767 = arith.extui %eq3A_766 : vector<16xi1> to vector<16xi32>
    %broadcast_in_dim3A_768 = arith.constant true
    %broadcast_in_dim3A_769 = vector.broadcast %broadcast_in_dim3A_768 : i1 to vector<16xi1>
    %masked_cumsum3A_770 = tpu.scan <sum>, %convert_element_type3A_767 masked %broadcast_in_dim3A_769 : vector<16xi32>, vector<16xi1> -> vector<16xi32>
    %eq3A_771 = arith.constant 7 : i32
    %eq3A_772 = vector.broadcast %eq3A_771 : i32 to vector<16xi32>
    %eq3A_773 = arith.cmpi eq, %iota3A, %eq3A_772 : vector<16xi32>
    %jit3A_774 = arith.constant 0 : i32
    %broadcast_in_dim3A_775 = vector.broadcast %jit3A_774 : i32 to vector<16xi32>
    %select_n3A_776 = arith.select %eq3A_773, %add3A_538, %broadcast_in_dim3A_775 : vector<16xi1>, vector<16xi32>
    %reduce_sum3A_777 = arith.constant true
    %reduce_sum3A_778 = vector.broadcast %reduce_sum3A_777 : i1 to vector<16xi1>
    %reduce_sum3A_779 = tpu.scan <sum>, %select_n3A_776 masked %reduce_sum3A_778 : vector<16xi32>, vector<16xi1> -> vector<16xi32>
    %reduce_sum3A_780 = vector.extract %reduce_sum3A_779[15] : i32 from vector<16xi32>
    %add3A_781 = vector.broadcast %reduce_sum3A_780 : i32 to vector<16xi32>
    %add3A_782 = arith.addi %add3A_781, %masked_cumsum3A_770 : vector<16xi32>
    %sub3A_783 = arith.constant 1 : i32
    %sub3A_784 = vector.broadcast %sub3A_783 : i32 to vector<16xi32>
    %sub3A_785 = arith.subi %add3A_782, %sub3A_784 : vector<16xi32>
    %select_n3A_786 = arith.select %eq3A_766, %sub3A_785, %select_n3A_755 : vector<16xi1>, vector<16xi32>
    %all_reduce_population_count3A_787 = tpu.all_reduce %eq3A_766 {dim = 0 : i64, kind = #tpu.reduction_kind<sum>} : vector<16xi1> -> vector<16xi32>
    %eq3A_788 = arith.constant 7 : i32
    %eq3A_789 = vector.broadcast %eq3A_788 : i32 to vector<16xi32>
    %eq3A_790 = arith.cmpi eq, %iota3A, %eq3A_789 : vector<16xi32>
    %jit3A_791 = arith.constant 0 : i32
    %broadcast_in_dim3A_792 = vector.broadcast %jit3A_791 : i32 to vector<16xi32>
    %select_n3A_793 = arith.select %eq3A_790, %all_reduce_population_count3A_787, %broadcast_in_dim3A_792 : vector<16xi1>, vector<16xi32>
    %add3A_794 = arith.addi %add3A_763, %select_n3A_793 : vector<16xi32>
    %swap3A_795 = arith.constant 32 : index
    %swap3A_796 = tpu.vector_load %arg13[%swap3A_795] {strides = array<i32>} : memref<64xi32, #tpu.memory_space<vmem>>, vector<16xi32>,
    tpu.vector_store %arg13[%swap3A_795], %select_n3A_786 {strides = array<i32>} : memref<64xi32, #tpu.memory_space<vmem>>, vector<16xi32>,
    %add3A_797 = arith.addi %add3A_538, %add3A_794 : vector<16xi32>
    %add3A_798 = arith.constant 48 : i32
    %add3A_799 = arith.addi %mul3A_2, %add3A_798 : i32
    %get3A_800 = arith.index_cast %add3A_799 : i32 to index
    %get3A_801 = tpu.vector_load %arg10[%get3A_800] {strides = array<i32>} : memref<2048xi32, #tpu.memory_space<vmem>>, vector<16xi32>,
    %broadcast_in_dim3A_802 = arith.constant 0 : i32
    %broadcast_in_dim3A_803 = vector.broadcast %broadcast_in_dim3A_802 : i32 to vector<16xi32>
    %broadcast_in_dim3A_804 = arith.constant 0 : i32
    %broadcast_in_dim3A_805 = vector.broadcast %broadcast_in_dim3A_804 : i32 to vector<16xi32>
    %eq3A_806 = arith.constant 0 : i32
    %eq3A_807 = vector.broadcast %eq3A_806 : i32 to vector<16xi32>
    %eq3A_808 = arith.cmpi eq, %get3A_801, %eq3A_807 : vector<16xi32>
    %convert_element_type3A_809 = arith.extui %eq3A_808 : vector<16xi1> to vector<16xi32>
    %broadcast_in_dim3A_810 = arith.constant true
    %broadcast_in_dim3A_811 = vector.broadcast %broadcast_in_dim3A_810 : i1 to vector<16xi1>
    %masked_cumsum3A_812 = tpu.scan <sum>, %convert_element_type3A_809 masked %broadcast_in_dim3A_811 : vector<16xi32>, vector<16xi1> -> vector<16xi32>
    %eq3A_813 = arith.constant 0 : i32
    %eq3A_814 = vector.broadcast %eq3A_813 : i32 to vector<16xi32>
    %eq3A_815 = arith.cmpi eq, %iota3A, %eq3A_814 : vector<16xi32>
    %jit3A_816 = arith.constant 0 : i32
    %broadcast_in_dim3A_817 = vector.broadcast %jit3A_816 : i32 to vector<16xi32>
    %select_n3A_818 = arith.select %eq3A_815, %add3A_797, %broadcast_in_dim3A_817 : vector<16xi1>, vector<16xi32>
    %reduce_sum3A_819 = arith.constant true
    %reduce_sum3A_820 = vector.broadcast %reduce_sum3A_819 : i1 to vector<16xi1>
    %reduce_sum3A_821 = tpu.scan <sum>, %select_n3A_818 masked %reduce_sum3A_820 : vector<16xi32>, vector<16xi1> -> vector<16xi32>
    %reduce_sum3A_822 = vector.extract %reduce_sum3A_821[15] : i32 from vector<16xi32>
    %add3A_823 = vector.broadcast %reduce_sum3A_822 : i32 to vector<16xi32>
    %add3A_824 = arith.addi %add3A_823, %masked_cumsum3A_812 : vector<16xi32>
    %sub3A_825 = arith.constant 1 : i32
    %sub3A_826 = vector.broadcast %sub3A_825 : i32 to vector<16xi32>
    %sub3A_827 = arith.subi %add3A_824, %sub3A_826 : vector<16xi32>
    %select_n3A_828 = arith.select %eq3A_808, %sub3A_827, %broadcast_in_dim3A_803 : vector<16xi1>, vector<16xi32>
    %all_reduce_population_count3A_829 = tpu.all_reduce %eq3A_808 {dim = 0 : i64, kind = #tpu.reduction_kind<sum>} : vector<16xi1> -> vector<16xi32>
    %eq3A_830 = arith.constant 0 : i32
    %eq3A_831 = vector.broadcast %eq3A_830 : i32 to vector<16xi32>
    %eq3A_832 = arith.cmpi eq, %iota3A, %eq3A_831 : vector<16xi32>
    %jit3A_833 = arith.constant 0 : i32
    %broadcast_in_dim3A_834 = vector.broadcast %jit3A_833 : i32 to vector<16xi32>
    %select_n3A_835 = arith.select %eq3A_832, %all_reduce_population_count3A_829, %broadcast_in_dim3A_834 : vector<16xi1>, vector<16xi32>
    %add3A_836 = arith.addi %broadcast_in_dim3A_805, %select_n3A_835 : vector<16xi32>
    %eq3A_837 = arith.constant 1 : i32
    %eq3A_838 = vector.broadcast %eq3A_837 : i32 to vector<16xi32>
    %eq3A_839 = arith.cmpi eq, %get3A_801, %eq3A_838 : vector<16xi32>
    %convert_element_type3A_840 = arith.extui %eq3A_839 : vector<16xi1> to vector<16xi32>
    %broadcast_in_dim3A_841 = arith.constant true
    %broadcast_in_dim3A_842 = vector.broadcast %broadcast_in_dim3A_841 : i1 to vector<16xi1>
    %masked_cumsum3A_843 = tpu.scan <sum>, %convert_element_type3A_840 masked %broadcast_in_dim3A_842 : vector<16xi32>, vector<16xi1> -> vector<16xi32>
    %eq3A_844 = arith.constant 1 : i32
    %eq3A_845 = vector.broadcast %eq3A_844 : i32 to vector<16xi32>
    %eq3A_846 = arith.cmpi eq, %iota3A, %eq3A_845 : vector<16xi32>
    %jit3A_847 = arith.constant 0 : i32
    %broadcast_in_dim3A_848 = vector.broadcast %jit3A_847 : i32 to vector<16xi32>
    %select_n3A_849 = arith.select %eq3A_846, %add3A_797, %broadcast_in_dim3A_848 : vector<16xi1>, vector<16xi32>
    %reduce_sum3A_850 = arith.constant true
    %reduce_sum3A_851 = vector.broadcast %reduce_sum3A_850 : i1 to vector<16xi1>
    %reduce_sum3A_852 = tpu.scan <sum>, %select_n3A_849 masked %reduce_sum3A_851 : vector<16xi32>, vector<16xi1> -> vector<16xi32>
    %reduce_sum3A_853 = vector.extract %reduce_sum3A_852[15] : i32 from vector<16xi32>
    %add3A_854 = vector.broadcast %reduce_sum3A_853 : i32 to vector<16xi32>
    %add3A_855 = arith.addi %add3A_854, %masked_cumsum3A_843 : vector<16xi32>
    %sub3A_856 = arith.constant 1 : i32
    %sub3A_857 = vector.broadcast %sub3A_856 : i32 to vector<16xi32>
    %sub3A_858 = arith.subi %add3A_855, %sub3A_857 : vector<16xi32>
    %select_n3A_859 = arith.select %eq3A_839, %sub3A_858, %select_n3A_828 : vector<16xi1>, vector<16xi32>
    %all_reduce_population_count3A_860 = tpu.all_reduce %eq3A_839 {dim = 0 : i64, kind = #tpu.reduction_kind<sum>} : vector<16xi1> -> vector<16xi32>
    %eq3A_861 = arith.constant 1 : i32
    %eq3A_862 = vector.broadcast %eq3A_861 : i32 to vector<16xi32>
    %eq3A_863 = arith.cmpi eq, %iota3A, %eq3A_862 : vector<16xi32>
    %jit3A_864 = arith.constant 0 : i32
    %broadcast_in_dim3A_865 = vector.broadcast %jit3A_864 : i32 to vector<16xi32>
    %select_n3A_866 = arith.select %eq3A_863, %all_reduce_population_count3A_860, %broadcast_in_dim3A_865 : vector<16xi1>, vector<16xi32>
    %add3A_867 = arith.addi %add3A_836, %select_n3A_866 : vector<16xi32>
    %eq3A_868 = arith.constant 2 : i32
    %eq3A_869 = vector.broadcast %eq3A_868 : i32 to vector<16xi32>
    %eq3A_870 = arith.cmpi eq, %get3A_801, %eq3A_869 : vector<16xi32>
    %convert_element_type3A_871 = arith.extui %eq3A_870 : vector<16xi1> to vector<16xi32>
    %broadcast_in_dim3A_872 = arith.constant true
    %broadcast_in_dim3A_873 = vector.broadcast %broadcast_in_dim3A_872 : i1 to vector<16xi1>
    %masked_cumsum3A_874 = tpu.scan <sum>, %convert_element_type3A_871 masked %broadcast_in_dim3A_873 : vector<16xi32>, vector<16xi1> -> vector<16xi32>
    %eq3A_875 = arith.constant 2 : i32
    %eq3A_876 = vector.broadcast %eq3A_875 : i32 to vector<16xi32>
    %eq3A_877 = arith.cmpi eq, %iota3A, %eq3A_876 : vector<16xi32>
    %jit3A_878 = arith.constant 0 : i32
    %broadcast_in_dim3A_879 = vector.broadcast %jit3A_878 : i32 to vector<16xi32>
    %select_n3A_880 = arith.select %eq3A_877, %add3A_797, %broadcast_in_dim3A_879 : vector<16xi1>, vector<16xi32>
    %reduce_sum3A_881 = arith.constant true
    %reduce_sum3A_882 = vector.broadcast %reduce_sum3A_881 : i1 to vector<16xi1>
    %reduce_sum3A_883 = tpu.scan <sum>, %select_n3A_880 masked %reduce_sum3A_882 : vector<16xi32>, vector<16xi1> -> vector<16xi32>
    %reduce_sum3A_884 = vector.extract %reduce_sum3A_883[15] : i32 from vector<16xi32>
    %add3A_885 = vector.broadcast %reduce_sum3A_884 : i32 to vector<16xi32>
    %add3A_886 = arith.addi %add3A_885, %masked_cumsum3A_874 : vector<16xi32>
    %sub3A_887 = arith.constant 1 : i32
    %sub3A_888 = vector.broadcast %sub3A_887 : i32 to vector<16xi32>
    %sub3A_889 = arith.subi %add3A_886, %sub3A_888 : vector<16xi32>
    %select_n3A_890 = arith.select %eq3A_870, %sub3A_889, %select_n3A_859 : vector<16xi1>, vector<16xi32>
    %all_reduce_population_count3A_891 = tpu.all_reduce %eq3A_870 {dim = 0 : i64, kind = #tpu.reduction_kind<sum>} : vector<16xi1> -> vector<16xi32>
    %eq3A_892 = arith.constant 2 : i32
    %eq3A_893 = vector.broadcast %eq3A_892 : i32 to vector<16xi32>
    %eq3A_894 = arith.cmpi eq, %iota3A, %eq3A_893 : vector<16xi32>
    %jit3A_895 = arith.constant 0 : i32
    %broadcast_in_dim3A_896 = vector.broadcast %jit3A_895 : i32 to vector<16xi32>
    %select_n3A_897 = arith.select %eq3A_894, %all_reduce_population_count3A_891, %broadcast_in_dim3A_896 : vector<16xi1>, vector<16xi32>
    %add3A_898 = arith.addi %add3A_867, %select_n3A_897 : vector<16xi32>
    %eq3A_899 = arith.constant 3 : i32
    %eq3A_900 = vector.broadcast %eq3A_899 : i32 to vector<16xi32>
    %eq3A_901 = arith.cmpi eq, %get3A_801, %eq3A_900 : vector<16xi32>
    %convert_element_type3A_902 = arith.extui %eq3A_901 : vector<16xi1> to vector<16xi32>
    %broadcast_in_dim3A_903 = arith.constant true
    %broadcast_in_dim3A_904 = vector.broadcast %broadcast_in_dim3A_903 : i1 to vector<16xi1>
    %masked_cumsum3A_905 = tpu.scan <sum>, %convert_element_type3A_902 masked %broadcast_in_dim3A_904 : vector<16xi32>, vector<16xi1> -> vector<16xi32>
    %eq3A_906 = arith.constant 3 : i32
    %eq3A_907 = vector.broadcast %eq3A_906 : i32 to vector<16xi32>
    %eq3A_908 = arith.cmpi eq, %iota3A, %eq3A_907 : vector<16xi32>
    %jit3A_909 = arith.constant 0 : i32
    %broadcast_in_dim3A_910 = vector.broadcast %jit3A_909 : i32 to vector<16xi32>
    %select_n3A_911 = arith.select %eq3A_908, %add3A_797, %broadcast_in_dim3A_910 : vector<16xi1>, vector<16xi32>
    %reduce_sum3A_912 = arith.constant true
    %reduce_sum3A_913 = vector.broadcast %reduce_sum3A_912 : i1 to vector<16xi1>
    %reduce_sum3A_914 = tpu.scan <sum>, %select_n3A_911 masked %reduce_sum3A_913 : vector<16xi32>, vector<16xi1> -> vector<16xi32>
    %reduce_sum3A_915 = vector.extract %reduce_sum3A_914[15] : i32 from vector<16xi32>
    %add3A_916 = vector.broadcast %reduce_sum3A_915 : i32 to vector<16xi32>
    %add3A_917 = arith.addi %add3A_916, %masked_cumsum3A_905 : vector<16xi32>
    %sub3A_918 = arith.constant 1 : i32
    %sub3A_919 = vector.broadcast %sub3A_918 : i32 to vector<16xi32>
    %sub3A_920 = arith.subi %add3A_917, %sub3A_919 : vector<16xi32>
    %select_n3A_921 = arith.select %eq3A_901, %sub3A_920, %select_n3A_890 : vector<16xi1>, vector<16xi32>
    %all_reduce_population_count3A_922 = tpu.all_reduce %eq3A_901 {dim = 0 : i64, kind = #tpu.reduction_kind<sum>} : vector<16xi1> -> vector<16xi32>
    %eq3A_923 = arith.constant 3 : i32
    %eq3A_924 = vector.broadcast %eq3A_923 : i32 to vector<16xi32>
    %eq3A_925 = arith.cmpi eq, %iota3A, %eq3A_924 : vector<16xi32>
    %jit3A_926 = arith.constant 0 : i32
    %broadcast_in_dim3A_927 = vector.broadcast %jit3A_926 : i32 to vector<16xi32>
    %select_n3A_928 = arith.select %eq3A_925, %all_reduce_population_count3A_922, %broadcast_in_dim3A_927 : vector<16xi1>, vector<16xi32>
    %add3A_929 = arith.addi %add3A_898, %select_n3A_928 : vector<16xi32>
    %eq3A_930 = arith.constant 4 : i32
    %eq3A_931 = vector.broadcast %eq3A_930 : i32 to vector<16xi32>
    %eq3A_932 = arith.cmpi eq, %get3A_801, %eq3A_931 : vector<16xi32>
    %convert_element_type3A_933 = arith.extui %eq3A_932 : vector<16xi1> to vector<16xi32>
    %broadcast_in_dim3A_934 = arith.constant true
    %broadcast_in_dim3A_935 = vector.broadcast %broadcast_in_dim3A_934 : i1 to vector<16xi1>
    %masked_cumsum3A_936 = tpu.scan <sum>, %convert_element_type3A_933 masked %broadcast_in_dim3A_935 : vector<16xi32>, vector<16xi1> -> vector<16xi32>
    %eq3A_937 = arith.constant 4 : i32
    %eq3A_938 = vector.broadcast %eq3A_937 : i32 to vector<16xi32>
    %eq3A_939 = arith.cmpi eq, %iota3A, %eq3A_938 : vector<16xi32>
    %jit3A_940 = arith.constant 0 : i32
    %broadcast_in_dim3A_941 = vector.broadcast %jit3A_940 : i32 to vector<16xi32>
    %select_n3A_942 = arith.select %eq3A_939, %add3A_797, %broadcast_in_dim3A_941 : vector<16xi1>, vector<16xi32>
    %reduce_sum3A_943 = arith.constant true
    %reduce_sum3A_944 = vector.broadcast %reduce_sum3A_943 : i1 to vector<16xi1>
    %reduce_sum3A_945 = tpu.scan <sum>, %select_n3A_942 masked %reduce_sum3A_944 : vector<16xi32>, vector<16xi1> -> vector<16xi32>
    %reduce_sum3A_946 = vector.extract %reduce_sum3A_945[15] : i32 from vector<16xi32>
    %add3A_947 = vector.broadcast %reduce_sum3A_946 : i32 to vector<16xi32>
    %add3A_948 = arith.addi %add3A_947, %masked_cumsum3A_936 : vector<16xi32>
    %sub3A_949 = arith.constant 1 : i32
    %sub3A_950 = vector.broadcast %sub3A_949 : i32 to vector<16xi32>
    %sub3A_951 = arith.subi %add3A_948, %sub3A_950 : vector<16xi32>
    %select_n3A_952 = arith.select %eq3A_932, %sub3A_951, %select_n3A_921 : vector<16xi1>, vector<16xi32>
    %all_reduce_population_count3A_953 = tpu.all_reduce %eq3A_932 {dim = 0 : i64, kind = #tpu.reduction_kind<sum>} : vector<16xi1> -> vector<16xi32>
    %eq3A_954 = arith.constant 4 : i32
    %eq3A_955 = vector.broadcast %eq3A_954 : i32 to vector<16xi32>
    %eq3A_956 = arith.cmpi eq, %iota3A, %eq3A_955 : vector<16xi32>
    %jit3A_957 = arith.constant 0 : i32
    %broadcast_in_dim3A_958 = vector.broadcast %jit3A_957 : i32 to vector<16xi32>
    %select_n3A_959 = arith.select %eq3A_956, %all_reduce_population_count3A_953, %broadcast_in_dim3A_958 : vector<16xi1>, vector<16xi32>
    %add3A_960 = arith.addi %add3A_929, %select_n3A_959 : vector<16xi32>
    %eq3A_961 = arith.constant 5 : i32
    %eq3A_962 = vector.broadcast %eq3A_961 : i32 to vector<16xi32>
    %eq3A_963 = arith.cmpi eq, %get3A_801, %eq3A_962 : vector<16xi32>
    %convert_element_type3A_964 = arith.extui %eq3A_963 : vector<16xi1> to vector<16xi32>
    %broadcast_in_dim3A_965 = arith.constant true
    %broadcast_in_dim3A_966 = vector.broadcast %broadcast_in_dim3A_965 : i1 to vector<16xi1>
    %masked_cumsum3A_967 = tpu.scan <sum>, %convert_element_type3A_964 masked %broadcast_in_dim3A_966 : vector<16xi32>, vector<16xi1> -> vector<16xi32>
    %eq3A_968 = arith.constant 5 : i32
    %eq3A_969 = vector.broadcast %eq3A_968 : i32 to vector<16xi32>
    %eq3A_970 = arith.cmpi eq, %iota3A, %eq3A_969 : vector<16xi32>
    %jit3A_971 = arith.constant 0 : i32
    %broadcast_in_dim3A_972 = vector.broadcast %jit3A_971 : i32 to vector<16xi32>
    %select_n3A_973 = arith.select %eq3A_970, %add3A_797, %broadcast_in_dim3A_972 : vector<16xi1>, vector<16xi32>
    %reduce_sum3A_974 = arith.constant true
    %reduce_sum3A_975 = vector.broadcast %reduce_sum3A_974 : i1 to vector<16xi1>
    %reduce_sum3A_976 = tpu.scan <sum>, %select_n3A_973 masked %reduce_sum3A_975 : vector<16xi32>, vector<16xi1> -> vector<16xi32>
    %reduce_sum3A_977 = vector.extract %reduce_sum3A_976[15] : i32 from vector<16xi32>
    %add3A_978 = vector.broadcast %reduce_sum3A_977 : i32 to vector<16xi32>
    %add3A_979 = arith.addi %add3A_978, %masked_cumsum3A_967 : vector<16xi32>
    %sub3A_980 = arith.constant 1 : i32
    %sub3A_981 = vector.broadcast %sub3A_980 : i32 to vector<16xi32>
    %sub3A_982 = arith.subi %add3A_979, %sub3A_981 : vector<16xi32>
    %select_n3A_983 = arith.select %eq3A_963, %sub3A_982, %select_n3A_952 : vector<16xi1>, vector<16xi32>
    %all_reduce_population_count3A_984 = tpu.all_reduce %eq3A_963 {dim = 0 : i64, kind = #tpu.reduction_kind<sum>} : vector<16xi1> -> vector<16xi32>
    %eq3A_985 = arith.constant 5 : i32
    %eq3A_986 = vector.broadcast %eq3A_985 : i32 to vector<16xi32>
    %eq3A_987 = arith.cmpi eq, %iota3A, %eq3A_986 : vector<16xi32>
    %jit3A_988 = arith.constant 0 : i32
    %broadcast_in_dim3A_989 = vector.broadcast %jit3A_988 : i32 to vector<16xi32>
    %select_n3A_990 = arith.select %eq3A_987, %all_reduce_population_count3A_984, %broadcast_in_dim3A_989 : vector<16xi1>, vector<16xi32>
    %add3A_991 = arith.addi %add3A_960, %select_n3A_990 : vector<16xi32>
    %eq3A_992 = arith.constant 6 : i32
    %eq3A_993 = vector.broadcast %eq3A_992 : i32 to vector<16xi32>
    %eq3A_994 = arith.cmpi eq, %get3A_801, %eq3A_993 : vector<16xi32>
    %convert_element_type3A_995 = arith.extui %eq3A_994 : vector<16xi1> to vector<16xi32>
    %broadcast_in_dim3A_996 = arith.constant true
    %broadcast_in_dim3A_997 = vector.broadcast %broadcast_in_dim3A_996 : i1 to vector<16xi1>
    %masked_cumsum3A_998 = tpu.scan <sum>, %convert_element_type3A_995 masked %broadcast_in_dim3A_997 : vector<16xi32>, vector<16xi1> -> vector<16xi32>
    %eq3A_999 = arith.constant 6 : i32
    %eq3A_1000 = vector.broadcast %eq3A_999 : i32 to vector<16xi32>
    %eq3A_1001 = arith.cmpi eq, %iota3A, %eq3A_1000 : vector<16xi32>
    %jit3A_1002 = arith.constant 0 : i32
    %broadcast_in_dim3A_1003 = vector.broadcast %jit3A_1002 : i32 to vector<16xi32>
    %select_n3A_1004 = arith.select %eq3A_1001, %add3A_797, %broadcast_in_dim3A_1003 : vector<16xi1>, vector<16xi32>
    %reduce_sum3A_1005 = arith.constant true
    %reduce_sum3A_1006 = vector.broadcast %reduce_sum3A_1005 : i1 to vector<16xi1>
    %reduce_sum3A_1007 = tpu.scan <sum>, %select_n3A_1004 masked %reduce_sum3A_1006 : vector<16xi32>, vector<16xi1> -> vector<16xi32>
    %reduce_sum3A_1008 = vector.extract %reduce_sum3A_1007[15] : i32 from vector<16xi32>
    %add3A_1009 = vector.broadcast %reduce_sum3A_1008 : i32 to vector<16xi32>
    %add3A_1010 = arith.addi %add3A_1009, %masked_cumsum3A_998 : vector<16xi32>
    %sub3A_1011 = arith.constant 1 : i32
    %sub3A_1012 = vector.broadcast %sub3A_1011 : i32 to vector<16xi32>
    %sub3A_1013 = arith.subi %add3A_1010, %sub3A_1012 : vector<16xi32>
    %select_n3A_1014 = arith.select %eq3A_994, %sub3A_1013, %select_n3A_983 : vector<16xi1>, vector<16xi32>
    %all_reduce_population_count3A_1015 = tpu.all_reduce %eq3A_994 {dim = 0 : i64, kind = #tpu.reduction_kind<sum>} : vector<16xi1> -> vector<16xi32>
    %eq3A_1016 = arith.constant 6 : i32
    %eq3A_1017 = vector.broadcast %eq3A_1016 : i32 to vector<16xi32>
    %eq3A_1018 = arith.cmpi eq, %iota3A, %eq3A_1017 : vector<16xi32>
    %jit3A_1019 = arith.constant 0 : i32
    %broadcast_in_dim3A_1020 = vector.broadcast %jit3A_1019 : i32 to vector<16xi32>
    %select_n3A_1021 = arith.select %eq3A_1018, %all_reduce_population_count3A_1015, %broadcast_in_dim3A_1020 : vector<16xi1>, vector<16xi32>
    %add3A_1022 = arith.addi %add3A_991, %select_n3A_1021 : vector<16xi32>
    %eq3A_1023 = arith.constant 7 : i32
    %eq3A_1024 = vector.broadcast %eq3A_1023 : i32 to vector<16xi32>
    %eq3A_1025 = arith.cmpi eq, %get3A_801, %eq3A_1024 : vector<16xi32>
    %convert_element_type3A_1026 = arith.extui %eq3A_1025 : vector<16xi1> to vector<16xi32>
    %broadcast_in_dim3A_1027 = arith.constant true
    %broadcast_in_dim3A_1028 = vector.broadcast %broadcast_in_dim3A_1027 : i1 to vector<16xi1>
    %masked_cumsum3A_1029 = tpu.scan <sum>, %convert_element_type3A_1026 masked %broadcast_in_dim3A_1028 : vector<16xi32>, vector<16xi1> -> vector<16xi32>
    %eq3A_1030 = arith.constant 7 : i32
    %eq3A_1031 = vector.broadcast %eq3A_1030 : i32 to vector<16xi32>
    %eq3A_1032 = arith.cmpi eq, %iota3A, %eq3A_1031 : vector<16xi32>
    %jit3A_1033 = arith.constant 0 : i32
    %broadcast_in_dim3A_1034 = vector.broadcast %jit3A_1033 : i32 to vector<16xi32>
    %select_n3A_1035 = arith.select %eq3A_1032, %add3A_797, %broadcast_in_dim3A_1034 : vector<16xi1>, vector<16xi32>
    %reduce_sum3A_1036 = arith.constant true
    %reduce_sum3A_1037 = vector.broadcast %reduce_sum3A_1036 : i1 to vector<16xi1>
    %reduce_sum3A_1038 = tpu.scan <sum>, %select_n3A_1035 masked %reduce_sum3A_1037 : vector<16xi32>, vector<16xi1> -> vector<16xi32>
    %reduce_sum3A_1039 = vector.extract %reduce_sum3A_1038[15] : i32 from vector<16xi32>
    %add3A_1040 = vector.broadcast %reduce_sum3A_1039 : i32 to vector<16xi32>
    %add3A_1041 = arith.addi %add3A_1040, %masked_cumsum3A_1029 : vector<16xi32>
    %sub3A_1042 = arith.constant 1 : i32
    %sub3A_1043 = vector.broadcast %sub3A_1042 : i32 to vector<16xi32>
    %sub3A_1044 = arith.subi %add3A_1041, %sub3A_1043 : vector<16xi32>
    %select_n3A_1045 = arith.select %eq3A_1025, %sub3A_1044, %select_n3A_1014 : vector<16xi1>, vector<16xi32>
    %all_reduce_population_count3A_1046 = tpu.all_reduce %eq3A_1025 {dim = 0 : i64, kind = #tpu.reduction_kind<sum>} : vector<16xi1> -> vector<16xi32>
    %eq3A_1047 = arith.constant 7 : i32
    %eq3A_1048 = vector.broadcast %eq3A_1047 : i32 to vector<16xi32>
    %eq3A_1049 = arith.cmpi eq, %iota3A, %eq3A_1048 : vector<16xi32>
    %jit3A_1050 = arith.constant 0 : i32
    %broadcast_in_dim3A_1051 = vector.broadcast %jit3A_1050 : i32 to vector<16xi32>
    %select_n3A_1052 = arith.select %eq3A_1049, %all_reduce_population_count3A_1046, %broadcast_in_dim3A_1051 : vector<16xi1>, vector<16xi32>
    %add3A_1053 = arith.addi %add3A_1022, %select_n3A_1052 : vector<16xi32>
    %swap3A_1054 = arith.constant 48 : index
    %swap3A_1055 = tpu.vector_load %arg13[%swap3A_1054] {strides = array<i32>} : memref<64xi32, #tpu.memory_space<vmem>>, vector<16xi32>,
    tpu.vector_store %arg13[%swap3A_1054], %select_n3A_1045 {strides = array<i32>} : memref<64xi32, #tpu.memory_space<vmem>>, vector<16xi32>,
    %add3A_1056 = arith.addi %add3A_797, %add3A_1053 : vector<16xi32>
    %broadcast_in_dim3A_1057 = arith.constant 0.000000e+00 : f32
    %broadcast_in_dim3A_1058 = vector.broadcast %broadcast_in_dim3A_1057 : f32 to vector<16xf32>
    %swap3A_1059 = arith.constant 0 : i32
    %swap3A_1060 = arith.index_cast %swap3A_1059 : i32 to index
    %swap3A_1061 = arith.constant 0 : index
    %swap3A_1062 = tpu.vector_load %arg15[%swap3A_1060, %swap3A_1061] {strides = array<i32>} : memref<64x128xf32, #tpu.memory_space<vmem>>, vector<16xf32>,
    tpu.vector_store %arg15[%swap3A_1060, %swap3A_1061], %broadcast_in_dim3A_1058 {strides = array<i32>} : memref<64x128xf32, #tpu.memory_space<vmem>>, vector<16xf32>,
    %swap3A_1063 = arith.constant 1 : i32
    %swap3A_1064 = arith.index_cast %swap3A_1063 : i32 to index
    %swap3A_1065 = arith.constant 0 : index
    %swap3A_1066 = tpu.vector_load %arg15[%swap3A_1064, %swap3A_1065] {strides = array<i32>} : memref<64x128xf32, #tpu.memory_space<vmem>>, vector<16xf32>,
    tpu.vector_store %arg15[%swap3A_1064, %swap3A_1065], %broadcast_in_dim3A_1058 {strides = array<i32>} : memref<64x128xf32, #tpu.memory_space<vmem>>, vector<16xf32>,
    %swap3A_1067 = arith.constant 2 : i32
    %swap3A_1068 = arith.index_cast %swap3A_1067 : i32 to index
    %swap3A_1069 = arith.constant 0 : index
    %swap3A_1070 = tpu.vector_load %arg15[%swap3A_1068, %swap3A_1069] {strides = array<i32>} : memref<64x128xf32, #tpu.memory_space<vmem>>, vector<16xf32>,
    tpu.vector_store %arg15[%swap3A_1068, %swap3A_1069], %broadcast_in_dim3A_1058 {strides = array<i32>} : memref<64x128xf32, #tpu.memory_space<vmem>>, vector<16xf32>,
    %swap3A_1071 = arith.constant 3 : i32
    %swap3A_1072 = arith.index_cast %swap3A_1071 : i32 to index
    %swap3A_1073 = arith.constant 0 : index
    %swap3A_1074 = tpu.vector_load %arg15[%swap3A_1072, %swap3A_1073] {strides = array<i32>} : memref<64x128xf32, #tpu.memory_space<vmem>>, vector<16xf32>,
    tpu.vector_store %arg15[%swap3A_1072, %swap3A_1073], %broadcast_in_dim3A_1058 {strides = array<i32>} : memref<64x128xf32, #tpu.memory_space<vmem>>, vector<16xf32>,
    %swap3A_1075 = arith.constant 4 : i32
    %swap3A_1076 = arith.index_cast %swap3A_1075 : i32 to index
    %swap3A_1077 = arith.constant 0 : index
    %swap3A_1078 = tpu.vector_load %arg15[%swap3A_1076, %swap3A_1077] {strides = array<i32>} : memref<64x128xf32, #tpu.memory_space<vmem>>, vector<16xf32>,
    tpu.vector_store %arg15[%swap3A_1076, %swap3A_1077], %broadcast_in_dim3A_1058 {strides = array<i32>} : memref<64x128xf32, #tpu.memory_space<vmem>>, vector<16xf32>,
    %swap3A_1079 = arith.constant 5 : i32
    %swap3A_1080 = arith.index_cast %swap3A_1079 : i32 to index
    %swap3A_1081 = arith.constant 0 : index
    %swap3A_1082 = tpu.vector_load %arg15[%swap3A_1080, %swap3A_1081] {strides = array<i32>} : memref<64x128xf32, #tpu.memory_space<vmem>>, vector<16xf32>,
    tpu.vector_store %arg15[%swap3A_1080, %swap3A_1081], %broadcast_in_dim3A_1058 {strides = array<i32>} : memref<64x128xf32, #tpu.memory_space<vmem>>, vector<16xf32>,
    %swap3A_1083 = arith.constant 6 : i32
    %swap3A_1084 = arith.index_cast %swap3A_1083 : i32 to index
    %swap3A_1085 = arith.constant 0 : index
    %swap3A_1086 = tpu.vector_load %arg15[%swap3A_1084, %swap3A_1085] {strides = array<i32>} : memref<64x128xf32, #tpu.memory_space<vmem>>, vector<16xf32>,
    tpu.vector_store %arg15[%swap3A_1084, %swap3A_1085], %broadcast_in_dim3A_1058 {strides = array<i32>} : memref<64x128xf32, #tpu.memory_space<vmem>>, vector<16xf32>,
    %swap3A_1087 = arith.constant 7 : i32
    %swap3A_1088 = arith.index_cast %swap3A_1087 : i32 to index
    %swap3A_1089 = arith.constant 0 : index
    %swap3A_1090 = tpu.vector_load %arg15[%swap3A_1088, %swap3A_1089] {strides = array<i32>} : memref<64x128xf32, #tpu.memory_space<vmem>>, vector<16xf32>,
    tpu.vector_store %arg15[%swap3A_1088, %swap3A_1089], %broadcast_in_dim3A_1058 {strides = array<i32>} : memref<64x128xf32, #tpu.memory_space<vmem>>, vector<16xf32>,
    %swap3A_1091 = arith.constant 8 : i32
    %swap3A_1092 = arith.index_cast %swap3A_1091 : i32 to index
    %swap3A_1093 = arith.constant 0 : index
    %swap3A_1094 = tpu.vector_load %arg15[%swap3A_1092, %swap3A_1093] {strides = array<i32>} : memref<64x128xf32, #tpu.memory_space<vmem>>, vector<16xf32>,
    tpu.vector_store %arg15[%swap3A_1092, %swap3A_1093], %broadcast_in_dim3A_1058 {strides = array<i32>} : memref<64x128xf32, #tpu.memory_space<vmem>>, vector<16xf32>,
    %swap3A_1095 = arith.constant 9 : i32
    %swap3A_1096 = arith.index_cast %swap3A_1095 : i32 to index
    %swap3A_1097 = arith.constant 0 : index
    %swap3A_1098 = tpu.vector_load %arg15[%swap3A_1096, %swap3A_1097] {strides = array<i32>} : memref<64x128xf32, #tpu.memory_space<vmem>>, vector<16xf32>,
    tpu.vector_store %arg15[%swap3A_1096, %swap3A_1097], %broadcast_in_dim3A_1058 {strides = array<i32>} : memref<64x128xf32, #tpu.memory_space<vmem>>, vector<16xf32>,
    %swap3A_1099 = arith.constant 10 : i32
    %swap3A_1100 = arith.index_cast %swap3A_1099 : i32 to index
    %swap3A_1101 = arith.constant 0 : index
    %swap3A_1102 = tpu.vector_load %arg15[%swap3A_1100, %swap3A_1101] {strides = array<i32>} : memref<64x128xf32, #tpu.memory_space<vmem>>, vector<16xf32>,
    tpu.vector_store %arg15[%swap3A_1100, %swap3A_1101], %broadcast_in_dim3A_1058 {strides = array<i32>} : memref<64x128xf32, #tpu.memory_space<vmem>>, vector<16xf32>,
    %swap3A_1103 = arith.constant 11 : i32
    %swap3A_1104 = arith.index_cast %swap3A_1103 : i32 to index
    %swap3A_1105 = arith.constant 0 : index
    %swap3A_1106 = tpu.vector_load %arg15[%swap3A_1104, %swap3A_1105] {strides = array<i32>} : memref<64x128xf32, #tpu.memory_space<vmem>>, vector<16xf32>,
    tpu.vector_store %arg15[%swap3A_1104, %swap3A_1105], %broadcast_in_dim3A_1058 {strides = array<i32>} : memref<64x128xf32, #tpu.memory_space<vmem>>, vector<16xf32>,
    %swap3A_1107 = arith.constant 12 : i32
    %swap3A_1108 = arith.index_cast %swap3A_1107 : i32 to index
    %swap3A_1109 = arith.constant 0 : index
    %swap3A_1110 = tpu.vector_load %arg15[%swap3A_1108, %swap3A_1109] {strides = array<i32>} : memref<64x128xf32, #tpu.memory_space<vmem>>, vector<16xf32>,
    tpu.vector_store %arg15[%swap3A_1108, %swap3A_1109], %broadcast_in_dim3A_1058 {strides = array<i32>} : memref<64x128xf32, #tpu.memory_space<vmem>>, vector<16xf32>,
    %swap3A_1111 = arith.constant 13 : i32
    %swap3A_1112 = arith.index_cast %swap3A_1111 : i32 to index
    %swap3A_1113 = arith.constant 0 : index
    %swap3A_1114 = tpu.vector_load %arg15[%swap3A_1112, %swap3A_1113] {strides = array<i32>} : memref<64x128xf32, #tpu.memory_space<vmem>>, vector<16xf32>,
    tpu.vector_store %arg15[%swap3A_1112, %swap3A_1113], %broadcast_in_dim3A_1058 {strides = array<i32>} : memref<64x128xf32, #tpu.memory_space<vmem>>, vector<16xf32>,
    %swap3A_1115 = arith.constant 14 : i32
    %swap3A_1116 = arith.index_cast %swap3A_1115 : i32 to index
    %swap3A_1117 = arith.constant 0 : index
    %swap3A_1118 = tpu.vector_load %arg15[%swap3A_1116, %swap3A_1117] {strides = array<i32>} : memref<64x128xf32, #tpu.memory_space<vmem>>, vector<16xf32>,
    tpu.vector_store %arg15[%swap3A_1116, %swap3A_1117], %broadcast_in_dim3A_1058 {strides = array<i32>} : memref<64x128xf32, #tpu.memory_space<vmem>>, vector<16xf32>,
    %swap3A_1119 = arith.constant 15 : i32
    %swap3A_1120 = arith.index_cast %swap3A_1119 : i32 to index
    %swap3A_1121 = arith.constant 0 : index
    %swap3A_1122 = tpu.vector_load %arg15[%swap3A_1120, %swap3A_1121] {strides = array<i32>} : memref<64x128xf32, #tpu.memory_space<vmem>>, vector<16xf32>,
    tpu.vector_store %arg15[%swap3A_1120, %swap3A_1121], %broadcast_in_dim3A_1058 {strides = array<i32>} : memref<64x128xf32, #tpu.memory_space<vmem>>, vector<16xf32>,
    %swap3A_1123 = arith.constant 16 : i32
    %swap3A_1124 = arith.index_cast %swap3A_1123 : i32 to index
    %swap3A_1125 = arith.constant 0 : index
    %swap3A_1126 = tpu.vector_load %arg15[%swap3A_1124, %swap3A_1125] {strides = array<i32>} : memref<64x128xf32, #tpu.memory_space<vmem>>, vector<16xf32>,
    tpu.vector_store %arg15[%swap3A_1124, %swap3A_1125], %broadcast_in_dim3A_1058 {strides = array<i32>} : memref<64x128xf32, #tpu.memory_space<vmem>>, vector<16xf32>,
    %swap3A_1127 = arith.constant 17 : i32
    %swap3A_1128 = arith.index_cast %swap3A_1127 : i32 to index
    %swap3A_1129 = arith.constant 0 : index
    %swap3A_1130 = tpu.vector_load %arg15[%swap3A_1128, %swap3A_1129] {strides = array<i32>} : memref<64x128xf32, #tpu.memory_space<vmem>>, vector<16xf32>,
    tpu.vector_store %arg15[%swap3A_1128, %swap3A_1129], %broadcast_in_dim3A_1058 {strides = array<i32>} : memref<64x128xf32, #tpu.memory_space<vmem>>, vector<16xf32>,
    %swap3A_1131 = arith.constant 18 : i32
    %swap3A_1132 = arith.index_cast %swap3A_1131 : i32 to index
    %swap3A_1133 = arith.constant 0 : index
    %swap3A_1134 = tpu.vector_load %arg15[%swap3A_1132, %swap3A_1133] {strides = array<i32>} : memref<64x128xf32, #tpu.memory_space<vmem>>, vector<16xf32>,
    tpu.vector_store %arg15[%swap3A_1132, %swap3A_1133], %broadcast_in_dim3A_1058 {strides = array<i32>} : memref<64x128xf32, #tpu.memory_space<vmem>>, vector<16xf32>,
    %swap3A_1135 = arith.constant 19 : i32
    %swap3A_1136 = arith.index_cast %swap3A_1135 : i32 to index
    %swap3A_1137 = arith.constant 0 : index
    %swap3A_1138 = tpu.vector_load %arg15[%swap3A_1136, %swap3A_1137] {strides = array<i32>} : memref<64x128xf32, #tpu.memory_space<vmem>>, vector<16xf32>,
    tpu.vector_store %arg15[%swap3A_1136, %swap3A_1137], %broadcast_in_dim3A_1058 {strides = array<i32>} : memref<64x128xf32, #tpu.memory_space<vmem>>, vector<16xf32>,
    %swap3A_1139 = arith.constant 20 : i32
    %swap3A_1140 = arith.index_cast %swap3A_1139 : i32 to index
    %swap3A_1141 = arith.constant 0 : index
    %swap3A_1142 = tpu.vector_load %arg15[%swap3A_1140, %swap3A_1141] {strides = array<i32>} : memref<64x128xf32, #tpu.memory_space<vmem>>, vector<16xf32>,
    tpu.vector_store %arg15[%swap3A_1140, %swap3A_1141], %broadcast_in_dim3A_1058 {strides = array<i32>} : memref<64x128xf32, #tpu.memory_space<vmem>>, vector<16xf32>,
    %swap3A_1143 = arith.constant 21 : i32
    %swap3A_1144 = arith.index_cast %swap3A_1143 : i32 to index
    %swap3A_1145 = arith.constant 0 : index
    %swap3A_1146 = tpu.vector_load %arg15[%swap3A_1144, %swap3A_1145] {strides = array<i32>} : memref<64x128xf32, #tpu.memory_space<vmem>>, vector<16xf32>,
    tpu.vector_store %arg15[%swap3A_1144, %swap3A_1145], %broadcast_in_dim3A_1058 {strides = array<i32>} : memref<64x128xf32, #tpu.memory_space<vmem>>, vector<16xf32>,
    %swap3A_1147 = arith.constant 22 : i32
    %swap3A_1148 = arith.index_cast %swap3A_1147 : i32 to index
    %swap3A_1149 = arith.constant 0 : index
    %swap3A_1150 = tpu.vector_load %arg15[%swap3A_1148, %swap3A_1149] {strides = array<i32>} : memref<64x128xf32, #tpu.memory_space<vmem>>, vector<16xf32>,
    tpu.vector_store %arg15[%swap3A_1148, %swap3A_1149], %broadcast_in_dim3A_1058 {strides = array<i32>} : memref<64x128xf32, #tpu.memory_space<vmem>>, vector<16xf32>,
    %swap3A_1151 = arith.constant 23 : i32
    %swap3A_1152 = arith.index_cast %swap3A_1151 : i32 to index
    %swap3A_1153 = arith.constant 0 : index
    %swap3A_1154 = tpu.vector_load %arg15[%swap3A_1152, %swap3A_1153] {strides = array<i32>} : memref<64x128xf32, #tpu.memory_space<vmem>>, vector<16xf32>,
    tpu.vector_store %arg15[%swap3A_1152, %swap3A_1153], %broadcast_in_dim3A_1058 {strides = array<i32>} : memref<64x128xf32, #tpu.memory_space<vmem>>, vector<16xf32>,
    %swap3A_1155 = arith.constant 24 : i32
    %swap3A_1156 = arith.index_cast %swap3A_1155 : i32 to index
    %swap3A_1157 = arith.constant 0 : index
    %swap3A_1158 = tpu.vector_load %arg15[%swap3A_1156, %swap3A_1157] {strides = array<i32>} : memref<64x128xf32, #tpu.memory_space<vmem>>, vector<16xf32>,
    tpu.vector_store %arg15[%swap3A_1156, %swap3A_1157], %broadcast_in_dim3A_1058 {strides = array<i32>} : memref<64x128xf32, #tpu.memory_space<vmem>>, vector<16xf32>,
    %swap3A_1159 = arith.constant 25 : i32
    %swap3A_1160 = arith.index_cast %swap3A_1159 : i32 to index
    %swap3A_1161 = arith.constant 0 : index
    %swap3A_1162 = tpu.vector_load %arg15[%swap3A_1160, %swap3A_1161] {strides = array<i32>} : memref<64x128xf32, #tpu.memory_space<vmem>>, vector<16xf32>,
    tpu.vector_store %arg15[%swap3A_1160, %swap3A_1161], %broadcast_in_dim3A_1058 {strides = array<i32>} : memref<64x128xf32, #tpu.memory_space<vmem>>, vector<16xf32>,
    %swap3A_1163 = arith.constant 26 : i32
    %swap3A_1164 = arith.index_cast %swap3A_1163 : i32 to index
    %swap3A_1165 = arith.constant 0 : index
    %swap3A_1166 = tpu.vector_load %arg15[%swap3A_1164, %swap3A_1165] {strides = array<i32>} : memref<64x128xf32, #tpu.memory_space<vmem>>, vector<16xf32>,
    tpu.vector_store %arg15[%swap3A_1164, %swap3A_1165], %broadcast_in_dim3A_1058 {strides = array<i32>} : memref<64x128xf32, #tpu.memory_space<vmem>>, vector<16xf32>,
    %swap3A_1167 = arith.constant 27 : i32
    %swap3A_1168 = arith.index_cast %swap3A_1167 : i32 to index
    %swap3A_1169 = arith.constant 0 : index
    %swap3A_1170 = tpu.vector_load %arg15[%swap3A_1168, %swap3A_1169] {strides = array<i32>} : memref<64x128xf32, #tpu.memory_space<vmem>>, vector<16xf32>,
    tpu.vector_store %arg15[%swap3A_1168, %swap3A_1169], %broadcast_in_dim3A_1058 {strides = array<i32>} : memref<64x128xf32, #tpu.memory_space<vmem>>, vector<16xf32>,
    %swap3A_1171 = arith.constant 28 : i32
    %swap3A_1172 = arith.index_cast %swap3A_1171 : i32 to index
    %swap3A_1173 = arith.constant 0 : index
    %swap3A_1174 = tpu.vector_load %arg15[%swap3A_1172, %swap3A_1173] {strides = array<i32>} : memref<64x128xf32, #tpu.memory_space<vmem>>, vector<16xf32>,
    tpu.vector_store %arg15[%swap3A_1172, %swap3A_1173], %broadcast_in_dim3A_1058 {strides = array<i32>} : memref<64x128xf32, #tpu.memory_space<vmem>>, vector<16xf32>,
    %swap3A_1175 = arith.constant 29 : i32
    %swap3A_1176 = arith.index_cast %swap3A_1175 : i32 to index
    %swap3A_1177 = arith.constant 0 : index
    %swap3A_1178 = tpu.vector_load %arg15[%swap3A_1176, %swap3A_1177] {strides = array<i32>} : memref<64x128xf32, #tpu.memory_space<vmem>>, vector<16xf32>,
    tpu.vector_store %arg15[%swap3A_1176, %swap3A_1177], %broadcast_in_dim3A_1058 {strides = array<i32>} : memref<64x128xf32, #tpu.memory_space<vmem>>, vector<16xf32>,
    %swap3A_1179 = arith.constant 30 : i32
    %swap3A_1180 = arith.index_cast %swap3A_1179 : i32 to index
    %swap3A_1181 = arith.constant 0 : index
    %swap3A_1182 = tpu.vector_load %arg15[%swap3A_1180, %swap3A_1181] {strides = array<i32>} : memref<64x128xf32, #tpu.memory_space<vmem>>, vector<16xf32>,
    tpu.vector_store %arg15[%swap3A_1180, %swap3A_1181], %broadcast_in_dim3A_1058 {strides = array<i32>} : memref<64x128xf32, #tpu.memory_space<vmem>>, vector<16xf32>,
    %swap3A_1183 = arith.constant 31 : i32
    %swap3A_1184 = arith.index_cast %swap3A_1183 : i32 to index
    %swap3A_1185 = arith.constant 0 : index
    %swap3A_1186 = tpu.vector_load %arg15[%swap3A_1184, %swap3A_1185] {strides = array<i32>} : memref<64x128xf32, #tpu.memory_space<vmem>>, vector<16xf32>,
    tpu.vector_store %arg15[%swap3A_1184, %swap3A_1185], %broadcast_in_dim3A_1058 {strides = array<i32>} : memref<64x128xf32, #tpu.memory_space<vmem>>, vector<16xf32>,
    %swap3A_1187 = arith.constant 32 : i32
    %swap3A_1188 = arith.index_cast %swap3A_1187 : i32 to index
    %swap3A_1189 = arith.constant 0 : index
    %swap3A_1190 = tpu.vector_load %arg15[%swap3A_1188, %swap3A_1189] {strides = array<i32>} : memref<64x128xf32, #tpu.memory_space<vmem>>, vector<16xf32>,
    tpu.vector_store %arg15[%swap3A_1188, %swap3A_1189], %broadcast_in_dim3A_1058 {strides = array<i32>} : memref<64x128xf32, #tpu.memory_space<vmem>>, vector<16xf32>,
    %swap3A_1191 = arith.constant 33 : i32
    %swap3A_1192 = arith.index_cast %swap3A_1191 : i32 to index
    %swap3A_1193 = arith.constant 0 : index
    %swap3A_1194 = tpu.vector_load %arg15[%swap3A_1192, %swap3A_1193] {strides = array<i32>} : memref<64x128xf32, #tpu.memory_space<vmem>>, vector<16xf32>,
    tpu.vector_store %arg15[%swap3A_1192, %swap3A_1193], %broadcast_in_dim3A_1058 {strides = array<i32>} : memref<64x128xf32, #tpu.memory_space<vmem>>, vector<16xf32>,
    %swap3A_1195 = arith.constant 34 : i32
    %swap3A_1196 = arith.index_cast %swap3A_1195 : i32 to index
    %swap3A_1197 = arith.constant 0 : index
    %swap3A_1198 = tpu.vector_load %arg15[%swap3A_1196, %swap3A_1197] {strides = array<i32>} : memref<64x128xf32, #tpu.memory_space<vmem>>, vector<16xf32>,
    tpu.vector_store %arg15[%swap3A_1196, %swap3A_1197], %broadcast_in_dim3A_1058 {strides = array<i32>} : memref<64x128xf32, #tpu.memory_space<vmem>>, vector<16xf32>,
    %swap3A_1199 = arith.constant 35 : i32
    %swap3A_1200 = arith.index_cast %swap3A_1199 : i32 to index
    %swap3A_1201 = arith.constant 0 : index
    %swap3A_1202 = tpu.vector_load %arg15[%swap3A_1200, %swap3A_1201] {strides = array<i32>} : memref<64x128xf32, #tpu.memory_space<vmem>>, vector<16xf32>,
    tpu.vector_store %arg15[%swap3A_1200, %swap3A_1201], %broadcast_in_dim3A_1058 {strides = array<i32>} : memref<64x128xf32, #tpu.memory_space<vmem>>, vector<16xf32>,
    %swap3A_1203 = arith.constant 36 : i32
    %swap3A_1204 = arith.index_cast %swap3A_1203 : i32 to index
    %swap3A_1205 = arith.constant 0 : index
    %swap3A_1206 = tpu.vector_load %arg15[%swap3A_1204, %swap3A_1205] {strides = array<i32>} : memref<64x128xf32, #tpu.memory_space<vmem>>, vector<16xf32>,
    tpu.vector_store %arg15[%swap3A_1204, %swap3A_1205], %broadcast_in_dim3A_1058 {strides = array<i32>} : memref<64x128xf32, #tpu.memory_space<vmem>>, vector<16xf32>,
    %swap3A_1207 = arith.constant 37 : i32
    %swap3A_1208 = arith.index_cast %swap3A_1207 : i32 to index
    %swap3A_1209 = arith.constant 0 : index
    %swap3A_1210 = tpu.vector_load %arg15[%swap3A_1208, %swap3A_1209] {strides = array<i32>} : memref<64x128xf32, #tpu.memory_space<vmem>>, vector<16xf32>,
    tpu.vector_store %arg15[%swap3A_1208, %swap3A_1209], %broadcast_in_dim3A_1058 {strides = array<i32>} : memref<64x128xf32, #tpu.memory_space<vmem>>, vector<16xf32>,
    %swap3A_1211 = arith.constant 38 : i32
    %swap3A_1212 = arith.index_cast %swap3A_1211 : i32 to index
    %swap3A_1213 = arith.constant 0 : index
    %swap3A_1214 = tpu.vector_load %arg15[%swap3A_1212, %swap3A_1213] {strides = array<i32>} : memref<64x128xf32, #tpu.memory_space<vmem>>, vector<16xf32>,
    tpu.vector_store %arg15[%swap3A_1212, %swap3A_1213], %broadcast_in_dim3A_1058 {strides = array<i32>} : memref<64x128xf32, #tpu.memory_space<vmem>>, vector<16xf32>,
    %swap3A_1215 = arith.constant 39 : i32
    %swap3A_1216 = arith.index_cast %swap3A_1215 : i32 to index
    %swap3A_1217 = arith.constant 0 : index
    %swap3A_1218 = tpu.vector_load %arg15[%swap3A_1216, %swap3A_1217] {strides = array<i32>} : memref<64x128xf32, #tpu.memory_space<vmem>>, vector<16xf32>,
    tpu.vector_store %arg15[%swap3A_1216, %swap3A_1217], %broadcast_in_dim3A_1058 {strides = array<i32>} : memref<64x128xf32, #tpu.memory_space<vmem>>, vector<16xf32>,
    %swap3A_1219 = arith.constant 40 : i32
    %swap3A_1220 = arith.index_cast %swap3A_1219 : i32 to index
    %swap3A_1221 = arith.constant 0 : index
    %swap3A_1222 = tpu.vector_load %arg15[%swap3A_1220, %swap3A_1221] {strides = array<i32>} : memref<64x128xf32, #tpu.memory_space<vmem>>, vector<16xf32>,
    tpu.vector_store %arg15[%swap3A_1220, %swap3A_1221], %broadcast_in_dim3A_1058 {strides = array<i32>} : memref<64x128xf32, #tpu.memory_space<vmem>>, vector<16xf32>,
    %swap3A_1223 = arith.constant 41 : i32
    %swap3A_1224 = arith.index_cast %swap3A_1223 : i32 to index
    %swap3A_1225 = arith.constant 0 : index
    %swap3A_1226 = tpu.vector_load %arg15[%swap3A_1224, %swap3A_1225] {strides = array<i32>} : memref<64x128xf32, #tpu.memory_space<vmem>>, vector<16xf32>,
    tpu.vector_store %arg15[%swap3A_1224, %swap3A_1225], %broadcast_in_dim3A_1058 {strides = array<i32>} : memref<64x128xf32, #tpu.memory_space<vmem>>, vector<16xf32>,
    %swap3A_1227 = arith.constant 42 : i32
    %swap3A_1228 = arith.index_cast %swap3A_1227 : i32 to index
    %swap3A_1229 = arith.constant 0 : index
    %swap3A_1230 = tpu.vector_load %arg15[%swap3A_1228, %swap3A_1229] {strides = array<i32>} : memref<64x128xf32, #tpu.memory_space<vmem>>, vector<16xf32>,
    tpu.vector_store %arg15[%swap3A_1228, %swap3A_1229], %broadcast_in_dim3A_1058 {strides = array<i32>} : memref<64x128xf32, #tpu.memory_space<vmem>>, vector<16xf32>,
    %swap3A_1231 = arith.constant 43 : i32
    %swap3A_1232 = arith.index_cast %swap3A_1231 : i32 to index
    %swap3A_1233 = arith.constant 0 : index
    %swap3A_1234 = tpu.vector_load %arg15[%swap3A_1232, %swap3A_1233] {strides = array<i32>} : memref<64x128xf32, #tpu.memory_space<vmem>>, vector<16xf32>,
    tpu.vector_store %arg15[%swap3A_1232, %swap3A_1233], %broadcast_in_dim3A_1058 {strides = array<i32>} : memref<64x128xf32, #tpu.memory_space<vmem>>, vector<16xf32>,
    %swap3A_1235 = arith.constant 44 : i32
    %swap3A_1236 = arith.index_cast %swap3A_1235 : i32 to index
    %swap3A_1237 = arith.constant 0 : index
    %swap3A_1238 = tpu.vector_load %arg15[%swap3A_1236, %swap3A_1237] {strides = array<i32>} : memref<64x128xf32, #tpu.memory_space<vmem>>, vector<16xf32>,
    tpu.vector_store %arg15[%swap3A_1236, %swap3A_1237], %broadcast_in_dim3A_1058 {strides = array<i32>} : memref<64x128xf32, #tpu.memory_space<vmem>>, vector<16xf32>,
    %swap3A_1239 = arith.constant 45 : i32
    %swap3A_1240 = arith.index_cast %swap3A_1239 : i32 to index
    %swap3A_1241 = arith.constant 0 : index
    %swap3A_1242 = tpu.vector_load %arg15[%swap3A_1240, %swap3A_1241] {strides = array<i32>} : memref<64x128xf32, #tpu.memory_space<vmem>>, vector<16xf32>,
    tpu.vector_store %arg15[%swap3A_1240, %swap3A_1241], %broadcast_in_dim3A_1058 {strides = array<i32>} : memref<64x128xf32, #tpu.memory_space<vmem>>, vector<16xf32>,
    %swap3A_1243 = arith.constant 46 : i32
    %swap3A_1244 = arith.index_cast %swap3A_1243 : i32 to index
    %swap3A_1245 = arith.constant 0 : index
    %swap3A_1246 = tpu.vector_load %arg15[%swap3A_1244, %swap3A_1245] {strides = array<i32>} : memref<64x128xf32, #tpu.memory_space<vmem>>, vector<16xf32>,
    tpu.vector_store %arg15[%swap3A_1244, %swap3A_1245], %broadcast_in_dim3A_1058 {strides = array<i32>} : memref<64x128xf32, #tpu.memory_space<vmem>>, vector<16xf32>,
    %swap3A_1247 = arith.constant 47 : i32
    %swap3A_1248 = arith.index_cast %swap3A_1247 : i32 to index
    %swap3A_1249 = arith.constant 0 : index
    %swap3A_1250 = tpu.vector_load %arg15[%swap3A_1248, %swap3A_1249] {strides = array<i32>} : memref<64x128xf32, #tpu.memory_space<vmem>>, vector<16xf32>,
    tpu.vector_store %arg15[%swap3A_1248, %swap3A_1249], %broadcast_in_dim3A_1058 {strides = array<i32>} : memref<64x128xf32, #tpu.memory_space<vmem>>, vector<16xf32>,
    %swap3A_1251 = arith.constant 48 : i32
    %swap3A_1252 = arith.index_cast %swap3A_1251 : i32 to index
    %swap3A_1253 = arith.constant 0 : index
    %swap3A_1254 = tpu.vector_load %arg15[%swap3A_1252, %swap3A_1253] {strides = array<i32>} : memref<64x128xf32, #tpu.memory_space<vmem>>, vector<16xf32>,
    tpu.vector_store %arg15[%swap3A_1252, %swap3A_1253], %broadcast_in_dim3A_1058 {strides = array<i32>} : memref<64x128xf32, #tpu.memory_space<vmem>>, vector<16xf32>,
    %swap3A_1255 = arith.constant 49 : i32
    %swap3A_1256 = arith.index_cast %swap3A_1255 : i32 to index
    %swap3A_1257 = arith.constant 0 : index
    %swap3A_1258 = tpu.vector_load %arg15[%swap3A_1256, %swap3A_1257] {strides = array<i32>} : memref<64x128xf32, #tpu.memory_space<vmem>>, vector<16xf32>,
    tpu.vector_store %arg15[%swap3A_1256, %swap3A_1257], %broadcast_in_dim3A_1058 {strides = array<i32>} : memref<64x128xf32, #tpu.memory_space<vmem>>, vector<16xf32>,
    %swap3A_1259 = arith.constant 50 : i32
    %swap3A_1260 = arith.index_cast %swap3A_1259 : i32 to index
    %swap3A_1261 = arith.constant 0 : index
    %swap3A_1262 = tpu.vector_load %arg15[%swap3A_1260, %swap3A_1261] {strides = array<i32>} : memref<64x128xf32, #tpu.memory_space<vmem>>, vector<16xf32>,
    tpu.vector_store %arg15[%swap3A_1260, %swap3A_1261], %broadcast_in_dim3A_1058 {strides = array<i32>} : memref<64x128xf32, #tpu.memory_space<vmem>>, vector<16xf32>,
    %swap3A_1263 = arith.constant 51 : i32
    %swap3A_1264 = arith.index_cast %swap3A_1263 : i32 to index
    %swap3A_1265 = arith.constant 0 : index
    %swap3A_1266 = tpu.vector_load %arg15[%swap3A_1264, %swap3A_1265] {strides = array<i32>} : memref<64x128xf32, #tpu.memory_space<vmem>>, vector<16xf32>,
    tpu.vector_store %arg15[%swap3A_1264, %swap3A_1265], %broadcast_in_dim3A_1058 {strides = array<i32>} : memref<64x128xf32, #tpu.memory_space<vmem>>, vector<16xf32>,
    %swap3A_1267 = arith.constant 52 : i32
    %swap3A_1268 = arith.index_cast %swap3A_1267 : i32 to index
    %swap3A_1269 = arith.constant 0 : index
    %swap3A_1270 = tpu.vector_load %arg15[%swap3A_1268, %swap3A_1269] {strides = array<i32>} : memref<64x128xf32, #tpu.memory_space<vmem>>, vector<16xf32>,
    tpu.vector_store %arg15[%swap3A_1268, %swap3A_1269], %broadcast_in_dim3A_1058 {strides = array<i32>} : memref<64x128xf32, #tpu.memory_space<vmem>>, vector<16xf32>,
    %swap3A_1271 = arith.constant 53 : i32
    %swap3A_1272 = arith.index_cast %swap3A_1271 : i32 to index
    %swap3A_1273 = arith.constant 0 : index
    %swap3A_1274 = tpu.vector_load %arg15[%swap3A_1272, %swap3A_1273] {strides = array<i32>} : memref<64x128xf32, #tpu.memory_space<vmem>>, vector<16xf32>,
    tpu.vector_store %arg15[%swap3A_1272, %swap3A_1273], %broadcast_in_dim3A_1058 {strides = array<i32>} : memref<64x128xf32, #tpu.memory_space<vmem>>, vector<16xf32>,
    %swap3A_1275 = arith.constant 54 : i32
    %swap3A_1276 = arith.index_cast %swap3A_1275 : i32 to index
    %swap3A_1277 = arith.constant 0 : index
    %swap3A_1278 = tpu.vector_load %arg15[%swap3A_1276, %swap3A_1277] {strides = array<i32>} : memref<64x128xf32, #tpu.memory_space<vmem>>, vector<16xf32>,
    tpu.vector_store %arg15[%swap3A_1276, %swap3A_1277], %broadcast_in_dim3A_1058 {strides = array<i32>} : memref<64x128xf32, #tpu.memory_space<vmem>>, vector<16xf32>,
    %swap3A_1279 = arith.constant 55 : i32
    %swap3A_1280 = arith.index_cast %swap3A_1279 : i32 to index
    %swap3A_1281 = arith.constant 0 : index
    %swap3A_1282 = tpu.vector_load %arg15[%swap3A_1280, %swap3A_1281] {strides = array<i32>} : memref<64x128xf32, #tpu.memory_space<vmem>>, vector<16xf32>,
    tpu.vector_store %arg15[%swap3A_1280, %swap3A_1281], %broadcast_in_dim3A_1058 {strides = array<i32>} : memref<64x128xf32, #tpu.memory_space<vmem>>, vector<16xf32>,
    %swap3A_1283 = arith.constant 56 : i32
    %swap3A_1284 = arith.index_cast %swap3A_1283 : i32 to index
    %swap3A_1285 = arith.constant 0 : index
    %swap3A_1286 = tpu.vector_load %arg15[%swap3A_1284, %swap3A_1285] {strides = array<i32>} : memref<64x128xf32, #tpu.memory_space<vmem>>, vector<16xf32>,
    tpu.vector_store %arg15[%swap3A_1284, %swap3A_1285], %broadcast_in_dim3A_1058 {strides = array<i32>} : memref<64x128xf32, #tpu.memory_space<vmem>>, vector<16xf32>,
    %swap3A_1287 = arith.constant 57 : i32
    %swap3A_1288 = arith.index_cast %swap3A_1287 : i32 to index
    %swap3A_1289 = arith.constant 0 : index
    %swap3A_1290 = tpu.vector_load %arg15[%swap3A_1288, %swap3A_1289] {strides = array<i32>} : memref<64x128xf32, #tpu.memory_space<vmem>>, vector<16xf32>,
    tpu.vector_store %arg15[%swap3A_1288, %swap3A_1289], %broadcast_in_dim3A_1058 {strides = array<i32>} : memref<64x128xf32, #tpu.memory_space<vmem>>, vector<16xf32>,
    %swap3A_1291 = arith.constant 58 : i32
    %swap3A_1292 = arith.index_cast %swap3A_1291 : i32 to index
    %swap3A_1293 = arith.constant 0 : index
    %swap3A_1294 = tpu.vector_load %arg15[%swap3A_1292, %swap3A_1293] {strides = array<i32>} : memref<64x128xf32, #tpu.memory_space<vmem>>, vector<16xf32>,
    tpu.vector_store %arg15[%swap3A_1292, %swap3A_1293], %broadcast_in_dim3A_1058 {strides = array<i32>} : memref<64x128xf32, #tpu.memory_space<vmem>>, vector<16xf32>,
    %swap3A_1295 = arith.constant 59 : i32
    %swap3A_1296 = arith.index_cast %swap3A_1295 : i32 to index
    %swap3A_1297 = arith.constant 0 : index
    %swap3A_1298 = tpu.vector_load %arg15[%swap3A_1296, %swap3A_1297] {strides = array<i32>} : memref<64x128xf32, #tpu.memory_space<vmem>>, vector<16xf32>,
    tpu.vector_store %arg15[%swap3A_1296, %swap3A_1297], %broadcast_in_dim3A_1058 {strides = array<i32>} : memref<64x128xf32, #tpu.memory_space<vmem>>, vector<16xf32>,
    %swap3A_1299 = arith.constant 60 : i32
    %swap3A_1300 = arith.index_cast %swap3A_1299 : i32 to index
    %swap3A_1301 = arith.constant 0 : index
    %swap3A_1302 = tpu.vector_load %arg15[%swap3A_1300, %swap3A_1301] {strides = array<i32>} : memref<64x128xf32, #tpu.memory_space<vmem>>, vector<16xf32>,
    tpu.vector_store %arg15[%swap3A_1300, %swap3A_1301], %broadcast_in_dim3A_1058 {strides = array<i32>} : memref<64x128xf32, #tpu.memory_space<vmem>>, vector<16xf32>,
    %swap3A_1303 = arith.constant 61 : i32
    %swap3A_1304 = arith.index_cast %swap3A_1303 : i32 to index
    %swap3A_1305 = arith.constant 0 : index
    %swap3A_1306 = tpu.vector_load %arg15[%swap3A_1304, %swap3A_1305] {strides = array<i32>} : memref<64x128xf32, #tpu.memory_space<vmem>>, vector<16xf32>,
    tpu.vector_store %arg15[%swap3A_1304, %swap3A_1305], %broadcast_in_dim3A_1058 {strides = array<i32>} : memref<64x128xf32, #tpu.memory_space<vmem>>, vector<16xf32>,
    %swap3A_1307 = arith.constant 62 : i32
    %swap3A_1308 = arith.index_cast %swap3A_1307 : i32 to index
    %swap3A_1309 = arith.constant 0 : index
    %swap3A_1310 = tpu.vector_load %arg15[%swap3A_1308, %swap3A_1309] {strides = array<i32>} : memref<64x128xf32, #tpu.memory_space<vmem>>, vector<16xf32>,
    tpu.vector_store %arg15[%swap3A_1308, %swap3A_1309], %broadcast_in_dim3A_1058 {strides = array<i32>} : memref<64x128xf32, #tpu.memory_space<vmem>>, vector<16xf32>,
    %swap3A_1311 = arith.constant 63 : i32
    %swap3A_1312 = arith.index_cast %swap3A_1311 : i32 to index
    %swap3A_1313 = arith.constant 0 : index
    %swap3A_1314 = tpu.vector_load %arg15[%swap3A_1312, %swap3A_1313] {strides = array<i32>} : memref<64x128xf32, #tpu.memory_space<vmem>>, vector<16xf32>,
    tpu.vector_store %arg15[%swap3A_1312, %swap3A_1313], %broadcast_in_dim3A_1058 {strides = array<i32>} : memref<64x128xf32, #tpu.memory_space<vmem>>, vector<16xf32>,
    %dma_wait3A = tpu.memref_slice %arg3[%mul3A_2] : memref<2048xi32, #tpu.memory_space<hbm>> -> memref<64xi32, #tpu.memory_space<hbm>>
    %dma_wait3A_1315 = tpu.memref_slice %arg3[%mul3A_2] : memref<2048xi32, #tpu.memory_space<hbm>> -> memref<64xi32, #tpu.memory_space<hbm>>
    tpu.wait_dma2 semaphore(%arg19 : memref<!tpu.dma_semaphore, #tpu.memory_space<semaphore_mem>>) src(%dma_wait3A_1315 : memref<64xi32, #tpu.memory_space<hbm>>) dst(%arg11 : memref<64xi32, #tpu.memory_space<vmem>>)
    %dma_wait3A_1316 = tpu.memref_slice %arg4[%mul3A_5] : memref<512xi32, #tpu.memory_space<hbm>> -> memref<16xi32, #tpu.memory_space<hbm>>
    %dma_wait3A_1317 = tpu.memref_slice %arg4[%mul3A_5] : memref<512xi32, #tpu.memory_space<hbm>> -> memref<16xi32, #tpu.memory_space<hbm>>
    tpu.wait_dma2 semaphore(%arg19 : memref<!tpu.dma_semaphore, #tpu.memory_space<semaphore_mem>>) src(%dma_wait3A_1317 : memref<16xi32, #tpu.memory_space<hbm>>) dst(%arg12 : memref<16xi32, #tpu.memory_space<vmem>>)
    %get3A_1318 = arith.constant 0 : index
    %get3A_1319 = tpu.vector_load %arg12[%get3A_1318] {strides = array<i32>} : memref<16xi32, #tpu.memory_space<vmem>>, vector<16xi32>,
    %add3A_1320 = arith.constant 0 : i32
    %add3A_1321 = vector.broadcast %add3A_1320 : i32 to vector<16xi32>
    %add3A_1322 = arith.addi %iota3A, %add3A_1321 : vector<16xi32>
    %get3A_1323 = arith.constant 0 : index
    %get3A_1324 = tpu.vector_load %arg11[%get3A_1323] {strides = array<i32>} : memref<64xi32, #tpu.memory_space<vmem>>, vector<16xi32>,
    %broadcast_in_dim3A_1325 = arith.constant 0 : i32
    %broadcast_in_dim3A_1326 = vector.broadcast %broadcast_in_dim3A_1325 : i32 to vector<16xi32>
    %convert_element_type3A_1327 = arith.sitofp %get3A_1324 : vector<16xi32> to vector<16xf32>
    tpu.vector_store_idx %arg15[%add3A_1322, %broadcast_in_dim3A_1326], %convert_element_type3A_1327 : memref<64x128xf32, #tpu.memory_space<vmem>>[vector<16xi32>, vector<16xi32>], vector<16xf32>,
    %eq3A_1328 = arith.constant 0 : i32
    %eq3A_1329 = vector.broadcast %eq3A_1328 : i32 to vector<16xi32>
    %eq3A_1330 = arith.cmpi eq, %iota3A, %eq3A_1329 : vector<16xi32>
    %jit3A_1331 = arith.constant 0 : i32
    %broadcast_in_dim3A_1332 = vector.broadcast %jit3A_1331 : i32 to vector<16xi32>
    %select_n3A_1333 = arith.select %eq3A_1330, %get3A_1319, %broadcast_in_dim3A_1332 : vector<16xi1>, vector<16xi32>
    %reduce_sum3A_1334 = arith.constant true
    %reduce_sum3A_1335 = vector.broadcast %reduce_sum3A_1334 : i1 to vector<16xi1>
    %reduce_sum3A_1336 = tpu.scan <sum>, %select_n3A_1333 masked %reduce_sum3A_1335 : vector<16xi32>, vector<16xi1> -> vector<16xi32>
    %reduce_sum3A_1337 = vector.extract %reduce_sum3A_1336[15] : i32 from vector<16xi32>
    %eq3A_1338 = arith.constant 0 : i32
    %eq3A_1339 = vector.broadcast %eq3A_1338 : i32 to vector<16xi32>
    %eq3A_1340 = arith.cmpi eq, %get3A_1324, %eq3A_1339 : vector<16xi32>
    %convert_element_type3A_1341 = arith.sitofp %reduce_sum3A_1337 : i32 to f32
    %jit3A_1342 = arith.constant -1.000000e+00 : f32
    %broadcast_in_dim3A_1343 = vector.broadcast %jit3A_1342 : f32 to vector<16xf32>
    %broadcast_in_dim3A_1344 = vector.broadcast %convert_element_type3A_1341 : f32 to vector<16xf32>
    %select_n3A_1345 = arith.select %eq3A_1340, %broadcast_in_dim3A_1343, %broadcast_in_dim3A_1344 : vector<16xi1>, vector<16xf32>
    %broadcast_in_dim3A_1346 = arith.constant 1 : i32
    %broadcast_in_dim3A_1347 = vector.broadcast %broadcast_in_dim3A_1346 : i32 to vector<16xi32>
    tpu.vector_store_idx %arg15[%add3A_1322, %broadcast_in_dim3A_1347], %select_n3A_1345 : memref<64x128xf32, #tpu.memory_space<vmem>>[vector<16xi32>, vector<16xi32>], vector<16xf32>,
    %eq3A_1348 = arith.constant 1 : i32
    %eq3A_1349 = vector.broadcast %eq3A_1348 : i32 to vector<16xi32>
    %eq3A_1350 = arith.cmpi eq, %iota3A, %eq3A_1349 : vector<16xi32>
    %jit3A_1351 = arith.constant 0 : i32
    %broadcast_in_dim3A_1352 = vector.broadcast %jit3A_1351 : i32 to vector<16xi32>
    %select_n3A_1353 = arith.select %eq3A_1350, %get3A_1319, %broadcast_in_dim3A_1352 : vector<16xi1>, vector<16xi32>
    %reduce_sum3A_1354 = arith.constant true
    %reduce_sum3A_1355 = vector.broadcast %reduce_sum3A_1354 : i1 to vector<16xi1>
    %reduce_sum3A_1356 = tpu.scan <sum>, %select_n3A_1353 masked %reduce_sum3A_1355 : vector<16xi32>, vector<16xi1> -> vector<16xi32>
    %reduce_sum3A_1357 = vector.extract %reduce_sum3A_1356[15] : i32 from vector<16xi32>
    %eq3A_1358 = arith.constant 1 : i32
    %eq3A_1359 = vector.broadcast %eq3A_1358 : i32 to vector<16xi32>
    %eq3A_1360 = arith.cmpi eq, %get3A_1324, %eq3A_1359 : vector<16xi32>
    %convert_element_type3A_1361 = arith.sitofp %reduce_sum3A_1357 : i32 to f32
    %jit3A_1362 = arith.constant -1.000000e+00 : f32
    %broadcast_in_dim3A_1363 = vector.broadcast %jit3A_1362 : f32 to vector<16xf32>
    %broadcast_in_dim3A_1364 = vector.broadcast %convert_element_type3A_1361 : f32 to vector<16xf32>
    %select_n3A_1365 = arith.select %eq3A_1360, %broadcast_in_dim3A_1363, %broadcast_in_dim3A_1364 : vector<16xi1>, vector<16xf32>
    %broadcast_in_dim3A_1366 = arith.constant 2 : i32
    %broadcast_in_dim3A_1367 = vector.broadcast %broadcast_in_dim3A_1366 : i32 to vector<16xi32>
    tpu.vector_store_idx %arg15[%add3A_1322, %broadcast_in_dim3A_1367], %select_n3A_1365 : memref<64x128xf32, #tpu.memory_space<vmem>>[vector<16xi32>, vector<16xi32>], vector<16xf32>,
    %eq3A_1368 = arith.constant 2 : i32
    %eq3A_1369 = vector.broadcast %eq3A_1368 : i32 to vector<16xi32>
    %eq3A_1370 = arith.cmpi eq, %iota3A, %eq3A_1369 : vector<16xi32>
    %jit3A_1371 = arith.constant 0 : i32
    %broadcast_in_dim3A_1372 = vector.broadcast %jit3A_1371 : i32 to vector<16xi32>
    %select_n3A_1373 = arith.select %eq3A_1370, %get3A_1319, %broadcast_in_dim3A_1372 : vector<16xi1>, vector<16xi32>
    %reduce_sum3A_1374 = arith.constant true
    %reduce_sum3A_1375 = vector.broadcast %reduce_sum3A_1374 : i1 to vector<16xi1>
    %reduce_sum3A_1376 = tpu.scan <sum>, %select_n3A_1373 masked %reduce_sum3A_1375 : vector<16xi32>, vector<16xi1> -> vector<16xi32>
    %reduce_sum3A_1377 = vector.extract %reduce_sum3A_1376[15] : i32 from vector<16xi32>
    %eq3A_1378 = arith.constant 2 : i32
    %eq3A_1379 = vector.broadcast %eq3A_1378 : i32 to vector<16xi32>
    %eq3A_1380 = arith.cmpi eq, %get3A_1324, %eq3A_1379 : vector<16xi32>
    %convert_element_type3A_1381 = arith.sitofp %reduce_sum3A_1377 : i32 to f32
    %jit3A_1382 = arith.constant -1.000000e+00 : f32
    %broadcast_in_dim3A_1383 = vector.broadcast %jit3A_1382 : f32 to vector<16xf32>
    %broadcast_in_dim3A_1384 = vector.broadcast %convert_element_type3A_1381 : f32 to vector<16xf32>
    %select_n3A_1385 = arith.select %eq3A_1380, %broadcast_in_dim3A_1383, %broadcast_in_dim3A_1384 : vector<16xi1>, vector<16xf32>
    %broadcast_in_dim3A_1386 = arith.constant 3 : i32
    %broadcast_in_dim3A_1387 = vector.broadcast %broadcast_in_dim3A_1386 : i32 to vector<16xi32>
    tpu.vector_store_idx %arg15[%add3A_1322, %broadcast_in_dim3A_1387], %select_n3A_1385 : memref<64x128xf32, #tpu.memory_space<vmem>>[vector<16xi32>, vector<16xi32>], vector<16xf32>,
    %eq3A_1388 = arith.constant 3 : i32
    %eq3A_1389 = vector.broadcast %eq3A_1388 : i32 to vector<16xi32>
    %eq3A_1390 = arith.cmpi eq, %iota3A, %eq3A_1389 : vector<16xi32>
    %jit3A_1391 = arith.constant 0 : i32
    %broadcast_in_dim3A_1392 = vector.broadcast %jit3A_1391 : i32 to vector<16xi32>
    %select_n3A_1393 = arith.select %eq3A_1390, %get3A_1319, %broadcast_in_dim3A_1392 : vector<16xi1>, vector<16xi32>
    %reduce_sum3A_1394 = arith.constant true
    %reduce_sum3A_1395 = vector.broadcast %reduce_sum3A_1394 : i1 to vector<16xi1>
    %reduce_sum3A_1396 = tpu.scan <sum>, %select_n3A_1393 masked %reduce_sum3A_1395 : vector<16xi32>, vector<16xi1> -> vector<16xi32>
    %reduce_sum3A_1397 = vector.extract %reduce_sum3A_1396[15] : i32 from vector<16xi32>
    %eq3A_1398 = arith.constant 3 : i32
    %eq3A_1399 = vector.broadcast %eq3A_1398 : i32 to vector<16xi32>
    %eq3A_1400 = arith.cmpi eq, %get3A_1324, %eq3A_1399 : vector<16xi32>
    %convert_element_type3A_1401 = arith.sitofp %reduce_sum3A_1397 : i32 to f32
    %jit3A_1402 = arith.constant -1.000000e+00 : f32
    %broadcast_in_dim3A_1403 = vector.broadcast %jit3A_1402 : f32 to vector<16xf32>
    %broadcast_in_dim3A_1404 = vector.broadcast %convert_element_type3A_1401 : f32 to vector<16xf32>
    %select_n3A_1405 = arith.select %eq3A_1400, %broadcast_in_dim3A_1403, %broadcast_in_dim3A_1404 : vector<16xi1>, vector<16xf32>
    %broadcast_in_dim3A_1406 = arith.constant 4 : i32
    %broadcast_in_dim3A_1407 = vector.broadcast %broadcast_in_dim3A_1406 : i32 to vector<16xi32>
    tpu.vector_store_idx %arg15[%add3A_1322, %broadcast_in_dim3A_1407], %select_n3A_1405 : memref<64x128xf32, #tpu.memory_space<vmem>>[vector<16xi32>, vector<16xi32>], vector<16xf32>,
    %add3A_1408 = arith.constant 16 : i32
    %add3A_1409 = vector.broadcast %add3A_1408 : i32 to vector<16xi32>
    %add3A_1410 = arith.addi %iota3A, %add3A_1409 : vector<16xi32>
    %get3A_1411 = arith.constant 16 : index
    %get3A_1412 = tpu.vector_load %arg11[%get3A_1411] {strides = array<i32>} : memref<64xi32, #tpu.memory_space<vmem>>, vector<16xi32>,
    %broadcast_in_dim3A_1413 = arith.constant 0 : i32
    %broadcast_in_dim3A_1414 = vector.broadcast %broadcast_in_dim3A_1413 : i32 to vector<16xi32>
    %convert_element_type3A_1415 = arith.sitofp %get3A_1412 : vector<16xi32> to vector<16xf32>
    tpu.vector_store_idx %arg15[%add3A_1410, %broadcast_in_dim3A_1414], %convert_element_type3A_1415 : memref<64x128xf32, #tpu.memory_space<vmem>>[vector<16xi32>, vector<16xi32>], vector<16xf32>,
    %eq3A_1416 = arith.constant 4 : i32
    %eq3A_1417 = vector.broadcast %eq3A_1416 : i32 to vector<16xi32>
    %eq3A_1418 = arith.cmpi eq, %iota3A, %eq3A_1417 : vector<16xi32>
    %jit3A_1419 = arith.constant 0 : i32
    %broadcast_in_dim3A_1420 = vector.broadcast %jit3A_1419 : i32 to vector<16xi32>
    %select_n3A_1421 = arith.select %eq3A_1418, %get3A_1319, %broadcast_in_dim3A_1420 : vector<16xi1>, vector<16xi32>
    %reduce_sum3A_1422 = arith.constant true
    %reduce_sum3A_1423 = vector.broadcast %reduce_sum3A_1422 : i1 to vector<16xi1>
    %reduce_sum3A_1424 = tpu.scan <sum>, %select_n3A_1421 masked %reduce_sum3A_1423 : vector<16xi32>, vector<16xi1> -> vector<16xi32>
    %reduce_sum3A_1425 = vector.extract %reduce_sum3A_1424[15] : i32 from vector<16xi32>
    %eq3A_1426 = arith.constant 0 : i32
    %eq3A_1427 = vector.broadcast %eq3A_1426 : i32 to vector<16xi32>
    %eq3A_1428 = arith.cmpi eq, %get3A_1412, %eq3A_1427 : vector<16xi32>
    %convert_element_type3A_1429 = arith.sitofp %reduce_sum3A_1425 : i32 to f32
    %jit3A_1430 = arith.constant -1.000000e+00 : f32
    %broadcast_in_dim3A_1431 = vector.broadcast %jit3A_1430 : f32 to vector<16xf32>
    %broadcast_in_dim3A_1432 = vector.broadcast %convert_element_type3A_1429 : f32 to vector<16xf32>
    %select_n3A_1433 = arith.select %eq3A_1428, %broadcast_in_dim3A_1431, %broadcast_in_dim3A_1432 : vector<16xi1>, vector<16xf32>
    %broadcast_in_dim3A_1434 = arith.constant 1 : i32
    %broadcast_in_dim3A_1435 = vector.broadcast %broadcast_in_dim3A_1434 : i32 to vector<16xi32>
    tpu.vector_store_idx %arg15[%add3A_1410, %broadcast_in_dim3A_1435], %select_n3A_1433 : memref<64x128xf32, #tpu.memory_space<vmem>>[vector<16xi32>, vector<16xi32>], vector<16xf32>,
    %eq3A_1436 = arith.constant 5 : i32
    %eq3A_1437 = vector.broadcast %eq3A_1436 : i32 to vector<16xi32>
    %eq3A_1438 = arith.cmpi eq, %iota3A, %eq3A_1437 : vector<16xi32>
    %jit3A_1439 = arith.constant 0 : i32
    %broadcast_in_dim3A_1440 = vector.broadcast %jit3A_1439 : i32 to vector<16xi32>
    %select_n3A_1441 = arith.select %eq3A_1438, %get3A_1319, %broadcast_in_dim3A_1440 : vector<16xi1>, vector<16xi32>
    %reduce_sum3A_1442 = arith.constant true
    %reduce_sum3A_1443 = vector.broadcast %reduce_sum3A_1442 : i1 to vector<16xi1>
    %reduce_sum3A_1444 = tpu.scan <sum>, %select_n3A_1441 masked %reduce_sum3A_1443 : vector<16xi32>, vector<16xi1> -> vector<16xi32>
    %reduce_sum3A_1445 = vector.extract %reduce_sum3A_1444[15] : i32 from vector<16xi32>
    %eq3A_1446 = arith.constant 1 : i32
    %eq3A_1447 = vector.broadcast %eq3A_1446 : i32 to vector<16xi32>
    %eq3A_1448 = arith.cmpi eq, %get3A_1412, %eq3A_1447 : vector<16xi32>
    %convert_element_type3A_1449 = arith.sitofp %reduce_sum3A_1445 : i32 to f32
    %jit3A_1450 = arith.constant -1.000000e+00 : f32
    %broadcast_in_dim3A_1451 = vector.broadcast %jit3A_1450 : f32 to vector<16xf32>
    %broadcast_in_dim3A_1452 = vector.broadcast %convert_element_type3A_1449 : f32 to vector<16xf32>
    %select_n3A_1453 = arith.select %eq3A_1448, %broadcast_in_dim3A_1451, %broadcast_in_dim3A_1452 : vector<16xi1>, vector<16xf32>
    %broadcast_in_dim3A_1454 = arith.constant 2 : i32
    %broadcast_in_dim3A_1455 = vector.broadcast %broadcast_in_dim3A_1454 : i32 to vector<16xi32>
    tpu.vector_store_idx %arg15[%add3A_1410, %broadcast_in_dim3A_1455], %select_n3A_1453 : memref<64x128xf32, #tpu.memory_space<vmem>>[vector<16xi32>, vector<16xi32>], vector<16xf32>,
    %eq3A_1456 = arith.constant 6 : i32
    %eq3A_1457 = vector.broadcast %eq3A_1456 : i32 to vector<16xi32>
    %eq3A_1458 = arith.cmpi eq, %iota3A, %eq3A_1457 : vector<16xi32>
    %jit3A_1459 = arith.constant 0 : i32
    %broadcast_in_dim3A_1460 = vector.broadcast %jit3A_1459 : i32 to vector<16xi32>
    %select_n3A_1461 = arith.select %eq3A_1458, %get3A_1319, %broadcast_in_dim3A_1460 : vector<16xi1>, vector<16xi32>
    %reduce_sum3A_1462 = arith.constant true
    %reduce_sum3A_1463 = vector.broadcast %reduce_sum3A_1462 : i1 to vector<16xi1>
    %reduce_sum3A_1464 = tpu.scan <sum>, %select_n3A_1461 masked %reduce_sum3A_1463 : vector<16xi32>, vector<16xi1> -> vector<16xi32>
    %reduce_sum3A_1465 = vector.extract %reduce_sum3A_1464[15] : i32 from vector<16xi32>
    %eq3A_1466 = arith.constant 2 : i32
    %eq3A_1467 = vector.broadcast %eq3A_1466 : i32 to vector<16xi32>
    %eq3A_1468 = arith.cmpi eq, %get3A_1412, %eq3A_1467 : vector<16xi32>
    %convert_element_type3A_1469 = arith.sitofp %reduce_sum3A_1465 : i32 to f32
    %jit3A_1470 = arith.constant -1.000000e+00 : f32
    %broadcast_in_dim3A_1471 = vector.broadcast %jit3A_1470 : f32 to vector<16xf32>
    %broadcast_in_dim3A_1472 = vector.broadcast %convert_element_type3A_1469 : f32 to vector<16xf32>
    %select_n3A_1473 = arith.select %eq3A_1468, %broadcast_in_dim3A_1471, %broadcast_in_dim3A_1472 : vector<16xi1>, vector<16xf32>
    %broadcast_in_dim3A_1474 = arith.constant 3 : i32
    %broadcast_in_dim3A_1475 = vector.broadcast %broadcast_in_dim3A_1474 : i32 to vector<16xi32>
    tpu.vector_store_idx %arg15[%add3A_1410, %broadcast_in_dim3A_1475], %select_n3A_1473 : memref<64x128xf32, #tpu.memory_space<vmem>>[vector<16xi32>, vector<16xi32>], vector<16xf32>,
    %eq3A_1476 = arith.constant 7 : i32
    %eq3A_1477 = vector.broadcast %eq3A_1476 : i32 to vector<16xi32>
    %eq3A_1478 = arith.cmpi eq, %iota3A, %eq3A_1477 : vector<16xi32>
    %jit3A_1479 = arith.constant 0 : i32
    %broadcast_in_dim3A_1480 = vector.broadcast %jit3A_1479 : i32 to vector<16xi32>
    %select_n3A_1481 = arith.select %eq3A_1478, %get3A_1319, %broadcast_in_dim3A_1480 : vector<16xi1>, vector<16xi32>
    %reduce_sum3A_1482 = arith.constant true
    %reduce_sum3A_1483 = vector.broadcast %reduce_sum3A_1482 : i1 to vector<16xi1>
    %reduce_sum3A_1484 = tpu.scan <sum>, %select_n3A_1481 masked %reduce_sum3A_1483 : vector<16xi32>, vector<16xi1> -> vector<16xi32>
    %reduce_sum3A_1485 = vector.extract %reduce_sum3A_1484[15] : i32 from vector<16xi32>
    %eq3A_1486 = arith.constant 3 : i32
    %eq3A_1487 = vector.broadcast %eq3A_1486 : i32 to vector<16xi32>
    %eq3A_1488 = arith.cmpi eq, %get3A_1412, %eq3A_1487 : vector<16xi32>
    %convert_element_type3A_1489 = arith.sitofp %reduce_sum3A_1485 : i32 to f32
    %jit3A_1490 = arith.constant -1.000000e+00 : f32
    %broadcast_in_dim3A_1491 = vector.broadcast %jit3A_1490 : f32 to vector<16xf32>
    %broadcast_in_dim3A_1492 = vector.broadcast %convert_element_type3A_1489 : f32 to vector<16xf32>
    %select_n3A_1493 = arith.select %eq3A_1488, %broadcast_in_dim3A_1491, %broadcast_in_dim3A_1492 : vector<16xi1>, vector<16xf32>
    %broadcast_in_dim3A_1494 = arith.constant 4 : i32
    %broadcast_in_dim3A_1495 = vector.broadcast %broadcast_in_dim3A_1494 : i32 to vector<16xi32>
    tpu.vector_store_idx %arg15[%add3A_1410, %broadcast_in_dim3A_1495], %select_n3A_1493 : memref<64x128xf32, #tpu.memory_space<vmem>>[vector<16xi32>, vector<16xi32>], vector<16xf32>,
    %add3A_1496 = arith.constant 32 : i32
    %add3A_1497 = vector.broadcast %add3A_1496 : i32 to vector<16xi32>
    %add3A_1498 = arith.addi %iota3A, %add3A_1497 : vector<16xi32>
    %get3A_1499 = arith.constant 32 : index
    %get3A_1500 = tpu.vector_load %arg11[%get3A_1499] {strides = array<i32>} : memref<64xi32, #tpu.memory_space<vmem>>, vector<16xi32>,
    %broadcast_in_dim3A_1501 = arith.constant 0 : i32
    %broadcast_in_dim3A_1502 = vector.broadcast %broadcast_in_dim3A_1501 : i32 to vector<16xi32>
    %convert_element_type3A_1503 = arith.sitofp %get3A_1500 : vector<16xi32> to vector<16xf32>
    tpu.vector_store_idx %arg15[%add3A_1498, %broadcast_in_dim3A_1502], %convert_element_type3A_1503 : memref<64x128xf32, #tpu.memory_space<vmem>>[vector<16xi32>, vector<16xi32>], vector<16xf32>,
    %eq3A_1504 = arith.constant 8 : i32
    %eq3A_1505 = vector.broadcast %eq3A_1504 : i32 to vector<16xi32>
    %eq3A_1506 = arith.cmpi eq, %iota3A, %eq3A_1505 : vector<16xi32>
    %jit3A_1507 = arith.constant 0 : i32
    %broadcast_in_dim3A_1508 = vector.broadcast %jit3A_1507 : i32 to vector<16xi32>
    %select_n3A_1509 = arith.select %eq3A_1506, %get3A_1319, %broadcast_in_dim3A_1508 : vector<16xi1>, vector<16xi32>
    %reduce_sum3A_1510 = arith.constant true
    %reduce_sum3A_1511 = vector.broadcast %reduce_sum3A_1510 : i1 to vector<16xi1>
    %reduce_sum3A_1512 = tpu.scan <sum>, %select_n3A_1509 masked %reduce_sum3A_1511 : vector<16xi32>, vector<16xi1> -> vector<16xi32>
    %reduce_sum3A_1513 = vector.extract %reduce_sum3A_1512[15] : i32 from vector<16xi32>
    %eq3A_1514 = arith.constant 0 : i32
    %eq3A_1515 = vector.broadcast %eq3A_1514 : i32 to vector<16xi32>
    %eq3A_1516 = arith.cmpi eq, %get3A_1500, %eq3A_1515 : vector<16xi32>
    %convert_element_type3A_1517 = arith.sitofp %reduce_sum3A_1513 : i32 to f32
    %jit3A_1518 = arith.constant -1.000000e+00 : f32
    %broadcast_in_dim3A_1519 = vector.broadcast %jit3A_1518 : f32 to vector<16xf32>
    %broadcast_in_dim3A_1520 = vector.broadcast %convert_element_type3A_1517 : f32 to vector<16xf32>
    %select_n3A_1521 = arith.select %eq3A_1516, %broadcast_in_dim3A_1519, %broadcast_in_dim3A_1520 : vector<16xi1>, vector<16xf32>
    %broadcast_in_dim3A_1522 = arith.constant 1 : i32
    %broadcast_in_dim3A_1523 = vector.broadcast %broadcast_in_dim3A_1522 : i32 to vector<16xi32>
    tpu.vector_store_idx %arg15[%add3A_1498, %broadcast_in_dim3A_1523], %select_n3A_1521 : memref<64x128xf32, #tpu.memory_space<vmem>>[vector<16xi32>, vector<16xi32>], vector<16xf32>,
    %eq3A_1524 = arith.constant 9 : i32
    %eq3A_1525 = vector.broadcast %eq3A_1524 : i32 to vector<16xi32>
    %eq3A_1526 = arith.cmpi eq, %iota3A, %eq3A_1525 : vector<16xi32>
    %jit3A_1527 = arith.constant 0 : i32
    %broadcast_in_dim3A_1528 = vector.broadcast %jit3A_1527 : i32 to vector<16xi32>
    %select_n3A_1529 = arith.select %eq3A_1526, %get3A_1319, %broadcast_in_dim3A_1528 : vector<16xi1>, vector<16xi32>
    %reduce_sum3A_1530 = arith.constant true
    %reduce_sum3A_1531 = vector.broadcast %reduce_sum3A_1530 : i1 to vector<16xi1>
    %reduce_sum3A_1532 = tpu.scan <sum>, %select_n3A_1529 masked %reduce_sum3A_1531 : vector<16xi32>, vector<16xi1> -> vector<16xi32>
    %reduce_sum3A_1533 = vector.extract %reduce_sum3A_1532[15] : i32 from vector<16xi32>
    %eq3A_1534 = arith.constant 1 : i32
    %eq3A_1535 = vector.broadcast %eq3A_1534 : i32 to vector<16xi32>
    %eq3A_1536 = arith.cmpi eq, %get3A_1500, %eq3A_1535 : vector<16xi32>
    %convert_element_type3A_1537 = arith.sitofp %reduce_sum3A_1533 : i32 to f32
    %jit3A_1538 = arith.constant -1.000000e+00 : f32
    %broadcast_in_dim3A_1539 = vector.broadcast %jit3A_1538 : f32 to vector<16xf32>
    %broadcast_in_dim3A_1540 = vector.broadcast %convert_element_type3A_1537 : f32 to vector<16xf32>
    %select_n3A_1541 = arith.select %eq3A_1536, %broadcast_in_dim3A_1539, %broadcast_in_dim3A_1540 : vector<16xi1>, vector<16xf32>
    %broadcast_in_dim3A_1542 = arith.constant 2 : i32
    %broadcast_in_dim3A_1543 = vector.broadcast %broadcast_in_dim3A_1542 : i32 to vector<16xi32>
    tpu.vector_store_idx %arg15[%add3A_1498, %broadcast_in_dim3A_1543], %select_n3A_1541 : memref<64x128xf32, #tpu.memory_space<vmem>>[vector<16xi32>, vector<16xi32>], vector<16xf32>,
    %eq3A_1544 = arith.constant 10 : i32
    %eq3A_1545 = vector.broadcast %eq3A_1544 : i32 to vector<16xi32>
    %eq3A_1546 = arith.cmpi eq, %iota3A, %eq3A_1545 : vector<16xi32>
    %jit3A_1547 = arith.constant 0 : i32
    %broadcast_in_dim3A_1548 = vector.broadcast %jit3A_1547 : i32 to vector<16xi32>
    %select_n3A_1549 = arith.select %eq3A_1546, %get3A_1319, %broadcast_in_dim3A_1548 : vector<16xi1>, vector<16xi32>
    %reduce_sum3A_1550 = arith.constant true
    %reduce_sum3A_1551 = vector.broadcast %reduce_sum3A_1550 : i1 to vector<16xi1>
    %reduce_sum3A_1552 = tpu.scan <sum>, %select_n3A_1549 masked %reduce_sum3A_1551 : vector<16xi32>, vector<16xi1> -> vector<16xi32>
    %reduce_sum3A_1553 = vector.extract %reduce_sum3A_1552[15] : i32 from vector<16xi32>
    %eq3A_1554 = arith.constant 2 : i32
    %eq3A_1555 = vector.broadcast %eq3A_1554 : i32 to vector<16xi32>
    %eq3A_1556 = arith.cmpi eq, %get3A_1500, %eq3A_1555 : vector<16xi32>
    %convert_element_type3A_1557 = arith.sitofp %reduce_sum3A_1553 : i32 to f32
    %jit3A_1558 = arith.constant -1.000000e+00 : f32
    %broadcast_in_dim3A_1559 = vector.broadcast %jit3A_1558 : f32 to vector<16xf32>
    %broadcast_in_dim3A_1560 = vector.broadcast %convert_element_type3A_1557 : f32 to vector<16xf32>
    %select_n3A_1561 = arith.select %eq3A_1556, %broadcast_in_dim3A_1559, %broadcast_in_dim3A_1560 : vector<16xi1>, vector<16xf32>
    %broadcast_in_dim3A_1562 = arith.constant 3 : i32
    %broadcast_in_dim3A_1563 = vector.broadcast %broadcast_in_dim3A_1562 : i32 to vector<16xi32>
    tpu.vector_store_idx %arg15[%add3A_1498, %broadcast_in_dim3A_1563], %select_n3A_1561 : memref<64x128xf32, #tpu.memory_space<vmem>>[vector<16xi32>, vector<16xi32>], vector<16xf32>,
    %eq3A_1564 = arith.constant 11 : i32
    %eq3A_1565 = vector.broadcast %eq3A_1564 : i32 to vector<16xi32>
    %eq3A_1566 = arith.cmpi eq, %iota3A, %eq3A_1565 : vector<16xi32>
    %jit3A_1567 = arith.constant 0 : i32
    %broadcast_in_dim3A_1568 = vector.broadcast %jit3A_1567 : i32 to vector<16xi32>
    %select_n3A_1569 = arith.select %eq3A_1566, %get3A_1319, %broadcast_in_dim3A_1568 : vector<16xi1>, vector<16xi32>
    %reduce_sum3A_1570 = arith.constant true
    %reduce_sum3A_1571 = vector.broadcast %reduce_sum3A_1570 : i1 to vector<16xi1>
    %reduce_sum3A_1572 = tpu.scan <sum>, %select_n3A_1569 masked %reduce_sum3A_1571 : vector<16xi32>, vector<16xi1> -> vector<16xi32>
    %reduce_sum3A_1573 = vector.extract %reduce_sum3A_1572[15] : i32 from vector<16xi32>
    %eq3A_1574 = arith.constant 3 : i32
    %eq3A_1575 = vector.broadcast %eq3A_1574 : i32 to vector<16xi32>
    %eq3A_1576 = arith.cmpi eq, %get3A_1500, %eq3A_1575 : vector<16xi32>
    %convert_element_type3A_1577 = arith.sitofp %reduce_sum3A_1573 : i32 to f32
    %jit3A_1578 = arith.constant -1.000000e+00 : f32
    %broadcast_in_dim3A_1579 = vector.broadcast %jit3A_1578 : f32 to vector<16xf32>
    %broadcast_in_dim3A_1580 = vector.broadcast %convert_element_type3A_1577 : f32 to vector<16xf32>
    %select_n3A_1581 = arith.select %eq3A_1576, %broadcast_in_dim3A_1579, %broadcast_in_dim3A_1580 : vector<16xi1>, vector<16xf32>
    %broadcast_in_dim3A_1582 = arith.constant 4 : i32
    %broadcast_in_dim3A_1583 = vector.broadcast %broadcast_in_dim3A_1582 : i32 to vector<16xi32>
    tpu.vector_store_idx %arg15[%add3A_1498, %broadcast_in_dim3A_1583], %select_n3A_1581 : memref<64x128xf32, #tpu.memory_space<vmem>>[vector<16xi32>, vector<16xi32>], vector<16xf32>,
    %add3A_1584 = arith.constant 48 : i32
    %add3A_1585 = vector.broadcast %add3A_1584 : i32 to vector<16xi32>
    %add3A_1586 = arith.addi %iota3A, %add3A_1585 : vector<16xi32>
    %get3A_1587 = arith.constant 48 : index
    %get3A_1588 = tpu.vector_load %arg11[%get3A_1587] {strides = array<i32>} : memref<64xi32, #tpu.memory_space<vmem>>, vector<16xi32>,
    %broadcast_in_dim3A_1589 = arith.constant 0 : i32
    %broadcast_in_dim3A_1590 = vector.broadcast %broadcast_in_dim3A_1589 : i32 to vector<16xi32>
    %convert_element_type3A_1591 = arith.sitofp %get3A_1588 : vector<16xi32> to vector<16xf32>
    tpu.vector_store_idx %arg15[%add3A_1586, %broadcast_in_dim3A_1590], %convert_element_type3A_1591 : memref<64x128xf32, #tpu.memory_space<vmem>>[vector<16xi32>, vector<16xi32>], vector<16xf32>,
    %eq3A_1592 = arith.constant 12 : i32
    %eq3A_1593 = vector.broadcast %eq3A_1592 : i32 to vector<16xi32>
    %eq3A_1594 = arith.cmpi eq, %iota3A, %eq3A_1593 : vector<16xi32>
    %jit3A_1595 = arith.constant 0 : i32
    %broadcast_in_dim3A_1596 = vector.broadcast %jit3A_1595 : i32 to vector<16xi32>
    %select_n3A_1597 = arith.select %eq3A_1594, %get3A_1319, %broadcast_in_dim3A_1596 : vector<16xi1>, vector<16xi32>
    %reduce_sum3A_1598 = arith.constant true
    %reduce_sum3A_1599 = vector.broadcast %reduce_sum3A_1598 : i1 to vector<16xi1>
    %reduce_sum3A_1600 = tpu.scan <sum>, %select_n3A_1597 masked %reduce_sum3A_1599 : vector<16xi32>, vector<16xi1> -> vector<16xi32>
    %reduce_sum3A_1601 = vector.extract %reduce_sum3A_1600[15] : i32 from vector<16xi32>
    %eq3A_1602 = arith.constant 0 : i32
    %eq3A_1603 = vector.broadcast %eq3A_1602 : i32 to vector<16xi32>
    %eq3A_1604 = arith.cmpi eq, %get3A_1588, %eq3A_1603 : vector<16xi32>
    %convert_element_type3A_1605 = arith.sitofp %reduce_sum3A_1601 : i32 to f32
    %jit3A_1606 = arith.constant -1.000000e+00 : f32
    %broadcast_in_dim3A_1607 = vector.broadcast %jit3A_1606 : f32 to vector<16xf32>
    %broadcast_in_dim3A_1608 = vector.broadcast %convert_element_type3A_1605 : f32 to vector<16xf32>
    %select_n3A_1609 = arith.select %eq3A_1604, %broadcast_in_dim3A_1607, %broadcast_in_dim3A_1608 : vector<16xi1>, vector<16xf32>
    %broadcast_in_dim3A_1610 = arith.constant 1 : i32
    %broadcast_in_dim3A_1611 = vector.broadcast %broadcast_in_dim3A_1610 : i32 to vector<16xi32>
    tpu.vector_store_idx %arg15[%add3A_1586, %broadcast_in_dim3A_1611], %select_n3A_1609 : memref<64x128xf32, #tpu.memory_space<vmem>>[vector<16xi32>, vector<16xi32>], vector<16xf32>,
    %eq3A_1612 = arith.constant 13 : i32
    %eq3A_1613 = vector.broadcast %eq3A_1612 : i32 to vector<16xi32>
    %eq3A_1614 = arith.cmpi eq, %iota3A, %eq3A_1613 : vector<16xi32>
    %jit3A_1615 = arith.constant 0 : i32
    %broadcast_in_dim3A_1616 = vector.broadcast %jit3A_1615 : i32 to vector<16xi32>
    %select_n3A_1617 = arith.select %eq3A_1614, %get3A_1319, %broadcast_in_dim3A_1616 : vector<16xi1>, vector<16xi32>
    %reduce_sum3A_1618 = arith.constant true
    %reduce_sum3A_1619 = vector.broadcast %reduce_sum3A_1618 : i1 to vector<16xi1>
    %reduce_sum3A_1620 = tpu.scan <sum>, %select_n3A_1617 masked %reduce_sum3A_1619 : vector<16xi32>, vector<16xi1> -> vector<16xi32>
    %reduce_sum3A_1621 = vector.extract %reduce_sum3A_1620[15] : i32 from vector<16xi32>
    %eq3A_1622 = arith.constant 1 : i32
    %eq3A_1623 = vector.broadcast %eq3A_1622 : i32 to vector<16xi32>
    %eq3A_1624 = arith.cmpi eq, %get3A_1588, %eq3A_1623 : vector<16xi32>
    %convert_element_type3A_1625 = arith.sitofp %reduce_sum3A_1621 : i32 to f32
    %jit3A_1626 = arith.constant -1.000000e+00 : f32
    %broadcast_in_dim3A_1627 = vector.broadcast %jit3A_1626 : f32 to vector<16xf32>
    %broadcast_in_dim3A_1628 = vector.broadcast %convert_element_type3A_1625 : f32 to vector<16xf32>
    %select_n3A_1629 = arith.select %eq3A_1624, %broadcast_in_dim3A_1627, %broadcast_in_dim3A_1628 : vector<16xi1>, vector<16xf32>
    %broadcast_in_dim3A_1630 = arith.constant 2 : i32
    %broadcast_in_dim3A_1631 = vector.broadcast %broadcast_in_dim3A_1630 : i32 to vector<16xi32>
    tpu.vector_store_idx %arg15[%add3A_1586, %broadcast_in_dim3A_1631], %select_n3A_1629 : memref<64x128xf32, #tpu.memory_space<vmem>>[vector<16xi32>, vector<16xi32>], vector<16xf32>,
    %eq3A_1632 = arith.constant 14 : i32
    %eq3A_1633 = vector.broadcast %eq3A_1632 : i32 to vector<16xi32>
    %eq3A_1634 = arith.cmpi eq, %iota3A, %eq3A_1633 : vector<16xi32>
    %jit3A_1635 = arith.constant 0 : i32
    %broadcast_in_dim3A_1636 = vector.broadcast %jit3A_1635 : i32 to vector<16xi32>
    %select_n3A_1637 = arith.select %eq3A_1634, %get3A_1319, %broadcast_in_dim3A_1636 : vector<16xi1>, vector<16xi32>
    %reduce_sum3A_1638 = arith.constant true
    %reduce_sum3A_1639 = vector.broadcast %reduce_sum3A_1638 : i1 to vector<16xi1>
    %reduce_sum3A_1640 = tpu.scan <sum>, %select_n3A_1637 masked %reduce_sum3A_1639 : vector<16xi32>, vector<16xi1> -> vector<16xi32>
    %reduce_sum3A_1641 = vector.extract %reduce_sum3A_1640[15] : i32 from vector<16xi32>
    %eq3A_1642 = arith.constant 2 : i32
    %eq3A_1643 = vector.broadcast %eq3A_1642 : i32 to vector<16xi32>
    %eq3A_1644 = arith.cmpi eq, %get3A_1588, %eq3A_1643 : vector<16xi32>
    %convert_element_type3A_1645 = arith.sitofp %reduce_sum3A_1641 : i32 to f32
    %jit3A_1646 = arith.constant -1.000000e+00 : f32
    %broadcast_in_dim3A_1647 = vector.broadcast %jit3A_1646 : f32 to vector<16xf32>
    %broadcast_in_dim3A_1648 = vector.broadcast %convert_element_type3A_1645 : f32 to vector<16xf32>
    %select_n3A_1649 = arith.select %eq3A_1644, %broadcast_in_dim3A_1647, %broadcast_in_dim3A_1648 : vector<16xi1>, vector<16xf32>
    %broadcast_in_dim3A_1650 = arith.constant 3 : i32
    %broadcast_in_dim3A_1651 = vector.broadcast %broadcast_in_dim3A_1650 : i32 to vector<16xi32>
    tpu.vector_store_idx %arg15[%add3A_1586, %broadcast_in_dim3A_1651], %select_n3A_1649 : memref<64x128xf32, #tpu.memory_space<vmem>>[vector<16xi32>, vector<16xi32>], vector<16xf32>,
    %eq3A_1652 = arith.constant 15 : i32
    %eq3A_1653 = vector.broadcast %eq3A_1652 : i32 to vector<16xi32>
    %eq3A_1654 = arith.cmpi eq, %iota3A, %eq3A_1653 : vector<16xi32>
    %jit3A_1655 = arith.constant 0 : i32
    %broadcast_in_dim3A_1656 = vector.broadcast %jit3A_1655 : i32 to vector<16xi32>
    %select_n3A_1657 = arith.select %eq3A_1654, %get3A_1319, %broadcast_in_dim3A_1656 : vector<16xi1>, vector<16xi32>
    %reduce_sum3A_1658 = arith.constant true
    %reduce_sum3A_1659 = vector.broadcast %reduce_sum3A_1658 : i1 to vector<16xi1>
    %reduce_sum3A_1660 = tpu.scan <sum>, %select_n3A_1657 masked %reduce_sum3A_1659 : vector<16xi32>, vector<16xi1> -> vector<16xi32>
    %reduce_sum3A_1661 = vector.extract %reduce_sum3A_1660[15] : i32 from vector<16xi32>
    %eq3A_1662 = arith.constant 3 : i32
    %eq3A_1663 = vector.broadcast %eq3A_1662 : i32 to vector<16xi32>
    %eq3A_1664 = arith.cmpi eq, %get3A_1588, %eq3A_1663 : vector<16xi32>
    %convert_element_type3A_1665 = arith.sitofp %reduce_sum3A_1661 : i32 to f32
    %jit3A_1666 = arith.constant -1.000000e+00 : f32
    %broadcast_in_dim3A_1667 = vector.broadcast %jit3A_1666 : f32 to vector<16xf32>
    %broadcast_in_dim3A_1668 = vector.broadcast %convert_element_type3A_1665 : f32 to vector<16xf32>
    %select_n3A_1669 = arith.select %eq3A_1664, %broadcast_in_dim3A_1667, %broadcast_in_dim3A_1668 : vector<16xi1>, vector<16xf32>
    %broadcast_in_dim3A_1670 = arith.constant 4 : i32
    %broadcast_in_dim3A_1671 = vector.broadcast %broadcast_in_dim3A_1670 : i32 to vector<16xi32>
    tpu.vector_store_idx %arg15[%add3A_1586, %broadcast_in_dim3A_1671], %select_n3A_1669 : memref<64x128xf32, #tpu.memory_space<vmem>>[vector<16xi32>, vector<16xi32>], vector<16xf32>,
    %dma_start3A_1672 = tpu.memref_slice %arg8[%mul3A_2] : memref<2048xi32, #tpu.memory_space<hbm>> -> memref<64xi32, #tpu.memory_space<hbm>>
    %dma_start3A_1673 = tpu.memref_slice %arg8[%mul3A_2] : memref<2048xi32, #tpu.memory_space<hbm>> -> memref<64xi32, #tpu.memory_space<hbm>>
    tpu.enqueue_dma source(%arg13 : memref<64xi32, #tpu.memory_space<vmem>>) target(%dma_start3A_1673 : memref<64xi32, #tpu.memory_space<hbm>>) target_semaphore(%arg19 : memref<!tpu.dma_semaphore, #tpu.memory_space<semaphore_mem>>)
    %dma_wait3A_1674 = arith.constant 0 : i32
    %dma_wait3A_1675 = tpu.memref_slice %arg5[%mul3A_2, %dma_wait3A_1674] : memref<2048x512xf32, #tpu.memory_space<hbm>> -> memref<64x512xf32, #tpu.memory_space<hbm>>
    %dma_wait3A_1676 = arith.constant 0 : i32
    %dma_wait3A_1677 = tpu.memref_slice %arg5[%mul3A_2, %dma_wait3A_1676] : memref<2048x512xf32, #tpu.memory_space<hbm>> -> memref<64x512xf32, #tpu.memory_space<hbm>>
    tpu.wait_dma2 semaphore(%arg18 : memref<!tpu.dma_semaphore, #tpu.memory_space<semaphore_mem>>) src(%dma_wait3A_1677 : memref<64x512xf32, #tpu.memory_space<hbm>>) dst(%arg14 : memref<64x512xf32, #tpu.memory_space<vmem>>)
    %dma_start3A_1678 = arith.constant 0 : i32
    %dma_start3A_1679 = arith.constant 0 : i32
    %dma_start3A_1680 = tpu.memref_slice %arg6[%dma_start3A_1678, %dma_start3A_1679] : memref<2048x512xf32, #tpu.memory_space<hbm>> -> memref<2048x512xf32, #tpu.memory_space<hbm>>
    tpu.enqueue_indirect_dma source(%arg14 : memref<64x512xf32, #tpu.memory_space<vmem>>) target(%dma_start3A_1680 : memref<2048x512xf32, #tpu.memory_space<hbm>>) offsets(%arg13 : memref<64xi32, #tpu.memory_space<vmem>>) semaphore(%arg17 : memref<!tpu.dma_semaphore, #tpu.memory_space<semaphore_mem>>)
    %dma_start3A_1681 = arith.constant 0 : i32
    %dma_start3A_1682 = arith.constant 0 : i32
    %dma_start3A_1683 = tpu.memref_slice %arg7[%dma_start3A_1681, %dma_start3A_1682] : memref<2048x128xf32, #tpu.memory_space<hbm>> -> memref<2048x128xf32, #tpu.memory_space<hbm>>
    tpu.enqueue_indirect_dma source(%arg15 : memref<64x128xf32, #tpu.memory_space<vmem>>) target(%dma_start3A_1683 : memref<2048x128xf32, #tpu.memory_space<hbm>>) offsets(%arg13 : memref<64xi32, #tpu.memory_space<vmem>>) semaphore(%arg18 : memref<!tpu.dma_semaphore, #tpu.memory_space<semaphore_mem>>)
    %dma_wait3A_1684 = arith.constant 0 : i32
    %dma_wait3A_1685 = arith.constant 0 : i32
    %dma_wait3A_1686 = tpu.memref_slice %arg6[%dma_wait3A_1684, %dma_wait3A_1685] : memref<2048x512xf32, #tpu.memory_space<hbm>> -> memref<2048x512xf32, #tpu.memory_space<hbm>>
    tpu.wait_indirect_dma semaphore(%arg17 : memref<!tpu.dma_semaphore, #tpu.memory_space<semaphore_mem>>) src(%arg14 : memref<64x512xf32, #tpu.memory_space<vmem>>) dst(%dma_wait3A_1686 : memref<2048x512xf32, #tpu.memory_space<hbm>>)
    %dma_wait3A_1687 = arith.constant 0 : i32
    %dma_wait3A_1688 = arith.constant 0 : i32
    %dma_wait3A_1689 = tpu.memref_slice %arg7[%dma_wait3A_1687, %dma_wait3A_1688] : memref<2048x128xf32, #tpu.memory_space<hbm>> -> memref<2048x128xf32, #tpu.memory_space<hbm>>
    tpu.wait_indirect_dma semaphore(%arg18 : memref<!tpu.dma_semaphore, #tpu.memory_space<semaphore_mem>>) src(%arg15 : memref<64x128xf32, #tpu.memory_space<vmem>>) dst(%dma_wait3A_1689 : memref<2048x128xf32, #tpu.memory_space<hbm>>)
    %dma_wait3A_1690 = tpu.memref_slice %arg8[%mul3A_2] : memref<2048xi32, #tpu.memory_space<hbm>> -> memref<64xi32, #tpu.memory_space<hbm>>
    %dma_wait3A_1691 = tpu.memref_slice %arg8[%mul3A_2] : memref<2048xi32, #tpu.memory_space<hbm>> -> memref<64xi32, #tpu.memory_space<hbm>>
    tpu.wait_dma2 semaphore(%arg19 : memref<!tpu.dma_semaphore, #tpu.memory_space<semaphore_mem>>) src(%arg13 : memref<64xi32, #tpu.memory_space<vmem>>) dst(%dma_wait3A_1691 : memref<64xi32, #tpu.memory_space<hbm>>)
    return
  }
}

#map = affine_map<(d0, d1) -> (0, 0)>
#map1 = affine_map<(d0, d1) -> (0)>
module attributes {stable_mosaic.version = 14 : i64} {
  func.func @_gather_body(%arg0: i32, %arg1: i32, %arg2: memref<2048x128xf32, #tpu.memory_space<hbm>>, %arg3: memref<2048xi32, #tpu.memory_space<hbm>>, %arg4: memref<2048x128xf32, #tpu.memory_space<hbm>>, %arg5: memref<64xi32, #tpu.memory_space<vmem>>, %arg6: memref<64x128xf32, #tpu.memory_space<vmem>>, %arg7: memref<!tpu.dma_semaphore, #tpu.memory_space<semaphore_mem>>) attributes {dimension_semantics = [#tpu.dimension_semantics<core_parallel>, #tpu.dimension_semantics<subcore_parallel>], iteration_bounds = array<i64: 2, 16>, scalar_prefetch = 0 : i64, scratch_operands = 3 : i64, tpu.core_type = #tpu.core_type<sc_vector_subcore>, window_params = [{transform_indices = #map}, {transform_indices = #map1}, {transform_indices = #map}]} {
    %mul3A = arith.constant 2 : i32
    %mul3A_0 = arith.muli %arg1, %mul3A : i32
    %add3A = arith.addi %mul3A_0, %arg0 : i32
    %mul3A_1 = arith.constant 64 : i32
    %mul3A_2 = arith.muli %add3A, %mul3A_1 : i32
    "tpu.region"() ({
      %run_scoped3A = tpu.sem_alloc : memref<!tpu.dma_semaphore, #tpu.memory_space<semaphore_mem>>
      %dma_start3A_7 = tpu.memref_slice %arg3[%mul3A_2] : memref<2048xi32, #tpu.memory_space<hbm>> -> memref<64xi32, #tpu.memory_space<hbm>>
      %dma_start3A_8 = tpu.memref_slice %arg3[%mul3A_2] : memref<2048xi32, #tpu.memory_space<hbm>> -> memref<64xi32, #tpu.memory_space<hbm>>
      tpu.enqueue_dma source(%dma_start3A_8 : memref<64xi32, #tpu.memory_space<hbm>>) target(%arg5 : memref<64xi32, #tpu.memory_space<vmem>>) target_semaphore(%run_scoped3A : memref<!tpu.dma_semaphore, #tpu.memory_space<semaphore_mem>>)
      %dma_wait3A_9 = tpu.memref_slice %arg3[%mul3A_2] : memref<2048xi32, #tpu.memory_space<hbm>> -> memref<64xi32, #tpu.memory_space<hbm>>
      %dma_wait3A_10 = tpu.memref_slice %arg3[%mul3A_2] : memref<2048xi32, #tpu.memory_space<hbm>> -> memref<64xi32, #tpu.memory_space<hbm>>
      tpu.wait_dma2 semaphore(%run_scoped3A : memref<!tpu.dma_semaphore, #tpu.memory_space<semaphore_mem>>) src(%dma_wait3A_10 : memref<64xi32, #tpu.memory_space<hbm>>) dst(%arg5 : memref<64xi32, #tpu.memory_space<vmem>>)
      tpu.yield
    }) : () -> ()
    %dma_start3A = arith.constant 0 : i32
    %dma_start3A_3 = arith.constant 0 : i32
    %dma_start3A_4 = tpu.memref_slice %arg2[%dma_start3A, %dma_start3A_3] : memref<2048x128xf32, #tpu.memory_space<hbm>> -> memref<2048x128xf32, #tpu.memory_space<hbm>>
    tpu.enqueue_indirect_dma source(%dma_start3A_4 : memref<2048x128xf32, #tpu.memory_space<hbm>>) target(%arg6 : memref<64x128xf32, #tpu.memory_space<vmem>>) offsets(%arg5 : memref<64xi32, #tpu.memory_space<vmem>>) semaphore(%arg7 : memref<!tpu.dma_semaphore, #tpu.memory_space<semaphore_mem>>)
    %dma_wait3A = arith.constant 0 : i32
    %dma_wait3A_5 = arith.constant 0 : i32
    %dma_wait3A_6 = tpu.memref_slice %arg2[%dma_wait3A, %dma_wait3A_5] : memref<2048x128xf32, #tpu.memory_space<hbm>> -> memref<2048x128xf32, #tpu.memory_space<hbm>>
    tpu.wait_indirect_dma semaphore(%arg7 : memref<!tpu.dma_semaphore, #tpu.memory_space<semaphore_mem>>) src(%dma_wait3A_6 : memref<2048x128xf32, #tpu.memory_space<hbm>>) dst(%arg6 : memref<64x128xf32, #tpu.memory_space<vmem>>)
    "tpu.region"() ({
      %run_scoped3A = tpu.sem_alloc : memref<!tpu.dma_semaphore, #tpu.memory_space<semaphore_mem>>
      %dma_start3A_7 = arith.constant 0 : i32
      %dma_start3A_8 = tpu.memref_slice %arg4[%mul3A_2, %dma_start3A_7] : memref<2048x128xf32, #tpu.memory_space<hbm>> -> memref<64x128xf32, #tpu.memory_space<hbm>>
      %dma_start3A_9 = arith.constant 0 : i32
      %dma_start3A_10 = tpu.memref_slice %arg4[%mul3A_2, %dma_start3A_9] : memref<2048x128xf32, #tpu.memory_space<hbm>> -> memref<64x128xf32, #tpu.memory_space<hbm>>
      tpu.enqueue_dma source(%arg6 : memref<64x128xf32, #tpu.memory_space<vmem>>) target(%dma_start3A_10 : memref<64x128xf32, #tpu.memory_space<hbm>>) target_semaphore(%run_scoped3A : memref<!tpu.dma_semaphore, #tpu.memory_space<semaphore_mem>>)
      %dma_wait3A_11 = arith.constant 0 : i32
      %dma_wait3A_12 = tpu.memref_slice %arg4[%mul3A_2, %dma_wait3A_11] : memref<2048x128xf32, #tpu.memory_space<hbm>> -> memref<64x128xf32, #tpu.memory_space<hbm>>
      %dma_wait3A_13 = arith.constant 0 : i32
      %dma_wait3A_14 = tpu.memref_slice %arg4[%mul3A_2, %dma_wait3A_13] : memref<2048x128xf32, #tpu.memory_space<hbm>> -> memref<64x128xf32, #tpu.memory_space<hbm>>
      tpu.wait_dma2 semaphore(%run_scoped3A : memref<!tpu.dma_semaphore, #tpu.memory_space<semaphore_mem>>) src(%arg6 : memref<64x128xf32, #tpu.memory_space<vmem>>) dst(%dma_wait3A_14 : memref<64x128xf32, #tpu.memory_space<hbm>>)
      tpu.yield
    }) : () -> ()
    return
  }
}

module attributes {stable_mosaic.version = 14 : i64} {
  func.func @_moe_body(%arg0: i32, %arg1: memref<16xi32, #tpu.memory_space<smem>>, %arg2: memref<256x512xf32, #tpu.memory_space<vmem>>, %arg3: memref<256x128xf32, #tpu.memory_space<vmem>>, %arg4: memref<8x512x512xf32, #tpu.memory_space<vmem>>, %arg5: memref<8x16x512xf32, #tpu.memory_space<vmem>>, %arg6: memref<8x512xf32, #tpu.memory_space<vmem>>, %arg7: memref<8x512x128xf32, #tpu.memory_space<vmem>>, %arg8: memref<8x128xf32, #tpu.memory_space<vmem>>, %arg9: memref<256x128xf32, #tpu.memory_space<vmem>>) attributes {dimension_semantics = [#tpu.dimension_semantics<arbitrary>], iteration_bounds = array<i64: 8>, scalar_prefetch = 1 : i64, scratch_operands = 0 : i64, tpu.core_type = #tpu.core_type<tc>, window_params = [{transform_indices = @transform_0, window_bounds = array<i64: 256, 512>}, {transform_indices = @transform_1, window_bounds = array<i64: 256, 128>}, {transform_indices = @transform_2, window_bounds = array<i64: 8, 512, 512>}, {pipeline_mode = #tpu.pipeline_mode<synchronous>, transform_indices = @transform_3, window_bounds = array<i64: 8, 16, 512>}, {pipeline_mode = #tpu.pipeline_mode<synchronous>, transform_indices = @transform_4, window_bounds = array<i64: 8, 512>}, {pipeline_mode = #tpu.pipeline_mode<synchronous>, transform_indices = @transform_5, window_bounds = array<i64: 8, 512, 128>}, {pipeline_mode = #tpu.pipeline_mode<synchronous>, transform_indices = @transform_6, window_bounds = array<i64: 8, 128>}, {transform_indices = @transform_7, window_bounds = array<i64: 256, 128>}]} {
    %mul3A = arith.constant 256 : i32
    %mul3A_0 = arith.muli %arg0, %mul3A : i32
    %get3A = arith.constant 0 : index
    %get3A_1 = arith.constant 0 : index
    %get3A_2 = vector.load %arg2[%get3A, %get3A_1] : memref<256x512xf32, #tpu.memory_space<vmem>>, vector<256x512xf32>
    %get3A_3 = arith.constant 0 : index
    %get3A_4 = arith.constant 0 : index
    %get3A_5 = vector.load %arg3[%get3A_3, %get3A_4] : memref<256x128xf32, #tpu.memory_space<vmem>>, vector<256x16xf32>
    %iota3A = tpu.iota {dimensions = array<i32: 0>} : vector<256x1xi32>
    %add3A = vector.broadcast %mul3A_0 : i32 to vector<256x1xi32>
    %add3A_6 = arith.addi %add3A, %iota3A : vector<256x1xi32>
    %scan3A = arith.constant 0 : i32
    %scan3A_7 = arith.constant 8 : i32
    %scan3A_8 = arith.addi %scan3A, %scan3A_7 : i32
    %scan3A_9 = arith.constant 1 : i32
    scf.for %scan3A_11 = %scan3A to %scan3A_8 step %scan3A_9  : i32 {
      %get3A_12 = arith.index_cast %scan3A_11 : i32 to index
      %get3A_13 = memref.load %arg1[%get3A_12] : memref<16xi32, #tpu.memory_space<smem>>
      %add3A_14 = arith.constant 1 : i32
      %add3A_15 = arith.addi %scan3A_11, %add3A_14 : i32
      %get3A_16 = arith.index_cast %add3A_15 : i32 to index
      %get3A_17 = memref.load %arg1[%get3A_16] : memref<16xi32, #tpu.memory_space<smem>>
      %add3A_18 = arith.constant 256 : i32
      %add3A_19 = arith.addi %mul3A_0, %add3A_18 : i32
      %lt3A = arith.cmpi slt, %get3A_13, %add3A_19 : i32
      %gt3A = arith.cmpi sgt, %get3A_17, %mul3A_0 : i32
      %and3A = arith.andi %lt3A, %gt3A : i1
      %convert_element_type3A = arith.extui %and3A : i1 to i32
      %cond3A = arith.constant 0 : i32
      %cond3A_20 = arith.cmpi ne, %convert_element_type3A, %cond3A : i32
      scf.if %cond3A_20 {
        %get3A_21 = arith.index_cast %scan3A_11 : i32 to index
        %get3A_22 = arith.constant 0 : index
        %get3A_23 = arith.constant 0 : index
        %get3A_24 = vector.load %arg4[%get3A_21, %get3A_22, %get3A_23] : memref<8x512x512xf32, #tpu.memory_space<vmem>>, vector<1x512x512xf32>
        %get3A_25 = vector.shape_cast %get3A_24 : vector<1x512x512xf32> to vector<512x512xf32>
        %dot_general3A = arith.constant dense<0.000000e+00> : vector<256x512xf32>
        %dot_general3A_26 = tpu.matmul %get3A_2, %get3A_25, %dot_general3A {dimension_numbers = #tpu.dot_dimension_numbers<[1], [0], [0], [1], [0, 0, 1, 1], [], []>, transpose_lhs_hint = false} : vector<256x512xf32>, vector<512x512xf32>, vector<256x512xf32> -> vector<256x512xf32>
        %get3A_27 = arith.index_cast %scan3A_11 : i32 to index
        %get3A_28 = arith.constant 0 : index
        %get3A_29 = arith.constant 0 : index
        %get3A_30 = vector.load %arg5[%get3A_27, %get3A_28, %get3A_29] : memref<8x16x512xf32, #tpu.memory_space<vmem>>, vector<1x16x512xf32>
        %get3A_31 = vector.shape_cast %get3A_30 : vector<1x16x512xf32> to vector<16x512xf32>
        %dot_general3A_32 = arith.constant dense<0.000000e+00> : vector<256x512xf32>
        %dot_general3A_33 = tpu.matmul %get3A_5, %get3A_31, %dot_general3A_32 {dimension_numbers = #tpu.dot_dimension_numbers<[1], [0], [0], [1], [0, 0, 1, 1], [], []>, transpose_lhs_hint = false} : vector<256x16xf32>, vector<16x512xf32>, vector<256x512xf32> -> vector<256x512xf32>
        %add3A_34 = arith.addf %dot_general3A_26, %dot_general3A_33 : vector<256x512xf32>
        %get3A_35 = arith.index_cast %scan3A_11 : i32 to index
        %get3A_36 = arith.constant 0 : index
        %get3A_37 = vector.load %arg6[%get3A_35, %get3A_36] : memref<8x512xf32, #tpu.memory_space<vmem>>, vector<1x512xf32>
        %get3A_38 = vector.shape_cast %get3A_37 : vector<1x512xf32> to vector<512xf32>
        %broadcast_in_dim3A = vector.shape_cast %get3A_38 : vector<512xf32> to vector<1x512xf32>
        %add3A_39 = vector.broadcast %broadcast_in_dim3A : vector<1x512xf32> to vector<256x512xf32>
        %add3A_40 = arith.addf %add3A_34, %add3A_39 : vector<256x512xf32>
        %max3A = arith.constant 0.000000e+00 : f32
        %max3A_41 = vector.broadcast %max3A : f32 to vector<256x512xf32>
        %max3A_42 = arith.maximumf %add3A_40, %max3A_41 : vector<256x512xf32>
        %get3A_43 = arith.index_cast %scan3A_11 : i32 to index
        %get3A_44 = arith.constant 0 : index
        %get3A_45 = arith.constant 0 : index
        %get3A_46 = vector.load %arg7[%get3A_43, %get3A_44, %get3A_45] : memref<8x512x128xf32, #tpu.memory_space<vmem>>, vector<1x512x128xf32>
        %get3A_47 = vector.shape_cast %get3A_46 : vector<1x512x128xf32> to vector<512x128xf32>
        %dot_general3A_48 = arith.constant dense<0.000000e+00> : vector<256x128xf32>
        %dot_general3A_49 = tpu.matmul %max3A_42, %get3A_47, %dot_general3A_48 {dimension_numbers = #tpu.dot_dimension_numbers<[1], [0], [0], [1], [0, 0, 1, 1], [], []>, transpose_lhs_hint = false} : vector<256x512xf32>, vector<512x128xf32>, vector<256x128xf32> -> vector<256x128xf32>
        %get3A_50 = arith.index_cast %scan3A_11 : i32 to index
        %get3A_51 = arith.constant 0 : index
        %get3A_52 = vector.load %arg8[%get3A_50, %get3A_51] : memref<8x128xf32, #tpu.memory_space<vmem>>, vector<1x128xf32>
        %get3A_53 = vector.shape_cast %get3A_52 : vector<1x128xf32> to vector<128xf32>
        %broadcast_in_dim3A_54 = vector.shape_cast %get3A_53 : vector<128xf32> to vector<1x128xf32>
        %add3A_55 = vector.broadcast %broadcast_in_dim3A_54 : vector<1x128xf32> to vector<256x128xf32>
        %add3A_56 = arith.addf %dot_general3A_49, %add3A_55 : vector<256x128xf32>
        %ge3A = vector.broadcast %get3A_13 : i32 to vector<256x1xi32>
        %ge3A_57 = arith.cmpi sge, %add3A_6, %ge3A : vector<256x1xi32>
        %lt3A_58 = vector.broadcast %get3A_17 : i32 to vector<256x1xi32>
        %lt3A_59 = arith.cmpi slt, %add3A_6, %lt3A_58 : vector<256x1xi32>
        %and3A_60 = arith.andi %ge3A_57, %lt3A_59 : vector<256x1xi1>
        %get3A_61 = arith.constant 0 : index
        %get3A_62 = arith.constant 0 : index
        %get3A_63 = vector.load %arg9[%get3A_61, %get3A_62] : memref<256x128xf32, #tpu.memory_space<vmem>>, vector<256x128xf32>
        %broadcast_in_dim3A_64 = vector.shape_cast %and3A_60 : vector<256x1xi1> to vector<256x1xi1>
        %broadcast_in_dim3A_65 = vector.broadcast %broadcast_in_dim3A_64 : vector<256x1xi1> to vector<256x128xi1>
        %select_n3A = arith.select %broadcast_in_dim3A_65, %add3A_56, %get3A_63 : vector<256x128xi1>, vector<256x128xf32>
        %swap3A = arith.constant 0 : index
        %swap3A_66 = arith.constant 0 : index
        %swap3A_67 = vector.load %arg9[%swap3A, %swap3A_66] : memref<256x128xf32, #tpu.memory_space<vmem>>, vector<256x128xf32>
        tpu.vector_store %arg9[%swap3A, %swap3A_66], %select_n3A {strides = array<i32>} : memref<256x128xf32, #tpu.memory_space<vmem>>, vector<256x128xf32>,
      } else {
      }
    }
    %scan3A_10 = arith.constant 8 : i32
    return
  }
  func.func @transform_0(%arg0: i32, %arg1: memref<16xi32, #tpu.memory_space<smem>>) -> (i32, i32) {
    %c0_i32 = arith.constant 0 : i32
    %c0_i32_0 = arith.constant 0 : i32
    return %arg0, %c0_i32 : i32, i32
  }
  func.func @transform_1(%arg0: i32, %arg1: memref<16xi32, #tpu.memory_space<smem>>) -> (i32, i32) {
    %c0_i32 = arith.constant 0 : i32
    %c0_i32_0 = arith.constant 0 : i32
    return %arg0, %c0_i32 : i32, i32
  }
  func.func @transform_2(%arg0: i32, %arg1: memref<16xi32, #tpu.memory_space<smem>>) -> (i32, i32, i32) {
    %c0_i32 = arith.constant 0 : i32
    %c0_i32_0 = arith.constant 0 : i32
    %c0_i32_1 = arith.constant 0 : i32
    %c0_i32_2 = arith.constant 0 : i32
    return %c0_i32, %c0_i32_0, %c0_i32_1 : i32, i32, i32
  }
  func.func @transform_3(%arg0: i32, %arg1: memref<16xi32, #tpu.memory_space<smem>>) -> (i32, i32, i32) {
    %c0_i32 = arith.constant 0 : i32
    %c0_i32_0 = arith.constant 0 : i32
    %c0_i32_1 = arith.constant 0 : i32
    %c0_i32_2 = arith.constant 0 : i32
    return %c0_i32, %c0_i32_0, %c0_i32_1 : i32, i32, i32
  }
  func.func @transform_4(%arg0: i32, %arg1: memref<16xi32, #tpu.memory_space<smem>>) -> (i32, i32) {
    %c0_i32 = arith.constant 0 : i32
    %c0_i32_0 = arith.constant 0 : i32
    %c0_i32_1 = arith.constant 0 : i32
    return %c0_i32, %c0_i32_0 : i32, i32
  }
  func.func @transform_5(%arg0: i32, %arg1: memref<16xi32, #tpu.memory_space<smem>>) -> (i32, i32, i32) {
    %c0_i32 = arith.constant 0 : i32
    %c0_i32_0 = arith.constant 0 : i32
    %c0_i32_1 = arith.constant 0 : i32
    %c0_i32_2 = arith.constant 0 : i32
    return %c0_i32, %c0_i32_0, %c0_i32_1 : i32, i32, i32
  }
  func.func @transform_6(%arg0: i32, %arg1: memref<16xi32, #tpu.memory_space<smem>>) -> (i32, i32) {
    %c0_i32 = arith.constant 0 : i32
    %c0_i32_0 = arith.constant 0 : i32
    %c0_i32_1 = arith.constant 0 : i32
    return %c0_i32, %c0_i32_0 : i32, i32
  }
  func.func @transform_7(%arg0: i32, %arg1: memref<16xi32, #tpu.memory_space<smem>>) -> (i32, i32) {
    %c0_i32 = arith.constant 0 : i32
    %c0_i32_0 = arith.constant 0 : i32
    return %arg0, %c0_i32 : i32, i32
  }
}

module attributes {stable_mosaic.version = 14 : i64} {
  func.func @_critic_body(%arg0: i32, %arg1: memref<256x512xf32, #tpu.memory_space<vmem>>, %arg2: memref<256x1xi32, #tpu.memory_space<vmem>>, %arg3: memref<16x4xi32, #tpu.memory_space<vmem>>, %arg4: memref<512x512xf32, #tpu.memory_space<vmem>>, %arg5: memref<16x512xf32, #tpu.memory_space<vmem>>, %arg6: memref<1x512xf32, #tpu.memory_space<vmem>>, %arg7: memref<512x8xf32, #tpu.memory_space<vmem>>, %arg8: memref<1x8xf32, #tpu.memory_space<vmem>>, %arg9: memref<256x8xf32, #tpu.memory_space<vmem>>) attributes {dimension_semantics = [#tpu.dimension_semantics<parallel>], iteration_bounds = array<i64: 8>, scalar_prefetch = 0 : i64, scratch_operands = 0 : i64, tpu.core_type = #tpu.core_type<tc>, window_params = [{transform_indices = @transform_0, window_bounds = array<i64: 256, 512>}, {transform_indices = @transform_1, window_bounds = array<i64: 256, 1>}, {transform_indices = @transform_2, window_bounds = array<i64: 16, 4>}, {transform_indices = @transform_3, window_bounds = array<i64: 512, 512>}, {pipeline_mode = #tpu.pipeline_mode<synchronous>, transform_indices = @transform_4, window_bounds = array<i64: 16, 512>}, {pipeline_mode = #tpu.pipeline_mode<synchronous>, transform_indices = @transform_5, window_bounds = array<i64: 1, 512>}, {pipeline_mode = #tpu.pipeline_mode<synchronous>, transform_indices = @transform_6, window_bounds = array<i64: 512, 8>}, {pipeline_mode = #tpu.pipeline_mode<synchronous>, transform_indices = @transform_7, window_bounds = array<i64: 1, 8>}, {transform_indices = @transform_8, window_bounds = array<i64: 256, 8>}]} {
    %get3A = arith.constant 0 : index
    %get3A_0 = arith.constant 0 : index
    %get3A_1 = vector.load %arg2[%get3A, %get3A_0] : memref<256x1xi32, #tpu.memory_space<vmem>>, vector<256x1xi32>
    %get3A_2 = arith.constant 0 : index
    %get3A_3 = arith.constant 0 : index
    %get3A_4 = vector.load %arg3[%get3A_2, %get3A_3] : memref<16x4xi32, #tpu.memory_space<vmem>>, vector<16x4xi32>
    %iota3A = tpu.iota {dimensions = array<i32: 1>} : vector<256x16xi32>
    %broadcast_in_dim3A = vector.shape_cast %get3A_1 : vector<256x1xi32> to vector<256x1xi32>
    %broadcast_in_dim3A_5 = vector.broadcast %broadcast_in_dim3A : vector<256x1xi32> to vector<256x16xi32>
    %broadcast_in_dim3A_6 = vector.shape_cast %get3A_4 : vector<16x4xi32> to vector<16x1x4xi32>
    %broadcast_in_dim3A_7 = vector.broadcast %broadcast_in_dim3A_6 : vector<16x1x4xi32> to vector<16x16x4xi32>
    %reshape3A = vector.shape_cast %broadcast_in_dim3A_7 : vector<16x16x4xi32> to vector<256x4xi32>
    %jit3A = arith.constant 0 : i32
    %pad3A = vector.broadcast %jit3A : i32 to vector<256x1xi32>
    %pad3A_8 = tpu.concatenate %pad3A, %reshape3A in 1 : vector<256x1xi32>, vector<256x4xi32> -> vector<256x5xi32>
    %pad3A_9 = vector.broadcast %jit3A : i32 to vector<256x11xi32>
    %pad3A_10 = tpu.concatenate %pad3A_8, %pad3A_9 in 1 : vector<256x5xi32>, vector<256x11xi32> -> vector<256x16xi32>
    %eq3A = arith.constant 0 : i32
    %eq3A_11 = vector.broadcast %eq3A : i32 to vector<256x16xi32>
    %eq3A_12 = arith.cmpi eq, %iota3A, %eq3A_11 : vector<256x16xi32>
    %convert_element_type3A = arith.sitofp %broadcast_in_dim3A_5 : vector<256x16xi32> to vector<256x16xf32>
    %ge3A = arith.constant 1 : i32
    %ge3A_13 = vector.broadcast %ge3A : i32 to vector<256x16xi32>
    %ge3A_14 = arith.cmpi sge, %iota3A, %ge3A_13 : vector<256x16xi32>
    %le3A = arith.constant 4 : i32
    %le3A_15 = vector.broadcast %le3A : i32 to vector<256x16xi32>
    %le3A_16 = arith.cmpi sle, %iota3A, %le3A_15 : vector<256x16xi32>
    %and3A = arith.andi %ge3A_14, %le3A_16 : vector<256x16xi1>
    %sub3A = arith.constant 1 : i32
    %sub3A_17 = vector.broadcast %sub3A : i32 to vector<256x16xi32>
    %sub3A_18 = arith.subi %iota3A, %sub3A_17 : vector<256x16xi32>
    %eq3A_19 = arith.cmpi eq, %sub3A_18, %broadcast_in_dim3A_5 : vector<256x16xi32>
    %convert_element_type3A_20 = arith.sitofp %pad3A_10 : vector<256x16xi32> to vector<256x16xf32>
    %jit3A_21 = arith.constant -1.000000e+00 : f32
    %broadcast_in_dim3A_22 = vector.broadcast %jit3A_21 : f32 to vector<256x16xf32>
    %select_n3A = arith.select %eq3A_19, %broadcast_in_dim3A_22, %convert_element_type3A_20 : vector<256x16xi1>, vector<256x16xf32>
    %jit3A_23 = arith.constant 0.000000e+00 : f32
    %broadcast_in_dim3A_24 = vector.broadcast %jit3A_23 : f32 to vector<256x16xf32>
    %select_n3A_25 = arith.select %and3A, %select_n3A, %broadcast_in_dim3A_24 : vector<256x16xi1>, vector<256x16xf32>
    %select_n3A_26 = arith.select %eq3A_12, %convert_element_type3A, %select_n3A_25 : vector<256x16xi1>, vector<256x16xf32>
    %get3A_27 = arith.constant 0 : index
    %get3A_28 = arith.constant 0 : index
    %get3A_29 = vector.load %arg1[%get3A_27, %get3A_28] : memref<256x512xf32, #tpu.memory_space<vmem>>, vector<256x512xf32>
    %get3A_30 = arith.constant 0 : index
    %get3A_31 = arith.constant 0 : index
    %get3A_32 = vector.load %arg4[%get3A_30, %get3A_31] : memref<512x512xf32, #tpu.memory_space<vmem>>, vector<512x512xf32>
    %dot_general3A = arith.constant dense<0.000000e+00> : vector<256x512xf32>
    %dot_general3A_33 = tpu.matmul %get3A_29, %get3A_32, %dot_general3A {dimension_numbers = #tpu.dot_dimension_numbers<[1], [0], [0], [1], [0, 0, 1, 1], [], []>, transpose_lhs_hint = false} : vector<256x512xf32>, vector<512x512xf32>, vector<256x512xf32> -> vector<256x512xf32>
    %get3A_34 = arith.constant 0 : index
    %get3A_35 = arith.constant 0 : index
    %get3A_36 = vector.load %arg5[%get3A_34, %get3A_35] : memref<16x512xf32, #tpu.memory_space<vmem>>, vector<16x512xf32>
    %dot_general3A_37 = arith.constant dense<0.000000e+00> : vector<256x512xf32>
    %dot_general3A_38 = tpu.matmul %select_n3A_26, %get3A_36, %dot_general3A_37 {dimension_numbers = #tpu.dot_dimension_numbers<[1], [0], [0], [1], [0, 0, 1, 1], [], []>, transpose_lhs_hint = false} : vector<256x16xf32>, vector<16x512xf32>, vector<256x512xf32> -> vector<256x512xf32>
    %add3A = arith.addf %dot_general3A_33, %dot_general3A_38 : vector<256x512xf32>
    %get3A_39 = arith.constant 0 : index
    %get3A_40 = arith.constant 0 : index
    %get3A_41 = vector.load %arg6[%get3A_39, %get3A_40] : memref<1x512xf32, #tpu.memory_space<vmem>>, vector<1x512xf32>
    %add3A_42 = vector.broadcast %get3A_41 : vector<1x512xf32> to vector<256x512xf32>
    %add3A_43 = arith.addf %add3A, %add3A_42 : vector<256x512xf32>
    %max3A = arith.constant 0.000000e+00 : f32
    %max3A_44 = vector.broadcast %max3A : f32 to vector<256x512xf32>
    %max3A_45 = arith.maximumf %add3A_43, %max3A_44 : vector<256x512xf32>
    %get3A_46 = arith.constant 0 : index
    %get3A_47 = arith.constant 0 : index
    %get3A_48 = vector.load %arg7[%get3A_46, %get3A_47] : memref<512x8xf32, #tpu.memory_space<vmem>>, vector<512x8xf32>
    %dot_general3A_49 = arith.constant dense<0.000000e+00> : vector<256x8xf32>
    %dot_general3A_50 = tpu.matmul %max3A_45, %get3A_48, %dot_general3A_49 {dimension_numbers = #tpu.dot_dimension_numbers<[1], [0], [0], [1], [0, 0, 1, 1], [], []>, transpose_lhs_hint = false} : vector<256x512xf32>, vector<512x8xf32>, vector<256x8xf32> -> vector<256x8xf32>
    %get3A_51 = arith.constant 0 : index
    %get3A_52 = arith.constant 0 : index
    %get3A_53 = vector.load %arg8[%get3A_51, %get3A_52] : memref<1x8xf32, #tpu.memory_space<vmem>>, vector<1x8xf32>
    %add3A_54 = vector.broadcast %get3A_53 : vector<1x8xf32> to vector<256x8xf32>
    %add3A_55 = arith.addf %dot_general3A_50, %add3A_54 : vector<256x8xf32>
    %swap3A = arith.constant 0 : index
    %swap3A_56 = arith.constant 0 : index
    %swap3A_57 = vector.load %arg9[%swap3A, %swap3A_56] : memref<256x8xf32, #tpu.memory_space<vmem>>, vector<256x8xf32>
    tpu.vector_store %arg9[%swap3A, %swap3A_56], %add3A_55 {strides = array<i32>} : memref<256x8xf32, #tpu.memory_space<vmem>>, vector<256x8xf32>,
    return
  }
  func.func @transform_0(%arg0: i32) -> (i32, i32) {
    %c0_i32 = arith.constant 0 : i32
    %c0_i32_0 = arith.constant 0 : i32
    return %arg0, %c0_i32 : i32, i32
  }
  func.func @transform_1(%arg0: i32) -> (i32, i32) {
    %c0_i32 = arith.constant 0 : i32
    %c0_i32_0 = arith.constant 0 : i32
    return %arg0, %c0_i32 : i32, i32
  }
  func.func @transform_2(%arg0: i32) -> (i32, i32) {
    %c0_i32 = arith.constant 0 : i32
    %c0_i32_0 = arith.constant 0 : i32
    return %arg0, %c0_i32 : i32, i32
  }
  func.func @transform_3(%arg0: i32) -> (i32, i32) {
    %c0_i32 = arith.constant 0 : i32
    %c0_i32_0 = arith.constant 0 : i32
    %c0_i32_1 = arith.constant 0 : i32
    return %c0_i32, %c0_i32_0 : i32, i32
  }
  func.func @transform_4(%arg0: i32) -> (i32, i32) {
    %c0_i32 = arith.constant 0 : i32
    %c0_i32_0 = arith.constant 0 : i32
    %c0_i32_1 = arith.constant 0 : i32
    return %c0_i32, %c0_i32_0 : i32, i32
  }
  func.func @transform_5(%arg0: i32) -> (i32, i32) {
    %c0_i32 = arith.constant 0 : i32
    %c0_i32_0 = arith.constant 0 : i32
    %c0_i32_1 = arith.constant 0 : i32
    return %c0_i32, %c0_i32_0 : i32, i32
  }
  func.func @transform_6(%arg0: i32) -> (i32, i32) {
    %c0_i32 = arith.constant 0 : i32
    %c0_i32_0 = arith.constant 0 : i32
    %c0_i32_1 = arith.constant 0 : i32
    return %c0_i32, %c0_i32_0 : i32, i32
  }
  func.func @transform_7(%arg0: i32) -> (i32, i32) {
    %c0_i32 = arith.constant 0 : i32
    %c0_i32_0 = arith.constant 0 : i32
    %c0_i32_1 = arith.constant 0 : i32
    return %c0_i32, %c0_i32_0 : i32, i32
  }
  func.func @transform_8(%arg0: i32) -> (i32, i32) {
    %c0_i32 = arith.constant 0 : i32
    %c0_i32_0 = arith.constant 0 : i32
    return %arg0, %c0_i32 : i32, i32
  }
}

</mosaic_0001>

<sc_bundles>
// kernel: kernel.6.cloned.1.call-start
scs
__scs_entry_jumppad:
0x0: {  	(pc) =	sbr.rel $0x88, $3  }
0x1: {  	(tag) =	ssettag $0x0;
	lr =	simm.s32 $0x1  }
0x2: {  	[smem:$0x3F95] =	sst lr;
	_ =	strace $0xD0000000  }
0x3: {  	_ = 	snop  }
0x4: {  	_ = 	snop  }
0x5: {  	_ = 	snop  }
0x6: {  	_ = 	snop  }
0x7: {  	_ = 	snop  }
__scs_overlays_trampoline_lowered:
0x8: {  	[smem:$0x3FA4] =	sst s0  }
0x9: {  	[smem:$0x3FA5] =	sst s1  }
0xa: {  	[smem:$0x3FA6] =	sst s2  }
0xb: {  	[smem:$0x3FA7] =	sst s3  }
0xc: {  	[smem:$0x3FA8] =	sst s4  }
0xd: {  	[smem:$0x3FA9] =	sst s5  }
0xe: {  	[smem:$0x3FAA] =	sst s6  }
0xf: {  	[smem:$0x3FAB] =	sst s7  }
0x10: {  	[smem:$0x3FAC] =	sst s8  }
0x11: {  	[smem:$0x3FAD] =	sst s9;
	s0 =	simm.s32 @!p0 $0x0  }
0x12: {  	s1 =	sld [smem:$0x3F93];
	s0 =	simm.s32 @p0 $0x1  }
0x13: {  	[smem:$0x3FAE] =	sst s0;
	s0 =	simm.s32 @!p1 $0x0  }
0x14: {  	s2 =	sld [smem:$0x3F92];
	s0 =	simm.s32 @p1 $0x1  }
0x15: {  	[smem:$0x3FAF] =	sst s0;
	s0 =	simm.s32 @!p2 $0x0  }
0x16: {  	s3 =	sld [smem:$0x3FDB];
	s0 =	simm.s32 @p2 $0x1  }
0x17: {  	s4 =	simm.s32 $0x1BF5;
	[smem:$0x3FB1] =	sst s0  }
0x18: {  	s0 =	sld [smem:$0x3F94];
	_ =	swait.ge [sflag:s4], $0x0  }
0x19: {  	s7 =	sld [smem:$0x3F95]  }
0x1a: {  	s8 =	sadd.s32 $0xFFFFE003, lr  }
0x1b: {  	s9 =	sadd.s32 $0xFFFFFEF7, lr;
	s5 =	simm.s32 $0xFFFFFFFF;
	p2 =	slt.u32 s8, $0xFFFFF086  }
0x1c: {  	p1 =	slt.u32 s9, $0xF7A;
	s5 =	simm.s32 @!p2 $0x0  }
0x1d: {  	s5 =	simm.s32 @p1 $0x1;
	p0 =	seq.s32 s7, s2  }
0x1e: {  	s7 =	smul.u32 @!p0 $0xF7A, s2;
	p2 =	seq.s32 @!p0 s5, $0x0  }
0x1f: {  	s9 =	smul.u32 $0xF7A, s1;
	s8 =	simm.s32 @!p0 $0x1BF5;
	p2 =	por !p2, p0  }
0x20: {  	[sflag:s8] =	ssyncset.s32 @!p0 $0xFFFFF086;
	s6 =	sadd.s32 @!p0 s3, s7;
	s7 =	simm.s32 @!p0 $0x108  }
0x21: {  	s3 =	sadd.s32 s3, s9;
	s6 =	sadd.s32 @!p0 $0x88, s6;
	s7 =	simm.s32 @p2 $0x1082  }
0x22: {  	[simem:s7], [sflag:s8] =	dma.local @!p0 [hbm:s6], $0xF7A  }
0x23: {  	s9 =	sor.u32 $0xD0000000, s2;
	s6 =	simm.s32 $0x108;
	_ =	swait.ge @!p0 [sflag:s8], $0x0  }
0x24: {  	s3 =	sadd.s32 $0x88, s3;
	s6 =	simm.s32 @!p1 $0x1082;
	[sflag:s4] =	ssyncset.s32 $0xFFFFF086  }
0x25: {  	[simem:s6], [sflag:s4] =	dma.local [hbm:s3], $0xF7A  }
0x26: {  	[smem:$0x3F95] =	sst s1;
	(tag) =	ssettag s2;
	_ =	strace s9  }
0x27: {  	s1 =	sld [smem:$0x3FA5]  }
0x28: {  	s2 =	sld [smem:$0x3FA6]  }
0x29: {  	s4 =	sld [smem:$0x3FA8]  }
0x2a: {  	p0 =	seq.s32 s5, $0x0;
	s5 =	sld [smem:$0x3FA9]  }
0x2b: {  	s6 =	sld [smem:$0x3FAA]  }
0x2c: {  	s7 =	sld [smem:$0x3FAB]  }
0x2d: {  	s3 =	simm.s32 $0x108;
	s8 =	sld [smem:$0x3FAC]  }
0x2e: {  	s3 =	simm.s32 @!p0 $0x1082;
	s9 =	sld [smem:$0x3FAD]  }
0x2f: {  	lr =	sadd.s32 s0, s3;
	s0 =	sld [smem:$0x3FA4]  }
0x30: {  	s3 =	sld [smem:$0x3FA7]  }
0x31: {  	[smem:$0x3FB0] =	sst s10  }
0x32: {  	s10 =	sld [smem:$0x3FAE];
	_ =	sdelay $0x3  }
0x33: {  	p0 =	seq.s32 s10, $0x1;
	s10 =	sld [smem:$0x3FB0];
	_ =	sdelay $0x3  }
0x34: {  	[smem:$0x3FB0] =	sst s10  }
0x35: {  	s10 =	sld [smem:$0x3FAF];
	_ =	sdelay $0x3  }
0x36: {  	p1 =	seq.s32 s10, $0x1;
	s10 =	sld [smem:$0x3FB0];
	_ =	sdelay $0x3  }
0x37: {  	[smem:$0x3FB0] =	sst s10  }
0x38: {  	s10 =	sld [smem:$0x3FB1]  }
0x39: {  	_ = 	snop;
	(pc) =	sbr.ind lr, $3  }
0x3a: {  	_ = 	snop  }
0x3b: {  	_ = 	snop  }
0x3c: {  	p2 =	seq.s32 s10, $0x1;
	s10 =	sld [smem:$0x3FB0]  }
0x3d: {  	_ =	shalt  }
0x3e: {  	_ =	shalt  }
0x3f: {  	_ =	shalt  }
0x40: {  	_ =	shalt  }
0x41: {  	_ =	shalt  }
0x42: {  	_ =	shalt  }
0x43: {  	_ =	shalt  }
0x44: {  	_ =	shalt  }
0x45: {  	_ =	shalt  }
0x46: {  	_ =	shalt  }
0x47: {  	_ =	shalt  }
0x48: {  	_ =	shalt  }
0x49: {  	_ =	shalt  }
0x4a: {  	_ =	shalt  }
0x4b: {  	_ =	shalt  }
0x4c: {  	_ =	shalt  }
0x4d: {  	_ =	shalt  }
0x4e: {  	_ =	shalt  }
0x4f: {  	_ =	shalt  }
0x50: {  	_ =	shalt  }
0x51: {  	_ =	shalt  }
0x52: {  	_ =	shalt  }
0x53: {  	_ =	shalt  }
0x54: {  	_ =	shalt  }
0x55: {  	_ =	shalt  }
0x56: {  	_ =	shalt  }
0x57: {  	_ =	shalt  }
0x58: {  	_ =	shalt  }
0x59: {  	_ =	shalt  }
0x5a: {  	_ =	shalt  }
0x5b: {  	_ =	shalt  }
0x5c: {  	_ =	shalt  }
0x5d: {  	_ =	shalt  }
0x5e: {  	_ =	shalt  }
0x5f: {  	_ =	shalt  }
0x60: {  	_ =	shalt  }
0x61: {  	_ =	shalt  }
0x62: {  	_ =	shalt  }
0x63: {  	_ =	shalt  }
0x64: {  	_ =	shalt  }
0x65: {  	_ =	shalt  }
0x66: {  	_ =	shalt  }
0x67: {  	_ =	shalt  }
0x68: {  	_ =	shalt  }
0x69: {  	_ =	shalt  }
0x6a: {  	_ =	shalt  }
0x6b: {  	_ =	shalt  }
0x6c: {  	_ =	shalt  }
0x6d: {  	_ =	shalt  }
0x6e: {  	_ =	shalt  }
0x6f: {  	_ =	shalt  }
0x70: {  	_ =	shalt  }
0x71: {  	_ =	shalt  }
0x72: {  	_ =	shalt  }
0x73: {  	_ =	shalt  }
0x74: {  	_ =	shalt  }
0x75: {  	_ =	shalt  }
0x76: {  	_ =	shalt  }
0x77: {  	_ =	shalt  }
0x78: {  	_ =	shalt  }
0x79: {  	_ =	shalt  }
0x7a: {  	_ =	shalt  }
0x7b: {  	_ =	shalt  }
0x7c: {  	_ =	shalt  }
0x7d: {  	_ =	shalt  }
0x7e: {  	_ =	shalt  }
0x7f: {  	_ =	shalt  }
0x80: {  	_ =	shalt  }
0x81: {  	_ =	shalt  }
0x82: {  	_ =	shalt  }
0x83: {  	_ =	shalt  }
0x84: {  	_ =	shalt  }
0x85: {  	_ =	shalt  }
0x86: {  	_ =	shalt  }
0x87: {  	_ =	shalt  }
.Lfunc_end0:
.L_simem_size_0:
called_computation_lowered:
.L_overlay_start_0:
0x88: {  	s2 =	sld [smem:$0x3FD9]  }
0x89: {  	s3 =	sld [smem:$0x3FFE];
	_ =	sdelay $0x1  }
0x8a: {  	s1 =	srdreg.scid  }
0x8b: {  	s0 =	sand.u32 $0x1, s1  }
0x8c: {  	s14 =	sshll.u32 s0, $0xA;
	s2 =	sadd.s32 s3, s2  }
0x8d: {  	s2 =	sadd.s32 s2, s14  }
0x8e: {  	[smem:$0x3FBC] =	sst s2  }
0x8f: {  	_ = 	snop  }
0x90: {  	s2 =	sld [smem:$0x3FD0];
	_ =	sdelay $0x2  }
0x91: {  	s4 =	simm.s32 $0xA;
	s5 =	simm.s32 $0x10;
	s15 =	sld [smem:$0x3FC8]  }
0x92: {  	[smem:s5], [sflag:s4] =	dma.local [hbm:s2], $0x1  }
0x93: {  	_ =	swait.eq [sflag:s4], $0x1  }
0x94: {  	[sflag:s4] =	ssyncset.done $0x0  }
0x95: {  	s16 =	sld [smem:$0x10];
	[sflag:s4] =	ssyncadd.s32 $0xFFFFFFFF  }
0x96: {  	s17 =	sld [smem:$0x11];
	(tm) =	ssettm $0x1  }
0x97: {  	s18 =	sld [smem:$0x3FFB];
	_ =	sdelay $0x3  }
0x98: {  	_ =	strace s18  }
0x99: {  	s5 =	sld [smem:$0x3FFC];
	_ =	sdelay $0x3  }
0x9a: {  	_ =	strace s5  }
0x9b: {  	s5 =	sld [smem:$0x3FFD];
	_ =	sdelay $0x3  }
0x9c: {  	_ =	strace s5  }
0x9d: {  	_ =	strace $0x8FFFFFFF  }
0x9e: {  	s19 =	sld [smem:$0x3FDB];
	_ =	sdelay $0x1  }
0x9f: {  	s6 =	simm.s32 $_scs_section_size  }
0xa0: {  	s7 =	simm.s32 $_size__tile_overlayer_lowered;
	s8 =	simm.s32 $_tile_overlayer_lowered  }
0xa1: {  	s22 =	simm.s32 $0x1BFF;
	s21 =	sshll.u32 s8, $0x1;
	s5 =	sadd.s32 s6, s19  }
0xa2: {  	s9 =	simm.s32 $0x0;
	s20 =	sshll.u32 s7, $0x1;
	s7 =	sadd.s32 s21, s5  }
0xa3: {  	[timem:s9], [sflag:s22] =	dma.local [hbm:s7], s20  }
0xa4: {  	_ =	swait.ge [sflag:s22], s20  }
0xa5: {  	s6 =	ssub.s32 $0x0, s20;
	[sflag:s22] =	ssyncset.done $0x0  }
0xa6: {  	[sflag:s22] =	ssyncadd.s32 s6;
	_ =	sdelay $0x1  }
0xa7: {  	s23 =	simm.s32 $0x1B8B  }
0xa8: {  	_ =	swait.ge [sflag:s23], $0x1  }
0xa9: {  	[sflag:s23] =	ssyncset.done $0x0  }
0xaa: {  	s25 =	simm.s32 $0x1B8E;
	s24 =	sld [smem:$0x3FFE];
	[sflag:s23] =	ssyncadd.s32 $0xFFFFFFFF  }
0xab: {  	s26 =	simm.s32 $execute0_lowered;
	[smem:$0x3FD2] =	sst s25  }
0xac: {  	s7 =	sshll.u32 s26, $0x1;
	_ =	strace $0x80000046;
	[dreg:$0x1] =	wrdreg $0xFFFFFFFF  }
0xad: {  	s28 =	simm.s32 $_size_execute0_lowered;
	s5 =	sadd.s32 s5, s7;
	[dreg:$0x0] =	wrdreg $0x0  }
0xae: {  	s7 =	sshll.u32 s28, $0x1;
	[dreg:$0x2] =	wrdreg s5  }
0xaf: {  	[dreg:$0x3] =	wrdreg s7  }
0xb0: {  	[dreg:$0x4] =	wrdreg $0xC0  }
0xb1: {  	_ =	task [dreg:s9], $0x5FFFF  }
0xb2: {  	[dreg:$0x1] =	wrdreg $0xFFFFFFFF  }
0xb3: {  	[dreg:$0x0] =	wrdreg $0x60  }
0xb4: {  	[dreg:$0x2] =	wrdreg s17  }
0xb5: {  	[dreg:$0x3] =	wrdreg s24  }
0xb6: {  	[dreg:$0x4] =	wrdreg s15  }
0xb7: {  	[dreg:$0x5] =	wrdreg s16  }
0xb8: {  	[dreg:$0x6] =	wrdreg $0x9  }
0xb9: {  	_ =	task.clear_ibuf [dreg:s9], $0x7FFFF;
	_ =	strace $0x90000046  }
0xba: {  	s29 =	simm.s32 $0x9;
	_ =	strace $0x80000048  }
0xbb: {  	_ =	swait.ge [sflag:s29], $0x1  }
0xbc: {  	[sflag:s29] =	ssyncadd.s32 $0xFFFFFFFF  }
0xbd: {  	_ =	strace $0x90000048  }
0xbe: {  	_ =	sfence  }
0xbf: {  	s30 =	sld [smem:$0x0];
	_ =	sdelay $0x2  }
0xc0: {  	s31 =	sshll.u32 s1, $0xD;
	s1 =	sshrl.u32 s1, $0x2  }
0xc1: {  	s3 =	sand.u32 $0x4000, s31;
	s1 =	sadd.s32 s1, s30  }
0xc2: {  	s0 =	sor.u32 s3, s0;
	s1 =	sshll.u32 s1, $0x11  }
0xc3: {  	s0 =	sor.u32 s1, s0  }
0xc4: {  	s0 =	sadd.s32 $0x8F2B, s0  }
0xc5: {  	[sflag:s0] =	ssyncadd.remote.s32 $0x1  }
0xc6: {  	_ =	sfence.sel $0xFFFF  }
0xc7: {  	[dreg:$0x0] =	wrdreg $0xFFFFFFFF;
	(pc) =	sbr.abs _section_cstart, $3  }
0xc8: {  	[dreg:$0x1] =	wrdreg $0xFFFFFFFF  }
0xc9: {  	_ =	task.clear_ibuf [dreg:s9], $0x2FFFF;
	_ =	strace $0x9FFFFFFF  }
0xca: {  	(tm) =	ssettm $0x7FFFFFFF  }
0xcb: {  	_ =	shalt  }
tec
execute0_lowered:
.L_overlay_start_1:
0x0: {  	(tag) =	ssettag $0x1  }
0x1: {  	s0 =	rddreg [dreg:$0x1]  }
0x2: {  	s1 =	rddreg [dreg:$0x2];
	s2 =	srdreg.scid  }
0x3: {  	s3 =	stileid.u32;
	s4 =	simm.s32 $0x0;
	vm0 =	vmmov $0x1;
	vm1 =	vcmask $0x308;
	s17 =	simm.s32 $0x980  }
0x4: {  	vm2 =	vcmask $0x70C;
	vm3 =	vcmask $0xB10;
	v24 =	vlaneseq.u32;
	s18 =	simm.s32 $0x1;
	s19 =	simm.s32 $0x3;
	s20 =	simm.s32 $0x8980  }
0x5: {  	vm4 =	vcmask $0xF14;
	vm5 =	vcmask $0x1318;
	vm6 =	vcmask $0x171C;
	s21 =	simm.s32 $0x900;
	s22 =	simm.s32 $0x2;
	s31 =	simm.s32 $0x4980  }
0x6: {  	vm7 =	vcmask $0x1B20;
	v1 =	vimm.s32 $0x0;
	vm8 =	vmmov $0xffff;
	s15 =	simm.s32 $0x7180;
	s16 =	simm.s32 $0x7980;
	s23 =	simm.s32 $0x8180  }
0x7: {  	v2 =	vimm.s32 $0x0;
	v25 =	vimm.s32 $0x0;
	s24 =	simm.s32 $0x40;
	s25 =	simm.s32 $0x0;
	s2 =	sand.u32 $0x1, s2;
	v0 =	vmul.u32 $0x80, v24  }
0x8: {  	s3 =	sshll.u32 s3, $0x1;
	[smem:$0x7FF] =	sst s4;
	v2 =	vsel vm8, $0xFFFFFFFF, v2;
	s13 =	sadd.s32 $0x2D00, s0;
	v22 =	vand.u32 $0x7, v24;
	v23 =	vshrl.u32 v24, $0x3  }
0x9: {  	v24 =	vor.u32 $0x8, v24;
	vm8 =	vmmov $0x7fff;
	s3 =	sor.u32 s2, s3;
	_ =	strace $0x80000047;
	s2 =	ssub.s32 $0x2, s2;
	[tilespmem:$0x1FFE0] =	vst v2;
	v2 =	vimm.f32 $0.0e+00  }
0xa: {  	v23 =	vmul.u32 $0x8, v23;
	v25 =	vsel vm8, $0xFFFFFFFF, v25;
	s5 =	sshll.u32 s3, $0x1;
	s6 =	sshll.u32 s3, $0x3;
	s7 =	sshrl.u32 s2, $0x1;
	v3 =	vor.u32 $0x1, v0  }
0xb: {  	s9 =	sshll.u32 s3, $0xC;
	s10 =	sshll.u32 s3, $0x2;
	s11 =	sshll.u32 s3, $0x6;
	v4 =	vor.u32 $0x2, v0;
	v5 =	vor.u32 $0x3, v0;
	v6 =	vor.u32 $0x4, v0  }
0xc: {  	v7 =	vor.u32 $0x800, v0;
	v8 =	vor.u32 $0x801, v0;
	v9 =	vor.u32 $0x802, v0;
	p0 =	sne.s32 s3, $0x0;
	s3 =	simm.s32 $0x6980;
	s8 =	sadd.s32 s5, s0  }
0xd: {  	v10 =	vor.u32 $0x803, v0;
	v11 =	vor.u32 $0x804, v0;
	v12 =	vor.u32 $0x1000, v0;
	s5 =	sadd.s32 $0x2C00, s0;
	s12 =	sadd.s32 s6, s0;
	s6 =	sadd.s32 $0x22C00, s0  }
0xe: {  	v13 =	vor.u32 $0x1001, v0;
	v14 =	vor.u32 $0x1002, v0;
	v15 =	vor.u32 $0x1003, v0;
	s2 =	ssub.s32 s2, s7;
	s9 =	sadd.s32 s1, s9;
	s0 =	simm.s32 $0x5980  }
0xf: {  	v16 =	vor.u32 $0x1004, v0;
	v17 =	vor.u32 $0x1800, v0;
	v18 =	vor.u32 $0x1801, v0;
	s1 =	simm.s32 $0x6180;
	s7 =	sadd.s32 $0x2000, s12;
	s8 =	sadd.s32 $0x2A00, s8  }
0x10: {  	v19 =	vor.u32 $0x1802, v0;
	v20 =	vor.u32 $0x1803, v0;
	v21 =	vor.u32 $0x1804, v0;
	[tilespmem:$0x1FFF0] =	vst v25;
	s12 =	sadd.s32 $0x22E00, s12;
	s14 =	smax.u32 s2, $0x1;
	s2 =	simm.s32 $0x5180  }
.LBB2_1:
0x11: {  	s26 =	rddreg [dreg:$0x0]  }
0x12: {  	[tilespmem:s4], [sflag:$0x1] =	stream.linear.gather [hbm4b:s26+s4], $0x800, $0x38;
	[tilespmem:$0xAA00] =	vst v63  }
0x13: {  	s26 =	simm.s32 $0x800  }
0x14: {  	[tilespmem:s26], [sflag:$0x3] =	stream.linear.gather [hbm4b:s7+s4], $0x40, $0x38;
	[tilespmem:$0xAA00] =	vst v63  }
0x15: {  	s26 =	simm.s32 $0x880  }
0x16: {  	[tilespmem:s26], [sflag:$0x3] =	stream.linear.gather [hbm4b:s8+s4], $0x10, $0x38;
	[tilespmem:$0xAA00] =	vst v63  }
0x17: {  	_ = 	snop  }
0x18: {  	[tilespmem:s17], [sflag:$0x2] =	stream.linear.gather [hbm4b:s9+s4], $0x8000, $0x38;
	[tilespmem:$0xAA00] =	vst v63  }
0x19: {  	_ =	swait.ge [sflag:s18], $0x800  }
0x1a: {  	[sflag:s18] =	ssyncset.done $0x0  }
0x1b: {  	[sflag:s18] =	ssyncadd.s32 $0xFFFFF800  }
0x1c: {  	v25 =	vld [tilespmem:s4+$0x0]  }
0x1d: {  	s26 =	simm.s32 $0x10  }
0x1e: {  	v29 =	vld [tilespmem:s26+$0x0];
	_ =	sdelay $0x2  }
0x1f: {  	vm8 =	veq.s32 v25, $0x7;
	vm9 =	veq.s32 v25, $0x5;
	vm10 =	veq.s32 v25, $0x6  }
0x20: {  	vm11 =	veq.s32 v25, $0x0;
	vm12 =	veq.s32 v25, $0x1;
	vm14 =	veq.s32 v25, $0x2  }
0x21: {  	vm15 =	veq.s32 v29, $0x2;
	v26 =	vmpcnt.ones.xlane vm11;
	v27 =	vmpcnt.ones.xlane vm12  }
0x22: {  	v28 =	vmpcnt.ones.xlane vm14;
	vm11 =	veq.s32 v25, $0x3;
	vm12 =	veq.s32 v25, $0x4  }
0x23: {  	v25 =	vnsel vm0, $0x0, v26;
	v26 =	vsel vm1, $0x0, v27;
	v27 =	vmpcnt.ones.xlane vm11  }
0x24: {  	vm11 =	veq.s32 v29, $0x0;
	v25 =	vadd.s32 v25, v26;
	v26 =	vsel vm2, $0x0, v28  }
0x25: {  	v28 =	vmpcnt.ones.xlane vm12;
	vm12 =	veq.s32 v29, $0x1;
	v25 =	vadd.s32 v26, v25  }
0x26: {  	v26 =	vsel vm3, $0x0, v27;
	v27 =	vmpcnt.ones.xlane vm9;
	vm9 =	veq.s32 v29, $0x5  }
0x27: {  	v25 =	vadd.s32 v26, v25;
	v26 =	vsel vm4, $0x0, v28;
	v28 =	vmpcnt.ones.xlane vm10  }
0x28: {  	v25 =	vadd.s32 v26, v25;
	v26 =	vsel vm5, $0x0, v27;
	v27 =	vmpcnt.ones.xlane vm8  }
0x29: {  	vm10 =	veq.s32 v29, $0x6;
	v25 =	vadd.s32 v26, v25;
	v26 =	vsel vm6, $0x0, v28  }
0x2a: {  	vm8 =	veq.s32 v29, $0x7;
	v25 =	vadd.s32 v26, v25;
	v26 =	vsel vm7, $0x0, v27  }
0x2b: {  	v27 =	vmpcnt.ones.xlane vm12;
	v26 =	vadd.s32 v26, v25;
	v25 =	vmpcnt.ones.xlane vm11  }
0x2c: {  	v28 =	vmpcnt.ones.xlane vm15;
	vm12 =	veq.s32 v29, $0x4;
	vm11 =	veq.s32 v29, $0x3  }
0x2d: {  	v27 =	vsel vm1, $0x0, v27;
	v29 =	vmpcnt.ones.xlane vm11;
	v25 =	vnsel vm0, $0x0, v25  }
0x2e: {  	v25 =	vadd.s32 v25, v27;
	v27 =	vsel vm2, $0x0, v28;
	v28 =	vmpcnt.ones.xlane vm12  }
0x2f: {  	v25 =	vadd.s32 v27, v25;
	v27 =	vsel vm3, $0x0, v29  }
0x30: {  	p1 =	sgt.u32 s10, $0x0;
	s29 =	simm.s32 $0x20;
	v27 =	vadd.s32 v27, v25;
	v28 =	vsel vm4, $0x0, v28  }
0x31: {  	v30 =	vpsel !p1, $0x0, v26;
	v29 =	vmpcnt.ones.xlane vm9;
	v31 =	vadd.s32 v28, v27;
	v27 =	vld [tilespmem:s29+$0x0]  }
0x32: {  	v25 =	vadd.s32 v1, v30;
	v30 =	vmpcnt.ones.xlane vm10  }
0x33: {  	s28 =	simm.s32 $0x1;
	s30 =	simm.s32 $0x3;
	s26 =	simm.s32 $0x2;
	v32 =	vsel vm5, $0x0, v29;
	v29 =	vmpcnt.ones.xlane vm8;
	v28 =	vimm.s32 $0x0  }
.LBB2_2:
0x34: {  	p1 =	sne.s32 s30, $0x7F;
	v31 =	vadd.s32 v32, v31;
	v30 =	vsel vm6, $0x0, v30;
	v28 =	vadd.s32 v28, v26  }
0x35: {  	v26 =	vadd.s32 v30, v31;
	v29 =	vsel vm7, $0x0, v29  }
0x36: {  	p2 =	slt.u32 s28, s10;
	s28 =	smov.u32 s26;
	s26 =	smov.u32 s30;
	vm8 =	veq.s32 v27, $0x7;
	v26 =	vadd.s32 v29, v26  }
0x37: {  	vm9 =	veq.s32 v27, $0x5;
	vm10 =	veq.s32 v27, $0x6;
	v29 =	vpsel !p2, $0x0, v26  }
0x38: {  	vm11 =	veq.s32 v27, $0x0;
	vm12 =	veq.s32 v27, $0x1;
	v25 =	vadd.s32 v25, v29  }
0x39: {  	v30 =	vmpcnt.ones.xlane vm12;
	v29 =	vmpcnt.ones.xlane vm11;
	vm11 =	veq.s32 v27, $0x2  }
0x3a: {  	vm12 =	veq.s32 v27, $0x4;
	v31 =	vmpcnt.ones.xlane vm11;
	vm11 =	veq.s32 v27, $0x3  }
.Ltmp0:
0x3b: {  	v27 =	vnsel vm0, $0x0, v29;
	v29 =	vsel vm1, $0x0, v30;
	v30 =	vmpcnt.ones.xlane vm11;
	(pc) =	sbr.rel @p1 .LBB2_2-.Ltmp0, $4  }
0x3c: {  	s29 =	sadd.s32 $0x10, s29;
	v32 =	vmpcnt.ones.xlane vm12;
	v29 =	vadd.s32 v27, v29;
	v31 =	vsel vm2, $0x0, v31  }
0x3d: {  	v33 =	vmpcnt.ones.xlane vm9;
	v29 =	vadd.s32 v31, v29;
	v30 =	vsel vm3, $0x0, v30;
	v27 =	vld [tilespmem:s29+$0x0]  }
0x3e: {  	v31 =	vsel vm4, $0x0, v32;
	v29 =	vadd.s32 v30, v29;
	v30 =	vmpcnt.ones.xlane vm10  }
0x3f: {  	s30 =	sadd.s32 $0x1, s30;
	v32 =	vsel vm5, $0x0, v33;
	v31 =	vadd.s32 v31, v29;
	v29 =	vmpcnt.ones.xlane vm8  }
0x40: {  	_ = 	snop  }
0x41: {  	v31 =	vadd.s32 v32, v31;
	v30 =	vsel vm6, $0x0, v30;
	v26 =	vadd.s32 v28, v26  }
0x42: {  	v61 =	vadd.s32 v30, v31;
	vm8 =	veq.s32 v27, $0x7;
	vm9 =	veq.s32 v27, $0x5  }
0x43: {  	vm10 =	veq.s32 v27, $0x6;
	vm11 =	veq.s32 v27, $0x0;
	vm12 =	veq.s32 v27, $0x1  }
0x44: {  	vm15 =	veq.s32 v27, $0x2;
	v62 =	vmpcnt.ones.xlane vm11;
	v63 =	vmpcnt.ones.xlane vm12  }
0x45: {  	v36 =	vmpcnt.ones.xlane vm15;
	vm11 =	veq.s32 v27, $0x3;
	vm12 =	veq.s32 v27, $0x4  }
0x46: {  	v38 =	vmpcnt.ones.xlane vm11;
	v27 =	vnsel vm0, $0x0, v62;
	v37 =	vsel vm1, $0x0, v63  }
0x47: {  	v40 =	vmpcnt.ones.xlane vm12;
	v39 =	vsel vm2, $0x0, v36;
	v27 =	vadd.s32 v27, v37  }
0x48: {  	v42 =	vmpcnt.ones.xlane vm9;
	v41 =	vsel vm3, $0x0, v38;
	v27 =	vadd.s32 v39, v27  }
0x49: {  	v44 =	vmpcnt.ones.xlane vm10;
	v43 =	vsel vm4, $0x0, v40;
	v27 =	vadd.s32 v41, v27  }
0x4a: {  	v46 =	vmpcnt.ones.xlane vm8;
	v45 =	vsel vm5, $0x0, v42;
	v27 =	vadd.s32 v43, v27  }
0x4b: {  	v29 =	vsel vm7, $0x0, v29;
	v47 =	vsel vm6, $0x0, v44;
	v27 =	vadd.s32 v45, v27  }
0x4c: {  	v28 =	vadd.s32 v29, v61;
	v48 =	vsel vm7, $0x0, v46;
	v27 =	vadd.s32 v47, v27  }
0x4d: {  	v26 =	vadd.s32 v26, v28;
	v27 =	vadd.s32 v48, v27  }
0x4e: {  	v26 =	vadd.s32 v26, v27  }
0x4f: {  	(xrf0) =	vadd.scan.msk.s32 $0xffff, v26;
	_ =	sdelay $0x5  }
0x50: {  	v49, _, _ =	vpop (xrf0)  }
0x51: {  	v26 =	vsub.s32 v49, v26  }
0x52: {  	s29 =	simm.s32 @!p0 $0x0;
	s30 =	simm.s32 @!p0 $0xA980;
	[tilespmem:$0xA980] =	vst @!p0 v26  }
0x53: {  	[hbm4b:s6+s29] =	stream.linear.scatter @!p0 [tilespmem:s30], [sflag:$0x4], $0x80, $0x38;
	[tilespmem:$0xAA00] =	vst v63  }
0x54: {  	s29 =	simm.s32 @!p0 $0x4  }
0x55: {  	_ =	swait.ge @!p0 [sflag:s29], $0x80  }
0x56: {  	[sflag:s29] =	ssyncset.done @!p0 $0x0  }
0x57: {  	[sflag:s29] =	ssyncadd.s32 @!p0 $0xFFFFFF80  }
0x58: {  	v50 =	vld [tilespmem:s11+$0x0];
	_ =	sdelay $0x1  }
0x59: {  	p1 =	slt.u32 s28, s10  }
0x5a: {  	p6 =	slt.u32 s26, s10;
	v28 =	vpsel !p1, $0x0, v28  }
0x5b: {  	v25 =	vadd.s32 v25, v28;
	v27 =	vpsel !p6, $0x0, v27  }
0x5c: {  	v25 =	vadd.s32 v25, v27;
	vm10 =	veq.s32 v50, $0x0  }
0x5d: {  	v25 =	vadd.s32 v25, v26;
	v26 =	vsel vm10, $0x1, v1  }
0x5e: {  	vm11 =	veq.s32 v50, $0x1;
	(xrf0) =	vadd.scan.msk.s32 $0xffff, v26;
	v26 =	vnsel vm0, $0x0, v25  }
0x5f: {  	(xrf0) =	vadd.scan.msk.s32 $0xffff, v26;
	v26 =	vsel vm11, $0x1, v1  }
0x60: {  	vm12 =	veq.s32 v50, $0x2;
	(xrf0) =	vadd.scan.msk.s32 $0xffff, v26;
	v26 =	vsel vm1, $0x0, v25  }
0x61: {  	(xrf0) =	vadd.scan.msk.s32 $0xffff, v26;
	v26 =	vsel vm12, $0x1, v1  }
0x62: {  	vm13 =	veq.s32 v50, $0x3;
	(xrf0) =	vadd.scan.msk.s32 $0xffff, v26;
	v26 =	vsel vm2, $0x0, v25  }
0x63: {  	(xrf0) =	vadd.scan.msk.s32 $0xffff, v26;
	v26 =	vsel vm13, $0x1, v1  }
0x64: {  	vm14 =	veq.s32 v50, $0x4;
	v27, _, _ =	vpop (xrf0);
	(xrf0) =	vadd.scan.msk.s32 $0xffff, v26;
	v26 =	vsel vm3, $0x0, v25  }
0x65: {  	v51, _, _ =	vpop (xrf0);
	(xrf0) =	vadd.scan.msk.s32 $0xffff, v26;
	v26 =	vsel vm14, $0x1, v1  }
0x66: {  	vm15 =	veq.s32 v50, $0x5;
	v52, _, _ =	vpop (xrf0);
	(xrf0) =	vadd.scan.msk.s32 $0xffff, v26;
	v26 =	vsel vm4, $0x0, v25  }
0x67: {  	v53, _, _ =	vpop (xrf0);
	(xrf0) =	vadd.scan.msk.s32 $0xffff, v26;
	v26 =	vsel vm15, $0x1, v1  }
0x68: {  	vm9 =	veq.s32 v50, $0x6;
	v54, _, _ =	vpop (xrf0);
	(xrf0) =	vadd.scan.msk.s32 $0xffff, v26;
	v26 =	vsel vm5, $0x0, v25  }
0x69: {  	v33, _, _ =	vpop (xrf0);
	(xrf0) =	vadd.scan.msk.s32 $0xffff, v26;
	v26 =	vsel vm9, $0x1, v1  }
0x6a: {  	vm8 =	veq.s32 v50, $0x7;
	v34, _, _ =	vpop (xrf0);
	(xrf0) =	vadd.scan.msk.s32 $0xffff, v26;
	v26 =	vsel vm6, $0x0, v25  }
0x6b: {  	v28 =	vadd.s32 $0xFFFFFFFF, v51;
	v55, _, _ =	vpop (xrf0);
	(xrf0) =	vadd.scan.msk.s32 $0xffff, v26;
	v26 =	vsel vm8, $0x1, v1  }
0x6c: {  	v28 =	vbroadcast v28, $0xF;
	v31 =	vadd.s32 $0xFFFFFFFF, v53;
	v35, _, _ =	vpop (xrf0);
	(xrf0) =	vadd.scan.msk.s32 $0xffff, v26;
	v26 =	vsel vm7, $0x0, v25  }
0x6d: {  	v31 =	vbroadcast v31, $0xF;
	v33 =	vadd.s32 $0xFFFFFFFF, v33;
	v36, _, _ =	vpop (xrf0);
	(xrf0) =	vadd.scan.msk.s32 $0xffff, v26  }
0x6e: {  	v26 =	vadd.s32 v27, v28;
	v27 =	vbroadcast v33, $0xF;
	v56, _, _ =	vpop (xrf0)  }
0x6f: {  	v30 =	vadd.s32 v52, v31;
	v29 =	vadd.s32 $0xFFFFFFFF, v55;
	v26 =	vnsel vm10, $0x0, v26;
	v57, _, _ =	vpop (xrf0)  }
0x70: {  	v29 =	vbroadcast v29, $0xF;
	v26 =	vsel vm11, v30, v26;
	v27 =	vadd.s32 v54, v27;
	v58, _, _ =	vpop (xrf0)  }
0x71: {  	v26 =	vsel vm12, v27, v26;
	v27 =	vadd.s32 $0xFFFFFFFF, v36;
	v59, _, _ =	vpop (xrf0)  }
0x72: {  	v29 =	vadd.s32 v34, v29;
	v31 =	vadd.s32 $0xFFFFFFFF, v57;
	v27 =	vbroadcast v27, $0xF;
	v60, _, _ =	vpop (xrf0)  }
0x73: {  	v26 =	vsel vm13, v29, v26;
	v61 =	vbroadcast v31, $0xF;
	v62 =	vadd.s32 $0xFFFFFFFF, v59;
	v63, _, _ =	vpop (xrf0)  }
0x74: {  	v27 =	vadd.s32 v35, v27;
	v31 =	vbroadcast v62, $0xF;
	v32 =	vadd.s32 $0xFFFFFFFF, v63  }
0x75: {  	v26 =	vsel vm14, v27, v26;
	v27 =	vadd.s32 v56, v61;
	v35 =	vbroadcast v32, $0xF  }
0x76: {  	v36 =	vmpcnt.ones.xlane vm10;
	v26 =	vsel vm15, v27, v26;
	v27 =	vadd.s32 v58, v31  }
0x77: {  	v37 =	vmpcnt.ones.xlane vm11;
	v26 =	vsel vm9, v27, v26;
	v27 =	vadd.s32 v60, v35  }
0x78: {  	v39 =	vmpcnt.ones.xlane vm12;
	v38 =	vnsel vm0, $0x0, v36;
	v26 =	vsel vm8, v27, v26  }
0x79: {  	v40 =	vmpcnt.ones.xlane vm13;
	v25 =	vadd.s32 v25, v38;
	v27 =	vsel vm1, $0x0, v37;
	[tilespmem:$0x900] =	vst v26  }
0x7a: {  	v41 =	vmpcnt.ones.xlane vm14;
	v26 =	vsel vm2, $0x0, v39;
	v25 =	vadd.s32 v27, v25;
	v27 =	vld [tilespmem:s11+$0x10]  }
0x7b: {  	v43 =	vmpcnt.ones.xlane vm15;
	v42 =	vsel vm3, $0x0, v40;
	v25 =	vadd.s32 v26, v25  }
0x7c: {  	v44 =	vmpcnt.ones.xlane vm9;
	v26 =	vsel vm4, $0x0, v41;
	v25 =	vadd.s32 v42, v25  }
0x7d: {  	v46 =	vmpcnt.ones.xlane vm8;
	v45 =	vsel vm5, $0x0, v43;
	v25 =	vadd.s32 v26, v25  }
0x7e: {  	v26 =	vsel vm6, $0x0, v44;
	v25 =	vadd.s32 v45, v25  }
0x7f: {  	v47 =	vsel vm7, $0x0, v46;
	v25 =	vadd.s32 v26, v25;
	vm10 =	veq.s32 v27, $0x0  }
0x80: {  	v25 =	vadd.s32 v47, v25;
	v26 =	vsel vm10, $0x1, v1  }
0x81: {  	vm11 =	veq.s32 v27, $0x1;
	(xrf0) =	vadd.scan.msk.s32 $0xffff, v26;
	v26 =	vnsel vm0, $0x0, v25  }
0x82: {  	(xrf0) =	vadd.scan.msk.s32 $0xffff, v26;
	v26 =	vsel vm11, $0x1, v1  }
0x83: {  	vm12 =	veq.s32 v27, $0x2;
	(xrf0) =	vadd.scan.msk.s32 $0xffff, v26;
	v26 =	vsel vm1, $0x0, v25  }
0x84: {  	(xrf0) =	vadd.scan.msk.s32 $0xffff, v26;
	v26 =	vsel vm12, $0x1, v1  }
0x85: {  	vm13 =	veq.s32 v27, $0x3;
	(xrf0) =	vadd.scan.msk.s32 $0xffff, v26;
	v26 =	vsel vm2, $0x0, v25  }
0x86: {  	(xrf0) =	vadd.scan.msk.s32 $0xffff, v26;
	v26 =	vsel vm13, $0x1, v1  }
0x87: {  	vm14 =	veq.s32 v27, $0x4;
	v48, _, _ =	vpop (xrf0);
	(xrf0) =	vadd.scan.msk.s32 $0xffff, v26;
	v26 =	vsel vm3, $0x0, v25  }
0x88: {  	v49, _, _ =	vpop (xrf0);
	(xrf0) =	vadd.scan.msk.s32 $0xffff, v26;
	v26 =	vsel vm14, $0x1, v1  }
0x89: {  	vm15 =	veq.s32 v27, $0x5;
	v50, _, _ =	vpop (xrf0);
	(xrf0) =	vadd.scan.msk.s32 $0xffff, v26;
	v26 =	vsel vm4, $0x0, v25  }
0x8a: {  	v51, _, _ =	vpop (xrf0);
	(xrf0) =	vadd.scan.msk.s32 $0xffff, v26;
	v26 =	vsel vm15, $0x1, v1  }
0x8b: {  	vm9 =	veq.s32 v27, $0x6;
	v52, _, _ =	vpop (xrf0);
	(xrf0) =	vadd.scan.msk.s32 $0xffff, v26;
	v26 =	vsel vm5, $0x0, v25  }
0x8c: {  	v53, _, _ =	vpop (xrf0);
	(xrf0) =	vadd.scan.msk.s32 $0xffff, v26;
	v26 =	vsel vm9, $0x1, v1  }
0x8d: {  	vm8 =	veq.s32 v27, $0x7;
	v54, _, _ =	vpop (xrf0);
	(xrf0) =	vadd.scan.msk.s32 $0xffff, v26;
	v26 =	vsel vm6, $0x0, v25  }
0x8e: {  	v27 =	vadd.s32 $0xFFFFFFFF, v49;
	v55, _, _ =	vpop (xrf0);
	(xrf0) =	vadd.scan.msk.s32 $0xffff, v26;
	v26 =	vsel vm8, $0x1, v1  }
0x8f: {  	v27 =	vbroadcast v27, $0xF;
	v31 =	vadd.s32 $0xFFFFFFFF, v51;
	v56, _, _ =	vpop (xrf0);
	(xrf0) =	vadd.scan.msk.s32 $0xffff, v26;
	v26 =	vsel vm7, $0x0, v25  }
0x90: {  	v31 =	vbroadcast v31, $0xF;
	v33 =	vadd.s32 $0xFFFFFFFF, v53;
	v57, _, _ =	vpop (xrf0);
	(xrf0) =	vadd.scan.msk.s32 $0xffff, v26  }
0x91: {  	v26 =	vadd.s32 v48, v27;
	v27 =	vbroadcast v33, $0xF;
	v58, _, _ =	vpop (xrf0)  }
0x92: {  	v30 =	vadd.s32 v50, v31;
	v29 =	vadd.s32 $0xFFFFFFFF, v55;
	v26 =	vnsel vm10, $0x0, v26;
	v59, _, _ =	vpop (xrf0)  }
0x93: {  	v29 =	vbroadcast v29, $0xF;
	v26 =	vsel vm11, v30, v26;
	v27 =	vadd.s32 v52, v27;
	v60, _, _ =	vpop (xrf0)  }
0x94: {  	v26 =	vsel vm12, v27, v26;
	v27 =	vadd.s32 $0xFFFFFFFF, v57;
	v61, _, _ =	vpop (xrf0)  }
0x95: {  	v29 =	vadd.s32 v54, v29;
	v31 =	vadd.s32 $0xFFFFFFFF, v59;
	v27 =	vbroadcast v27, $0xF;
	v62, _, _ =	vpop (xrf0)  }
0x96: {  	v26 =	vsel vm13, v29, v26;
	v63 =	vbroadcast v31, $0xF;
	v36 =	vadd.s32 $0xFFFFFFFF, v61;
	v37, _, _ =	vpop (xrf0)  }
0x97: {  	v27 =	vadd.s32 v56, v27;
	v31 =	vbroadcast v36, $0xF;
	v32 =	vadd.s32 $0xFFFFFFFF, v37  }
0x98: {  	v26 =	vsel vm14, v27, v26;
	v27 =	vadd.s32 v58, v63;
	v38 =	vbroadcast v32, $0xF  }
0x99: {  	v39 =	vmpcnt.ones.xlane vm10;
	v26 =	vsel vm15, v27, v26;
	v27 =	vadd.s32 v60, v31  }
0x9a: {  	v40 =	vmpcnt.ones.xlane vm11;
	v26 =	vsel vm9, v27, v26;
	v27 =	vadd.s32 v62, v38  }
0x9b: {  	v42 =	vmpcnt.ones.xlane vm12;
	v41 =	vnsel vm0, $0x0, v39;
	v26 =	vsel vm8, v27, v26  }
0x9c: {  	v43 =	vmpcnt.ones.xlane vm13;
	v25 =	vadd.s32 v25, v41;
	v27 =	vsel vm1, $0x0, v40;
	[tilespmem:$0x910] =	vst v26  }
0x9d: {  	v44 =	vmpcnt.ones.xlane vm14;
	v26 =	vsel vm2, $0x0, v42;
	v25 =	vadd.s32 v27, v25;
	v27 =	vld [tilespmem:s11+$0x20]  }
0x9e: {  	v46 =	vmpcnt.ones.xlane vm15;
	v45 =	vsel vm3, $0x0, v43;
	v25 =	vadd.s32 v26, v25  }
0x9f: {  	v47 =	vmpcnt.ones.xlane vm9;
	v26 =	vsel vm4, $0x0, v44;
	v25 =	vadd.s32 v45, v25  }
0xa0: {  	v49 =	vmpcnt.ones.xlane vm8;
	v48 =	vsel vm5, $0x0, v46;
	v25 =	vadd.s32 v26, v25  }
0xa1: {  	v26 =	vsel vm6, $0x0, v47;
	v25 =	vadd.s32 v48, v25  }
0xa2: {  	v50 =	vsel vm7, $0x0, v49;
	v25 =	vadd.s32 v26, v25;
	vm10 =	veq.s32 v27, $0x0  }
0xa3: {  	v25 =	vadd.s32 v50, v25;
	v26 =	vsel vm10, $0x1, v1  }
0xa4: {  	vm11 =	veq.s32 v27, $0x1;
	(xrf0) =	vadd.scan.msk.s32 $0xffff, v26;
	v26 =	vnsel vm0, $0x0, v25  }
0xa5: {  	(xrf0) =	vadd.scan.msk.s32 $0xffff, v26;
	v26 =	vsel vm11, $0x1, v1  }
0xa6: {  	vm12 =	veq.s32 v27, $0x2;
	(xrf0) =	vadd.scan.msk.s32 $0xffff, v26;
	v26 =	vsel vm1, $0x0, v25  }
0xa7: {  	(xrf0) =	vadd.scan.msk.s32 $0xffff, v26;
	v26 =	vsel vm12, $0x1, v1  }
0xa8: {  	vm13 =	veq.s32 v27, $0x3;
	(xrf0) =	vadd.scan.msk.s32 $0xffff, v26;
	v26 =	vsel vm2, $0x0, v25  }
0xa9: {  	(xrf0) =	vadd.scan.msk.s32 $0xffff, v26;
	v26 =	vsel vm13, $0x1, v1  }
0xaa: {  	vm14 =	veq.s32 v27, $0x4;
	v51, _, _ =	vpop (xrf0);
	(xrf0) =	vadd.scan.msk.s32 $0xffff, v26;
	v26 =	vsel vm3, $0x0, v25  }
0xab: {  	v52, _, _ =	vpop (xrf0);
	(xrf0) =	vadd.scan.msk.s32 $0xffff, v26;
	v26 =	vsel vm14, $0x1, v1  }
0xac: {  	vm15 =	veq.s32 v27, $0x5;
	v53, _, _ =	vpop (xrf0);
	(xrf0) =	vadd.scan.msk.s32 $0xffff, v26;
	v26 =	vsel vm4, $0x0, v25  }
0xad: {  	v54, _, _ =	vpop (xrf0);
	(xrf0) =	vadd.scan.msk.s32 $0xffff, v26;
	v26 =	vsel vm15, $0x1, v1  }
0xae: {  	vm9 =	veq.s32 v27, $0x6;
	v55, _, _ =	vpop (xrf0);
	(xrf0) =	vadd.scan.msk.s32 $0xffff, v26;
	v26 =	vsel vm5, $0x0, v25  }
0xaf: {  	v56, _, _ =	vpop (xrf0);
	(xrf0) =	vadd.scan.msk.s32 $0xffff, v26;
	v26 =	vsel vm9, $0x1, v1  }
0xb0: {  	vm8 =	veq.s32 v27, $0x7;
	v57, _, _ =	vpop (xrf0);
	(xrf0) =	vadd.scan.msk.s32 $0xffff, v26;
	v26 =	vsel vm6, $0x0, v25  }
0xb1: {  	v27 =	vadd.s32 $0xFFFFFFFF, v52;
	v58, _, _ =	vpop (xrf0);
	(xrf0) =	vadd.scan.msk.s32 $0xffff, v26;
	v26 =	vsel vm8, $0x1, v1  }
0xb2: {  	v27 =	vbroadcast v27, $0xF;
	v31 =	vadd.s32 $0xFFFFFFFF, v54;
	v59, _, _ =	vpop (xrf0);
	(xrf0) =	vadd.scan.msk.s32 $0xffff, v26;
	v26 =	vsel vm7, $0x0, v25  }
0xb3: {  	v61 =	vadd.s32 $0xFFFFFFFF, v56;
	v60, _, _ =	vpop (xrf0);
	(xrf0) =	vadd.scan.msk.s32 $0xffff, v26;
	v26 =	vbroadcast v31, $0xF  }
0xb4: {  	v27 =	vadd.s32 v51, v27;
	v62 =	vbroadcast v61, $0xF;
	v63, _, _ =	vpop (xrf0)  }
0xb5: {  	v27 =	vnsel vm10, $0x0, v27;
	v29 =	vadd.s32 $0xFFFFFFFF, v58;
	v26 =	vadd.s32 v53, v26;
	v37, _, _ =	vpop (xrf0)  }
0xb6: {  	v38 =	vbroadcast v29, $0xF;
	v26 =	vsel vm11, v26, v27;
	v27 =	vadd.s32 v55, v62;
	v39, _, _ =	vpop (xrf0)  }
0xb7: {  	v26 =	vsel vm12, v27, v26;
	v27 =	vadd.s32 $0xFFFFFFFF, v60;
	v40, _, _ =	vpop (xrf0)  }
0xb8: {  	v28 =	vadd.s32 v57, v38;
	v30 =	vadd.s32 $0xFFFFFFFF, v37;
	v27 =	vbroadcast v27, $0xF;
	v41, _, _ =	vpop (xrf0)  }
0xb9: {  	v42 =	vbroadcast v30, $0xF;
	v26 =	vsel vm13, v28, v26;
	v43 =	vadd.s32 $0xFFFFFFFF, v40;
	v44, _, _ =	vpop (xrf0)  }
0xba: {  	v30 =	vbroadcast v43, $0xF;
	v27 =	vadd.s32 v59, v27;
	v32 =	vadd.s32 $0xFFFFFFFF, v44  }
0xbb: {  	v26 =	vsel vm14, v27, v26;
	v27 =	vadd.s32 v63, v42;
	v45 =	vbroadcast v32, $0xF  }
0xbc: {  	v46 =	vmpcnt.ones.xlane vm10;
	v26 =	vsel vm15, v27, v26;
	v27 =	vadd.s32 v39, v30  }
0xbd: {  	v47 =	vmpcnt.ones.xlane vm11;
	v26 =	vsel vm9, v27, v26;
	v27 =	vadd.s32 v41, v45  }
0xbe: {  	v48 =	vnsel vm0, $0x0, v46;
	v26 =	vsel vm8, v27, v26  }
0xbf: {  	v25 =	vadd.s32 v25, v48;
	v27 =	vsel vm1, $0x0, v47;
	[tilespmem:$0x920] =	vst v26  }
0xc0: {  	v25 =	vadd.s32 v27, v25;
	v27 =	vld [tilespmem:s11+$0x30];
	[tilespmem:$0x8980] =	vst v2  }
0xc1: {  	[tilespmem:$0x8A00] =	vst v2  }
0xc2: {  	[tilespmem:$0x8A80] =	vst v2  }
0xc3: {  	[tilespmem:$0x8B00] =	vst v2  }
0xc4: {  	[tilespmem:$0x8B80] =	vst v2  }
0xc5: {  	[tilespmem:$0x8C00] =	vst v2  }
0xc6: {  	[tilespmem:$0x8C80] =	vst v2  }
0xc7: {  	[tilespmem:$0x8D00] =	vst v2  }
0xc8: {  	[tilespmem:$0x8D80] =	vst v2  }
0xc9: {  	[tilespmem:$0x8E00] =	vst v2  }
0xca: {  	[tilespmem:$0x8E80] =	vst v2  }
0xcb: {  	[tilespmem:$0x8F00] =	vst v2  }
0xcc: {  	[tilespmem:$0x8F80] =	vst v2  }
0xcd: {  	[tilespmem:$0x9000] =	vst v2  }
0xce: {  	[tilespmem:$0x9080] =	vst v2  }
0xcf: {  	[tilespmem:$0x9100] =	vst v2  }
0xd0: {  	[tilespmem:$0x9180] =	vst v2  }
0xd1: {  	[tilespmem:$0x9200] =	vst v2  }
0xd2: {  	[tilespmem:$0x9280] =	vst v2  }
0xd3: {  	[tilespmem:$0x9300] =	vst v2  }
0xd4: {  	[tilespmem:$0x9380] =	vst v2  }
0xd5: {  	[tilespmem:$0x9400] =	vst v2  }
0xd6: {  	[tilespmem:$0x9480] =	vst v2  }
0xd7: {  	[tilespmem:$0x9500] =	vst v2  }
0xd8: {  	[tilespmem:$0x9580] =	vst v2  }
0xd9: {  	[tilespmem:$0x9600] =	vst v2  }
0xda: {  	[tilespmem:$0x9680] =	vst v2  }
0xdb: {  	[tilespmem:$0x9700] =	vst v2  }
0xdc: {  	[tilespmem:$0x9780] =	vst v2  }
0xdd: {  	v49 =	vmpcnt.ones.xlane vm12;
	[tilespmem:$0x9800] =	vst v2  }
0xde: {  	v50 =	vmpcnt.ones.xlane vm13;
	[tilespmem:$0x9880] =	vst v2  }
0xdf: {  	v51 =	vmpcnt.ones.xlane vm14;
	v26 =	vsel vm2, $0x0, v49;
	[tilespmem:$0x9900] =	vst v2  }
0xe0: {  	v52 =	vmpcnt.ones.xlane vm15;
	v29 =	vsel vm3, $0x0, v50;
	v25 =	vadd.s32 v26, v25;
	[tilespmem:$0x9980] =	vst v2  }
0xe1: {  	v53 =	vmpcnt.ones.xlane vm9;
	v26 =	vsel vm4, $0x0, v51;
	[tilespmem:$0x9A00] =	vst v2;
	v25 =	vadd.s32 v29, v25  }
0xe2: {  	v54 =	vsel vm5, $0x0, v52;
	v55 =	vmpcnt.ones.xlane vm8;
	[tilespmem:$0x9A80] =	vst v2;
	v25 =	vadd.s32 v26, v25  }
0xe3: {  	[tilespmem:$0x9B00] =	vst v2;
	v26 =	vsel vm6, $0x0, v53;
	v25 =	vadd.s32 v54, v25  }
0xe4: {  	v56 =	vsel vm7, $0x0, v55;
	[tilespmem:$0x9B80] =	vst v2;
	v25 =	vadd.s32 v26, v25;
	vm9 =	veq.s32 v27, $0x0  }
0xe5: {  	[tilespmem:$0x9C00] =	vst v2;
	v25 =	vadd.s32 v56, v25;
	v26 =	vsel vm9, $0x1, v1  }
0xe6: {  	[tilespmem:$0x9C80] =	vst v2;
	vm11 =	veq.s32 v27, $0x1;
	(xrf0) =	vadd.scan.msk.s32 $0xffff, v26;
	v26 =	vnsel vm0, $0x0, v25  }
0xe7: {  	[tilespmem:$0x9D00] =	vst v2;
	(xrf0) =	vadd.scan.msk.s32 $0xffff, v26;
	v26 =	vsel vm11, $0x1, v1  }
0xe8: {  	[tilespmem:$0x9D80] =	vst v2;
	vm12 =	veq.s32 v27, $0x2;
	(xrf0) =	vadd.scan.msk.s32 $0xffff, v26;
	v26 =	vsel vm1, $0x0, v25  }
0xe9: {  	[tilespmem:$0x9E00] =	vst v2;
	(xrf0) =	vadd.scan.msk.s32 $0xffff, v26;
	v26 =	vsel vm12, $0x1, v1  }
0xea: {  	[tilespmem:$0x9E80] =	vst v2;
	vm10 =	veq.s32 v27, $0x3;
	(xrf0) =	vadd.scan.msk.s32 $0xffff, v26;
	v26 =	vsel vm2, $0x0, v25  }
0xeb: {  	[tilespmem:$0x9F00] =	vst v2;
	(xrf0) =	vadd.scan.msk.s32 $0xffff, v26;
	v26 =	vsel vm10, $0x1, v1  }
0xec: {  	[tilespmem:$0x9F80] =	vst v2;
	vm8 =	veq.s32 v27, $0x4;
	v57, _, _ =	vpop (xrf0);
	(xrf0) =	vadd.scan.msk.s32 $0xffff, v26;
	v26 =	vsel vm3, $0x0, v25  }
0xed: {  	[tilespmem:$0xA000] =	vst v2;
	v58, _, _ =	vpop (xrf0);
	(xrf0) =	vadd.scan.msk.s32 $0xffff, v26;
	v26 =	vsel vm8, $0x1, v1  }
0xee: {  	[tilespmem:$0xA080] =	vst v2;
	vm13 =	veq.s32 v27, $0x5;
	v59, _, _ =	vpop (xrf0);
	(xrf0) =	vadd.scan.msk.s32 $0xffff, v26;
	v26 =	vsel vm4, $0x0, v25  }
0xef: {  	[tilespmem:$0xA100] =	vst v2;
	v60, _, _ =	vpop (xrf0);
	(xrf0) =	vadd.scan.msk.s32 $0xffff, v26;
	v26 =	vsel vm13, $0x1, v1  }
0xf0: {  	[tilespmem:$0xA180] =	vst v2;
	vm14 =	veq.s32 v27, $0x6;
	v61, _, _ =	vpop (xrf0);
	(xrf0) =	vadd.scan.msk.s32 $0xffff, v26;
	v26 =	vsel vm5, $0x0, v25  }
0xf1: {  	[tilespmem:$0xA200] =	vst v2;
	v62, _, _ =	vpop (xrf0);
	(xrf0) =	vadd.scan.msk.s32 $0xffff, v26;
	v26 =	vsel vm14, $0x1, v1  }
0xf2: {  	[tilespmem:$0xA280] =	vst v2;
	vm15 =	veq.s32 v27, $0x7;
	v63, _, _ =	vpop (xrf0);
	(xrf0) =	vadd.scan.msk.s32 $0xffff, v26;
	v26 =	vsel vm6, $0x0, v25  }
0xf3: {  	v27 =	vadd.s32 $0xFFFFFFFF, v58;
	v25 =	vsel vm7, $0x0, v25;
	v36, _, _ =	vpop (xrf0);
	(xrf0) =	vadd.scan.msk.s32 $0xffff, v26;
	v26 =	vsel vm15, $0x1, v1  }
0xf4: {  	[tilespmem:$0xA300] =	vst v2;
	v27 =	vbroadcast v27, $0xF;
	v31 =	vadd.s32 $0xFFFFFFFF, v60;
	v37, _, _ =	vpop (xrf0);
	(xrf0) =	vadd.scan.msk.s32 $0xffff, v26  }
0xf5: {  	[tilespmem:$0xA380] =	vst v2;
	v38 =	vadd.s32 $0xFFFFFFFF, v62;
	v26 =	vbroadcast v31, $0xF;
	v39, _, _ =	vpop (xrf0);
	(xrf0) =	vadd.scan.msk.s32 $0xffff, v25  }
0xf6: {  	[tilespmem:$0xA400] =	vst v2;
	v27 =	vadd.s32 v57, v27;
	v40 =	vbroadcast v38, $0xF;
	v25, _, _ =	vpop (xrf0)  }
0xf7: {  	[tilespmem:$0xA480] =	vst v2;
	v27 =	vnsel vm9, $0x0, v27;
	v29 =	vadd.s32 $0xFFFFFFFF, v36;
	v26 =	vadd.s32 v59, v26;
	v41, _, _ =	vpop (xrf0)  }
0xf8: {  	[tilespmem:$0xA500] =	vst v2;
	v42 =	vbroadcast v29, $0xF;
	v26 =	vsel vm11, v26, v27;
	v27 =	vadd.s32 v61, v40;
	v43, _, _ =	vpop (xrf0)  }
0xf9: {  	[tilespmem:$0xA580] =	vst v2;
	v26 =	vsel vm12, v27, v26;
	v27 =	vadd.s32 $0xFFFFFFFF, v39;
	v44, _, _ =	vpop (xrf0)  }
0xfa: {  	[tilespmem:$0xA600] =	vst v2;
	v28 =	vadd.s32 v63, v42;
	v31 =	vadd.s32 $0xFFFFFFFF, v41;
	v27 =	vbroadcast v27, $0xF;
	v45, _, _ =	vpop (xrf0)  }
0xfb: {  	[tilespmem:$0xA680] =	vst v2;
	v26 =	vsel vm10, v28, v26;
	v46 =	vbroadcast v31, $0xF;
	v30 =	vadd.s32 $0xFFFFFFFF, v44;
	v47, _, _ =	vpop (xrf0)  }
0xfc: {  	[tilespmem:$0xA700] =	vst v2;
	v27 =	vadd.s32 v37, v27;
	v30 =	vbroadcast v30, $0xF;
	v31 =	vadd.s32 $0xFFFFFFFF, v47  }
0xfd: {  	[tilespmem:$0xA780] =	vst v2;
	v25 =	vadd.s32 v25, v46;
	v26 =	vsel vm8, v27, v26;
	v27 =	vbroadcast v31, $0xF  }
0xfe: {  	[tilespmem:$0xA800] =	vst v2;
	v25 =	vsel vm13, v25, v26;
	v26 =	vadd.s32 v43, v30  }
0xff: {  	[tilespmem:$0xA880] =	vst v2;
	v25 =	vsel vm14, v26, v25;
	v26 =	vadd.s32 v45, v27  }
0x100: {  	[tilespmem:$0xA900] =	vst v2;
	v25 =	vsel vm15, v26, v25  }
0x101: {  	[tilespmem:$0x930] =	vst v25  }
0x102: {  	_ =	swait.ge [sflag:s19], $0x40  }
0x103: {  	[sflag:s19] =	ssyncset.done $0x0  }
0x104: {  	[sflag:s19] =	ssyncadd.s32 $0xFFFFFFC0  }
0x105: {  	_ =	swait.ge [sflag:s19], $0x10  }
0x106: {  	[sflag:s19] =	ssyncset.done $0x0  }
0x107: {  	[sflag:s19] =	ssyncadd.s32 $0xFFFFFFF0  }
0x108: {  	v25 =	vld [tilespmem:$0x880];
	_ =	sdelay $0x4  }
0x109: {  	v26 =	vnsel vm0, $0x0, v25  }
0x10a: {  	(xrf0) =	vadd.scan.msk.s32 $0xffff, v26  }
0x10b: {  	v26 =	vsel vm1, $0x0, v25  }
0x10c: {  	(xrf0) =	vadd.scan.msk.s32 $0xffff, v26  }
0x10d: {  	v26 =	vsel vm2, $0x0, v25  }
0x10e: {  	(xrf0) =	vadd.scan.msk.s32 $0xffff, v26  }
0x10f: {  	v26 =	vsel vm3, $0x0, v25  }
0x110: {  	v27, _, _ =	vpop (xrf0);
	(xrf0) =	vadd.scan.msk.s32 $0xffff, v26;
	_ =	sdelay $0x1  }
0x111: {  	(v2sf) =	vpush v27, $0xF;
	v26, _, _ =	vpop (xrf0)  }
0x112: {  	(v2sf) =	vpush v26, $0xF  }
0x113: {  	v26, _, _ =	vpop (xrf0)  }
0x114: {  	(v2sf) =	vpush v26, $0xF  }
0x115: {  	v26, _, _ =	vpop (xrf0)  }
0x116: {  	(v2sf) =	vpush v26, $0xF  }
0x117: {  	v26 =	vsel vm4, $0x0, v25  }
0x118: {  	(xrf0) =	vadd.scan.msk.s32 $0xffff, v26  }
0x119: {  	v26 =	vsel vm5, $0x0, v25  }
0x11a: {  	(xrf0) =	vadd.scan.msk.s32 $0xffff, v26;
	v26 =	vsel vm6, $0x0, v25  }
0x11b: {  	(xrf0) =	vadd.scan.msk.s32 $0xffff, v26;
	v26 =	vsel vm7, $0x0, v25;
	_ =	sdelay $0x1  }
0x11c: {  	v27 =	vld [tilespmem:$0x800]  }
0x11d: {  	(xrf0) =	vadd.scan.msk.s32 $0xffff, v26;
	v26, _, _ =	vpop (xrf0)  }
0x11e: {  	(v2sf) =	vpush v26, $0xF  }
0x11f: {  	s29 =	spop (v2sf)  }
0x120: {  	vm12 =	vcmask $0x2328;
	s26 =	scvt.s32.f32 s29;
	s30 =	spop (v2sf)  }
0x121: {  	vm13 =	vcmask $0x2B30;
	v54 =	vsel vm12, $0x0, v25;
	v26 =	vcvt.s32.f32 v27;
	s29 =	scvt.s32.f32 s30  }
0x122: {  	v56 =	vsel vm13, $0x0, v25;
	vm8 =	veq.s32 v27, $0x0;
	s30 =	spop (v2sf);
	v49 =	vmov s26  }
0x123: {  	v48, _, _ =	vpop (xrf0);
	[tilespmem:v0+s20+$0x0] =	vst.idx.msk $0xffff, v26;
	v29 =	vsel vm8, $0xBF800000, v49;
	vm8 =	veq.s32 v27, $0x1;
	v26 =	vmov s29;
	s29 =	scvt.s32.f32 s30  }
0x124: {  	(v2sf) =	vpush v48, $0xF;
	v26 =	vsel vm8, $0xBF800000, v26;
	vm8 =	vcmask $0x1F24;
	s30 =	spop (v2sf)  }
0x125: {  	[tilespmem:v3+s20+$0x0] =	vst.idx.msk $0xffff, v29;
	v52 =	vsel vm8, $0x0, v25;
	vm8 =	veq.s32 v27, $0x2;
	v53 =	vmov s29;
	s29 =	scvt.s32.f32 s30  }
0x126: {  	[tilespmem:v4+s20+$0x0] =	vst.idx.msk $0xffff, v26;
	(xrf0) =	vadd.scan.msk.s32 $0xffff, v52;
	v26 =	vsel vm8, $0xBF800000, v53;
	vm8 =	vcmask $0x272C  }
0x127: {  	v50, _, _ =	vpop (xrf0);
	(xrf0) =	vadd.scan.msk.s32 $0xffff, v54;
	v55 =	vsel vm8, $0x0, v25;
	vm8 =	veq.s32 v27, $0x3;
	v27 =	vmov s29  }
0x128: {  	v51, _, _ =	vpop (xrf0);
	(v2sf) =	vpush v50, $0xF;
	[tilespmem:v5+s20+$0x0] =	vst.idx.msk $0xffff, v26;
	(xrf0) =	vadd.scan.msk.s32 $0xffff, v55;
	v26 =	vsel vm8, $0xBF800000, v27  }
0x129: {  	(v2sf) =	vpush v51, $0xF;
	(xrf0) =	vadd.scan.msk.s32 $0xffff, v56;
	[tilespmem:v6+s20+$0x0] =	vst.idx.msk $0xffff, v26  }
0x12a: {  	v26 =	vld [tilespmem:$0x810];
	_ =	sdelay $0x1  }
0x12b: {  	v27, _, _ =	vpop (xrf0)  }
0x12c: {  	(v2sf) =	vpush v27, $0xF;
	v27, _, _ =	vpop (xrf0);
	s30 =	spop (v2sf)  }
0x12d: {  	(v2sf) =	vpush v27, $0xF;
	v27, _, _ =	vpop (xrf0);
	s26 =	scvt.s32.f32 s30  }
0x12e: {  	vm14 =	vcmask $0x2F34;
	(v2sf) =	vpush v27, $0xF;
	v27, _, _ =	vpop (xrf0);
	v57 =	vcvt.s32.f32 v26  }
0x12f: {  	(v2sf) =	vpush v27, $0xF;
	vm8 =	veq.s32 v26, $0x0;
	v27 =	vmov s26  }
0x130: {  	v58 =	vsel vm14, $0x0, v25;
	v27 =	vsel vm8, $0xBF800000, v27;
	vm8 =	vcmask $0x3338  }
0x131: {  	(xrf0) =	vadd.scan.msk.s32 $0xffff, v58;
	[tilespmem:v7+s20+$0x0] =	vst.idx.msk $0xffff, v57;
	v59 =	vsel vm8, $0x0, v25;
	vm8 =	vcmask $0x373C  }
0x132: {  	[tilespmem:v8+s20+$0x0] =	vst.idx.msk $0xffff, v27;
	(xrf0) =	vadd.scan.msk.s32 $0xffff, v59;
	v27 =	vsel vm8, $0x0, v25  }
0x133: {  	(xrf0) =	vadd.scan.msk.s32 $0xffff, v27;
	v27 =	vld [tilespmem:$0x1FFF0]  }
0x134: {  	s28 =	spop (v2sf)  }
0x135: {  	s26 =	scvt.s32.f32 s28  }
0x136: {  	s29 =	spop (v2sf)  }
0x137: {  	s28 =	scvt.s32.f32 s29;
	s30 =	spop (v2sf);
	v60 =	vmov s26;
	vm8 =	veq.s32 v26, $0x1  }
0x138: {  	s30 =	scvt.s32.f32 s30;
	vm15 =	vnez.u8 v27;
	v27 =	vsel vm8, $0xBF800000, v60  }
0x139: {  	v61 =	vmov s28;
	vm8 =	veq.s32 v26, $0x2;
	v25 =	vsel vm15, $0x0, v25;
	[tilespmem:v9+s20+$0x0] =	vst.idx.msk $0xffff, v27  }
0x13a: {  	(xrf0) =	vadd.scan.msk.s32 $0xffff, v25;
	v25 =	vsel vm8, $0xBF800000, v61;
	vm8 =	veq.s32 v26, $0x3;
	v26 =	vmov s30  }
0x13b: {  	[tilespmem:v10+s20+$0x0] =	vst.idx.msk $0xffff, v25;
	v25 =	vsel vm8, $0xBF800000, v26;
	_ =	sdelay $0x1  }
0x13c: {  	[tilespmem:v11+s20+$0x0] =	vst.idx.msk $0xffff, v25;
	v26, _, _ =	vpop (xrf0)  }
0x13d: {  	v27 =	vld [tilespmem:$0x820];
	v25, _, _ =	vpop (xrf0);
	(v2sf) =	vpush v26, $0xF  }
0x13e: {  	v26, _, _ =	vpop (xrf0);
	(v2sf) =	vpush v25, $0xF  }
0x13f: {  	(v2sf) =	vpush v26, $0xF;
	v25, _, _ =	vpop (xrf0)  }
0x140: {  	s29 =	spop (v2sf);
	(v2sf) =	vpush v25, $0xF  }
0x141: {  	s30 =	spop (v2sf);
	s26 =	scvt.s32.f32 s29  }
0x142: {  	s29 =	spop (v2sf);
	s28 =	scvt.s32.f32 s30;
	v25 =	vcvt.s32.f32 v27  }
0x143: {  	s30 =	spop (v2sf);
	s29 =	scvt.s32.f32 s29;
	v26 =	vmov s26;
	vm8 =	veq.s32 v27, $0x0  }
0x144: {  	s26 =	scvt.s32.f32 s30;
	[tilespmem:v12+s20+$0x0] =	vst.idx.msk $0xffff, v25;
	v25 =	vsel vm8, $0xBF800000, v26;
	vm8 =	veq.s32 v27, $0x1;
	v26 =	vmov s28  }
0x145: {  	[tilespmem:v13+s20+$0x0] =	vst.idx.msk $0xffff, v25;
	v25 =	vsel vm8, $0xBF800000, v26;
	vm8 =	veq.s32 v27, $0x2;
	v26 =	vmov s29  }
0x146: {  	[tilespmem:v14+s20+$0x0] =	vst.idx.msk $0xffff, v25;
	v25 =	vsel vm8, $0xBF800000, v26;
	vm8 =	veq.s32 v27, $0x3;
	v26 =	vmov s26  }
0x147: {  	[tilespmem:v15+s20+$0x0] =	vst.idx.msk $0xffff, v25;
	v25 =	vsel vm8, $0xBF800000, v26  }
0x148: {  	[tilespmem:v16+s20+$0x0] =	vst.idx.msk $0xffff, v25  }
0x149: {  	v25 =	vld [tilespmem:$0x830];
	_ =	sdelay $0x2  }
0x14a: {  	s29 =	spop (v2sf)  }
0x14b: {  	s28 =	spop (v2sf);
	s26 =	scvt.s32.f32 s29  }
0x14c: {  	v26 =	vcvt.s32.f32 v25;
	s30 =	spop (v2sf);
	s28 =	scvt.s32.f32 s28  }
0x14d: {  	vm8 =	veq.s32 v25, $0x0;
	v27 =	vmov s26;
	s26 =	scvt.s32.f32 s30;
	s30 =	spop (v2sf)  }
0x14e: {  	[tilespmem:v17+s20+$0x0] =	vst.idx.msk $0xffff, v26;
	v62 =	vmov s28;
	v26 =	vsel vm8, $0xBF800000, v27;
	vm8 =	veq.s32 v25, $0x1;
	s30 =	scvt.s32.f32 s30  }
0x14f: {  	v27 =	vmov s26;
	[tilespmem:v18+s20+$0x0] =	vst.idx.msk $0xffff, v26;
	v26 =	vsel vm8, $0xBF800000, v62;
	vm8 =	veq.s32 v25, $0x2  }
0x150: {  	v63 =	vmov s30;
	[tilespmem:v19+s20+$0x0] =	vst.idx.msk $0xffff, v26;
	v26 =	vsel vm8, $0xBF800000, v27;
	vm8 =	veq.s32 v25, $0x3  }
0x151: {  	v25 =	vsel vm8, $0xBF800000, v63;
	[tilespmem:v20+s20+$0x0] =	vst.idx.msk $0xffff, v26  }
0x152: {  	[tilespmem:v21+s20+$0x0] =	vst.idx.msk $0xffff, v25  }
0x153: {  	[hbm4b:s12+s4] =	stream.linear.scatter [tilespmem:s21], [sflag:$0x3], $0x40, $0x38;
	[tilespmem:$0xAA00] =	vst v63  }
0x154: {  	_ =	swait.ge [sflag:s22], $0x8000  }
0x155: {  	[sflag:s22] =	ssyncset.done $0x0  }
0x156: {  	[sflag:s22] =	ssyncadd.s32 $0xFFFF8000  }
0x157: {  	v25 =	vld [tilespmem:$0x900];
	_ =	sdelay $0x4  }
0x158: {  	v26 =	vshll.u32 v25, $0x2  }
0x159: {  	v25 =	vand.u32 $0x7, v25;
	v26 =	vand.u32 $0xFFFFFFE0, v26  }
0x15a: {  	v25 =	vor.u32 v25, v26  }
0x15b: {  	v26 =	vperm.xlane v25, v22  }
0x15c: {  	v27 =	vld [tilespmem:$0x1FFE0]  }
0x15d: {  	v26 =	vadd.s32 v23, v26;
	_ =	sdelay $0x1  }
0x15e: {  	v25 =	vperm.xlane v25, v24;
	_ =	sdelay $0x1  }
0x15f: {  	vm8 =	vnez.u8 v27;
	v25 =	vadd.s32 v23, v25  }
0x160: {  	[hbm4b:s5+s4] =	stream.indirect_vreg.scatter [tilespmem:s17], [sflag:$0x1], $0x80, v26, vm8, $0xb8;
	[tilespmem:$0xAA00] =	vst v63  }
0x161: {  	s29 =	simm.s32 $0x1180  }
0x162: {  	[hbm4b:s13+s4] =	stream.indirect_vreg.scatter [tilespmem:s29], [sflag:$0x1], $0x80, v26, vm8, $0xb8;
	[tilespmem:$0xAA00] =	vst v63  }
0x163: {  	s30 =	simm.s32 $0x1980  }
0x164: {  	[hbm4b:s5+s4] =	stream.indirect_vreg.scatter [tilespmem:s30], [sflag:$0x1], $0x80, v25, vm8, $0xb8;
	[tilespmem:$0xAA00] =	vst v63  }
0x165: {  	s28 =	simm.s32 $0x2180  }
0x166: {  	[hbm4b:s13+s4] =	stream.indirect_vreg.scatter [tilespmem:s28], [sflag:$0x1], $0x80, v25, vm8, $0xb8;
	[tilespmem:$0xAA00] =	vst v63  }
0x167: {  	v25 =	vld [tilespmem:$0x910];
	_ =	sdelay $0x4  }
0x168: {  	v26 =	vshll.u32 v25, $0x2  }
0x169: {  	v25 =	vand.u32 $0x7, v25;
	v26 =	vand.u32 $0xFFFFFFE0, v26  }
0x16a: {  	v25 =	vor.u32 v25, v26  }
0x16b: {  	v26 =	vperm.xlane v25, v22;
	_ =	sdelay $0x1  }
0x16c: {  	v26 =	vadd.s32 v23, v26;
	_ =	sdelay $0x1  }
0x16d: {  	v25 =	vperm.xlane v25, v24;
	_ =	sdelay $0x1  }
0x16e: {  	s29 =	simm.s32 $0x2980;
	v25 =	vadd.s32 v23, v25  }
0x16f: {  	[hbm4b:s5+s4] =	stream.indirect_vreg.scatter [tilespmem:s29], [sflag:$0x1], $0x80, v26, vm8, $0xb8;
	[tilespmem:$0xAA00] =	vst v63  }
0x170: {  	s30 =	simm.s32 $0x3180  }
0x171: {  	[hbm4b:s13+s4] =	stream.indirect_vreg.scatter [tilespmem:s30], [sflag:$0x1], $0x80, v26, vm8, $0xb8;
	[tilespmem:$0xAA00] =	vst v63  }
0x172: {  	s28 =	simm.s32 $0x3980  }
0x173: {  	[hbm4b:s5+s4] =	stream.indirect_vreg.scatter [tilespmem:s28], [sflag:$0x1], $0x80, v25, vm8, $0xb8;
	[tilespmem:$0xAA00] =	vst v63  }
0x174: {  	s29 =	simm.s32 $0x4180  }
0x175: {  	[hbm4b:s13+s4] =	stream.indirect_vreg.scatter [tilespmem:s29], [sflag:$0x1], $0x80, v25, vm8, $0xb8;
	[tilespmem:$0xAA00] =	vst v63  }
0x176: {  	v25 =	vld [tilespmem:$0x920];
	_ =	sdelay $0x4  }
0x177: {  	v26 =	vshll.u32 v25, $0x2  }
0x178: {  	v25 =	vand.u32 $0x7, v25;
	v26 =	vand.u32 $0xFFFFFFE0, v26  }
0x179: {  	v25 =	vor.u32 v25, v26  }
0x17a: {  	v26 =	vperm.xlane v25, v22;
	_ =	sdelay $0x1  }
0x17b: {  	v26 =	vadd.s32 v23, v26;
	_ =	sdelay $0x1  }
0x17c: {  	v25 =	vperm.xlane v25, v24;
	_ =	sdelay $0x1  }
0x17d: {  	v25 =	vadd.s32 v23, v25  }
0x17e: {  	[hbm4b:s5+s4] =	stream.indirect_vreg.scatter [tilespmem:s31], [sflag:$0x1], $0x80, v26, vm8, $0xb8;
	[tilespmem:$0xAA00] =	vst v63  }
0x17f: {  	_ = 	snop  }
0x180: {  	[hbm4b:s13+s4] =	stream.indirect_vreg.scatter [tilespmem:s2], [sflag:$0x1], $0x80, v26, vm8, $0xb8;
	[tilespmem:$0xAA00] =	vst v63  }
0x181: {  	_ = 	snop  }
0x182: {  	[hbm4b:s5+s4] =	stream.indirect_vreg.scatter [tilespmem:s0], [sflag:$0x1], $0x80, v25, vm8, $0xb8;
	[tilespmem:$0xAA00] =	vst v63  }
0x183: {  	_ = 	snop  }
0x184: {  	[hbm4b:s13+s4] =	stream.indirect_vreg.scatter [tilespmem:s1], [sflag:$0x1], $0x80, v25, vm8, $0xb8;
	[tilespmem:$0xAA00] =	vst v63  }
0x185: {  	v25 =	vld [tilespmem:$0x930];
	_ =	sdelay $0x4  }
0x186: {  	v26 =	vshll.u32 v25, $0x2  }
0x187: {  	v25 =	vand.u32 $0x7, v25;
	v26 =	vand.u32 $0xFFFFFFE0, v26  }
0x188: {  	v25 =	vor.u32 v25, v26  }
0x189: {  	v26 =	vperm.xlane v25, v22;
	_ =	sdelay $0x1  }
0x18a: {  	v26 =	vadd.s32 v23, v26;
	_ =	sdelay $0x1  }
0x18b: {  	v25 =	vperm.xlane v25, v24;
	_ =	sdelay $0x1  }
0x18c: {  	v25 =	vadd.s32 v23, v25  }
0x18d: {  	[hbm4b:s5+s4] =	stream.indirect_vreg.scatter [tilespmem:s3], [sflag:$0x1], $0x80, v26, vm8, $0xb8;
	[tilespmem:$0xAA00] =	vst v63  }
0x18e: {  	_ = 	snop  }
0x18f: {  	[hbm4b:s13+s4] =	stream.indirect_vreg.scatter [tilespmem:s15], [sflag:$0x1], $0x80, v26, vm8, $0xb8;
	[tilespmem:$0xAA00] =	vst v63  }
0x190: {  	_ = 	snop  }
0x191: {  	[hbm4b:s5+s4] =	stream.indirect_vreg.scatter [tilespmem:s16], [sflag:$0x1], $0x80, v25, vm8, $0xb8;
	[tilespmem:$0xAA00] =	vst v63  }
0x192: {  	_ = 	snop  }
0x193: {  	[hbm4b:s13+s4] =	stream.indirect_vreg.scatter [tilespmem:s23], [sflag:$0x1], $0x80, v25, vm8, $0xb8;
	[tilespmem:$0xAA00] =	vst v63  }
0x194: {  	s30 =	rddreg [dreg:$0x3]  }
0x195: {  	[hbm4b:s30+s24] =	stream.indirect.scatter [tilespmem:s20], [sflag:$0x2], $0x80, s21, s24, $0xb8;
	[tilespmem:$0xAA00] =	vst v63  }
0x196: {  	_ =	swait.ge [sflag:s18], $0x8000  }
0x197: {  	[sflag:s18] =	ssyncset.done $0x0  }
0x198: {  	s25 =	sadd.s32 $0x1, s25;
	[sflag:s18] =	ssyncadd.s32 $0xFFFF8000  }
0x199: {  	p1 =	sne.s32 s25, s14;
	_ =	swait.ge [sflag:s22], $0x2000  }
.Ltmp1:
0x19a: {  	[sflag:s22] =	ssyncset.done $0x0;
	(pc) =	sbr.rel @p1 .LBB2_1-.Ltmp1, $4  }
0x19b: {  	[sflag:s22] =	ssyncadd.s32 $0xFFFFE000  }
0x19c: {  	_ =	swait.ge [sflag:s19], $0x40  }
0x19d: {  	[sflag:s19] =	ssyncset.done $0x0  }
0x19e: {  	[sflag:s19] =	ssyncadd.s32 $0xFFFFFFC0  }
0x19f: {  	_ =	sfence.sel $0x180000  }
0x1a0: {  	[bflag:$0x0] =	sbarrier.arrive $0xFFFF  }
0x1a1: {  	_ =	strace $0x90000047  }
0x1a2: {  	s0 =	stileid.u32;
	[bflag:$0x2] =	sbarrier.arrive $0xFFFF  }
0x1a3: {  	p0 =	sne.s32 s0, $0x0;
	s0 =	rddreg [dreg:$0x4]  }
0x1a4: {  	s0 =	sadd.s32 @!p0 $0x100000, s0  }
0x1a5: {  	[sflag:s0] =	ssyncadd.tile.s32 @!p0 $0x1;
	_ =	shalt  }
.Lfunc_end2:
_tile_overlayer_lowered:
.L_overlay_start_2:
0x1a6: {  	(tag) =	ssettag $0x2  }
0x1a7: {  	s0 =	rddreg [dreg:$0x0];
	s2 =	stileid.u32  }
0x1a8: {  	s1 =	rddreg [dreg:$0x1];
	p0 =	sne.s32 s2, $0x0  }
0x1a9: {  	s3 =	rddreg [dreg:$0x2];
	[bflag:$0x3] =	sbarrier.arrive $0xFFFF;
	s2 =	simm.s32 @!p0 $0x1C04  }
0x1aa: {  	[timem:s3], [sflag:s2] =	dma.local @!p0 [hbm:s0], s1  }
0x1ab: {  	s0 =	simm.s32 @!p0 $0x4  }
0x1ac: {  	_ =	swait.ge @!p0 [sflag:s0], s1  }
0x1ad: {  	s1 =	ssub.s32 @!p0 $0x0, s1;
	[sflag:s0] =	ssyncset.done @!p0 $0x0  }
0x1ae: {  	[sflag:s0] =	ssyncadd.s32 @!p0 s1  }
0x1af: {  	[bflag:$0x3] =	sbarrier.arrive $0xFFFF  }
0x1b0: {  	_ =	shalt  }

// kernel: kernel.9.cloned.1.call-start
scs
__scs_entry_jumppad:
0x0: {  	(pc) =	sbr.rel $0x88, $3  }
0x1: {  	(tag) =	ssettag $0x0;
	lr =	simm.s32 $0x1  }
0x2: {  	[smem:$0x3F95] =	sst lr;
	_ =	strace $0xD0000000  }
0x3: {  	_ = 	snop  }
0x4: {  	_ = 	snop  }
0x5: {  	_ = 	snop  }
0x6: {  	_ = 	snop  }
0x7: {  	_ = 	snop  }
__scs_overlays_trampoline_lowered:
0x8: {  	[smem:$0x3FA4] =	sst s0  }
0x9: {  	[smem:$0x3FA5] =	sst s1  }
0xa: {  	[smem:$0x3FA6] =	sst s2  }
0xb: {  	[smem:$0x3FA7] =	sst s3  }
0xc: {  	[smem:$0x3FA8] =	sst s4  }
0xd: {  	[smem:$0x3FA9] =	sst s5  }
0xe: {  	[smem:$0x3FAA] =	sst s6  }
0xf: {  	[smem:$0x3FAB] =	sst s7  }
0x10: {  	[smem:$0x3FAC] =	sst s8  }
0x11: {  	[smem:$0x3FAD] =	sst s9;
	s0 =	simm.s32 @!p0 $0x0  }
0x12: {  	s1 =	sld [smem:$0x3F93];
	s0 =	simm.s32 @p0 $0x1  }
0x13: {  	[smem:$0x3FAE] =	sst s0;
	s0 =	simm.s32 @!p1 $0x0  }
0x14: {  	s2 =	sld [smem:$0x3F92];
	s0 =	simm.s32 @p1 $0x1  }
0x15: {  	[smem:$0x3FAF] =	sst s0;
	s0 =	simm.s32 @!p2 $0x0  }
0x16: {  	s3 =	sld [smem:$0x3FDB];
	s0 =	simm.s32 @p2 $0x1  }
0x17: {  	s4 =	simm.s32 $0x1BF5;
	[smem:$0x3FB1] =	sst s0  }
0x18: {  	s0 =	sld [smem:$0x3F94];
	_ =	swait.ge [sflag:s4], $0x0  }
0x19: {  	s7 =	sld [smem:$0x3F95]  }
0x1a: {  	s8 =	sadd.s32 $0xFFFFE003, lr  }
0x1b: {  	s9 =	sadd.s32 $0xFFFFFEF7, lr;
	s5 =	simm.s32 $0xFFFFFFFF;
	p2 =	slt.u32 s8, $0xFFFFF086  }
0x1c: {  	p1 =	slt.u32 s9, $0xF7A;
	s5 =	simm.s32 @!p2 $0x0  }
0x1d: {  	s5 =	simm.s32 @p1 $0x1;
	p0 =	seq.s32 s7, s2  }
0x1e: {  	s7 =	smul.u32 @!p0 $0xF7A, s2;
	p2 =	seq.s32 @!p0 s5, $0x0  }
0x1f: {  	s9 =	smul.u32 $0xF7A, s1;
	s8 =	simm.s32 @!p0 $0x1BF5;
	p2 =	por !p2, p0  }
0x20: {  	[sflag:s8] =	ssyncset.s32 @!p0 $0xFFFFF086;
	s6 =	sadd.s32 @!p0 s3, s7;
	s7 =	simm.s32 @!p0 $0x108  }
0x21: {  	s3 =	sadd.s32 s3, s9;
	s6 =	sadd.s32 @!p0 $0x88, s6;
	s7 =	simm.s32 @p2 $0x1082  }
0x22: {  	[simem:s7], [sflag:s8] =	dma.local @!p0 [hbm:s6], $0xF7A  }
0x23: {  	s9 =	sor.u32 $0xD0000000, s2;
	s6 =	simm.s32 $0x108;
	_ =	swait.ge @!p0 [sflag:s8], $0x0  }
0x24: {  	s3 =	sadd.s32 $0x88, s3;
	s6 =	simm.s32 @!p1 $0x1082;
	[sflag:s4] =	ssyncset.s32 $0xFFFFF086  }
0x25: {  	[simem:s6], [sflag:s4] =	dma.local [hbm:s3], $0xF7A  }
0x26: {  	[smem:$0x3F95] =	sst s1;
	(tag) =	ssettag s2;
	_ =	strace s9  }
0x27: {  	s1 =	sld [smem:$0x3FA5]  }
0x28: {  	s2 =	sld [smem:$0x3FA6]  }
0x29: {  	s4 =	sld [smem:$0x3FA8]  }
0x2a: {  	p0 =	seq.s32 s5, $0x0;
	s5 =	sld [smem:$0x3FA9]  }
0x2b: {  	s6 =	sld [smem:$0x3FAA]  }
0x2c: {  	s7 =	sld [smem:$0x3FAB]  }
0x2d: {  	s3 =	simm.s32 $0x108;
	s8 =	sld [smem:$0x3FAC]  }
0x2e: {  	s3 =	simm.s32 @!p0 $0x1082;
	s9 =	sld [smem:$0x3FAD]  }
0x2f: {  	lr =	sadd.s32 s0, s3;
	s0 =	sld [smem:$0x3FA4]  }
0x30: {  	s3 =	sld [smem:$0x3FA7]  }
0x31: {  	[smem:$0x3FB0] =	sst s10  }
0x32: {  	s10 =	sld [smem:$0x3FAE];
	_ =	sdelay $0x3  }
0x33: {  	p0 =	seq.s32 s10, $0x1;
	s10 =	sld [smem:$0x3FB0];
	_ =	sdelay $0x3  }
0x34: {  	[smem:$0x3FB0] =	sst s10  }
0x35: {  	s10 =	sld [smem:$0x3FAF];
	_ =	sdelay $0x3  }
0x36: {  	p1 =	seq.s32 s10, $0x1;
	s10 =	sld [smem:$0x3FB0];
	_ =	sdelay $0x3  }
0x37: {  	[smem:$0x3FB0] =	sst s10  }
0x38: {  	s10 =	sld [smem:$0x3FB1]  }
0x39: {  	_ = 	snop;
	(pc) =	sbr.ind lr, $3  }
0x3a: {  	_ = 	snop  }
0x3b: {  	_ = 	snop  }
0x3c: {  	p2 =	seq.s32 s10, $0x1;
	s10 =	sld [smem:$0x3FB0]  }
0x3d: {  	_ =	shalt  }
0x3e: {  	_ =	shalt  }
0x3f: {  	_ =	shalt  }
0x40: {  	_ =	shalt  }
0x41: {  	_ =	shalt  }
0x42: {  	_ =	shalt  }
0x43: {  	_ =	shalt  }
0x44: {  	_ =	shalt  }
0x45: {  	_ =	shalt  }
0x46: {  	_ =	shalt  }
0x47: {  	_ =	shalt  }
0x48: {  	_ =	shalt  }
0x49: {  	_ =	shalt  }
0x4a: {  	_ =	shalt  }
0x4b: {  	_ =	shalt  }
0x4c: {  	_ =	shalt  }
0x4d: {  	_ =	shalt  }
0x4e: {  	_ =	shalt  }
0x4f: {  	_ =	shalt  }
0x50: {  	_ =	shalt  }
0x51: {  	_ =	shalt  }
0x52: {  	_ =	shalt  }
0x53: {  	_ =	shalt  }
0x54: {  	_ =	shalt  }
0x55: {  	_ =	shalt  }
0x56: {  	_ =	shalt  }
0x57: {  	_ =	shalt  }
0x58: {  	_ =	shalt  }
0x59: {  	_ =	shalt  }
0x5a: {  	_ =	shalt  }
0x5b: {  	_ =	shalt  }
0x5c: {  	_ =	shalt  }
0x5d: {  	_ =	shalt  }
0x5e: {  	_ =	shalt  }
0x5f: {  	_ =	shalt  }
0x60: {  	_ =	shalt  }
0x61: {  	_ =	shalt  }
0x62: {  	_ =	shalt  }
0x63: {  	_ =	shalt  }
0x64: {  	_ =	shalt  }
0x65: {  	_ =	shalt  }
0x66: {  	_ =	shalt  }
0x67: {  	_ =	shalt  }
0x68: {  	_ =	shalt  }
0x69: {  	_ =	shalt  }
0x6a: {  	_ =	shalt  }
0x6b: {  	_ =	shalt  }
0x6c: {  	_ =	shalt  }
0x6d: {  	_ =	shalt  }
0x6e: {  	_ =	shalt  }
0x6f: {  	_ =	shalt  }
0x70: {  	_ =	shalt  }
0x71: {  	_ =	shalt  }
0x72: {  	_ =	shalt  }
0x73: {  	_ =	shalt  }
0x74: {  	_ =	shalt  }
0x75: {  	_ =	shalt  }
0x76: {  	_ =	shalt  }
0x77: {  	_ =	shalt  }
0x78: {  	_ =	shalt  }
0x79: {  	_ =	shalt  }
0x7a: {  	_ =	shalt  }
0x7b: {  	_ =	shalt  }
0x7c: {  	_ =	shalt  }
0x7d: {  	_ =	shalt  }
0x7e: {  	_ =	shalt  }
0x7f: {  	_ =	shalt  }
0x80: {  	_ =	shalt  }
0x81: {  	_ =	shalt  }
0x82: {  	_ =	shalt  }
0x83: {  	_ =	shalt  }
0x84: {  	_ =	shalt  }
0x85: {  	_ =	shalt  }
0x86: {  	_ =	shalt  }
0x87: {  	_ =	shalt  }
.Lfunc_end0:
.L_simem_size_0:
called_computation.1_lowered:
.L_overlay_start_0:
0x88: {  	s2 =	sld [smem:$0x3FD9]  }
0x89: {  	s3 =	sld [smem:$0x3FFE];
	_ =	sdelay $0x1  }
0x8a: {  	s1 =	srdreg.scid  }
0x8b: {  	s0 =	sand.u32 $0x1, s1  }
0x8c: {  	s14 =	sshll.u32 s0, $0xA;
	s2 =	sadd.s32 s3, s2  }
0x8d: {  	s2 =	sadd.s32 s2, s14  }
0x8e: {  	[smem:$0x3FBC] =	sst s2  }
0x8f: {  	_ = 	snop  }
0x90: {  	s2 =	sld [smem:$0x3FD0];
	_ =	sdelay $0x2  }
0x91: {  	s15 =	simm.s32 $0xA;
	s4 =	simm.s32 $0x10  }
0x92: {  	[smem:s4], [sflag:s15] =	dma.local [hbm:s2], $0x1  }
0x93: {  	_ =	swait.eq [sflag:s15], $0x1  }
0x94: {  	[sflag:s15] =	ssyncset.done $0x0  }
0x95: {  	[sflag:s15] =	ssyncadd.s32 $0xFFFFFFFF  }
0x96: {  	s16 =	sld [smem:$0x10];
	(tm) =	ssettm $0x1  }
0x97: {  	s17 =	sld [smem:$0x3FFB];
	_ =	sdelay $0x3  }
0x98: {  	_ =	strace s17  }
0x99: {  	s3 =	sld [smem:$0x3FFC];
	_ =	sdelay $0x3  }
0x9a: {  	_ =	strace s3  }
0x9b: {  	s3 =	sld [smem:$0x3FFD];
	_ =	sdelay $0x3  }
0x9c: {  	_ =	strace s3  }
0x9d: {  	_ =	strace $0x8FFFFFFF  }
0x9e: {  	s18 =	sld [smem:$0x3FDB];
	_ =	sdelay $0x1  }
0x9f: {  	s19 =	simm.s32 $_scs_section_size  }
0xa0: {  	s5 =	simm.s32 $_size__tile_overlayer_lowered;
	s6 =	simm.s32 $_tile_overlayer_lowered  }
0xa1: {  	s22 =	simm.s32 $0x1BFF;
	s21 =	sshll.u32 s6, $0x1;
	s3 =	sadd.s32 s19, s18  }
0xa2: {  	s7 =	simm.s32 $0x0;
	s20 =	sshll.u32 s5, $0x1;
	s5 =	sadd.s32 s21, s3  }
0xa3: {  	[timem:s7], [sflag:s22] =	dma.local [hbm:s5], s20  }
0xa4: {  	_ =	swait.ge [sflag:s22], s20  }
0xa5: {  	s4 =	ssub.s32 $0x0, s20;
	[sflag:s22] =	ssyncset.done $0x0  }
0xa6: {  	[sflag:s22] =	ssyncadd.s32 s4;
	_ =	sdelay $0x1  }
0xa7: {  	s23 =	simm.s32 $0x1B8B  }
0xa8: {  	_ =	swait.ge [sflag:s23], $0x1  }
0xa9: {  	[sflag:s23] =	ssyncset.done $0x0  }
0xaa: {  	s25 =	simm.s32 $0x1B8E;
	s24 =	sld [smem:$0x3FFE];
	[sflag:s23] =	ssyncadd.s32 $0xFFFFFFFF  }
0xab: {  	s26 =	simm.s32 $execute0_lowered;
	[smem:$0x3FD2] =	sst s25  }
0xac: {  	s5 =	sshll.u32 s26, $0x1;
	_ =	strace $0x80000049;
	[dreg:$0x1] =	wrdreg $0xFFFFFFFF  }
0xad: {  	s28 =	simm.s32 $_size_execute0_lowered;
	s3 =	sadd.s32 s3, s5;
	[dreg:$0x0] =	wrdreg $0x0  }
0xae: {  	s5 =	sshll.u32 s28, $0x1;
	[dreg:$0x2] =	wrdreg s3  }
0xaf: {  	[dreg:$0x3] =	wrdreg s5  }
0xb0: {  	[dreg:$0x4] =	wrdreg $0xC0  }
0xb1: {  	_ =	task [dreg:s7], $0x5FFFF  }
0xb2: {  	[dreg:$0x1] =	wrdreg $0xFFFFFFFF  }
0xb3: {  	[dreg:$0x0] =	wrdreg $0x60  }
0xb4: {  	[dreg:$0x2] =	wrdreg s24  }
0xb5: {  	[dreg:$0x3] =	wrdreg s16  }
0xb6: {  	[dreg:$0x4] =	wrdreg $0x9  }
0xb7: {  	_ =	task.clear_ibuf [dreg:s7], $0x5FFFF;
	_ =	strace $0x90000049  }
0xb8: {  	s29 =	simm.s32 $0x9;
	_ =	strace $0x8000004B  }
0xb9: {  	_ =	swait.ge [sflag:s29], $0x1  }
0xba: {  	[sflag:s29] =	ssyncadd.s32 $0xFFFFFFFF  }
0xbb: {  	_ =	strace $0x9000004B  }
0xbc: {  	_ =	sfence  }
0xbd: {  	s30 =	sld [smem:$0x0];
	_ =	sdelay $0x2  }
0xbe: {  	s31 =	sshll.u32 s1, $0xD;
	s1 =	sshrl.u32 s1, $0x2  }
0xbf: {  	s3 =	sand.u32 $0x4000, s31;
	s1 =	sadd.s32 s1, s30  }
0xc0: {  	s0 =	sor.u32 s3, s0;
	s1 =	sshll.u32 s1, $0x11  }
0xc1: {  	s0 =	sor.u32 s1, s0  }
0xc2: {  	s0 =	sadd.s32 $0x8F2B, s0  }
0xc3: {  	[sflag:s0] =	ssyncadd.remote.s32 $0x1  }
0xc4: {  	_ =	sfence.sel $0xFFFF  }
0xc5: {  	[dreg:$0x0] =	wrdreg $0xFFFFFFFF;
	(pc) =	sbr.abs _section_cstart, $3  }
0xc6: {  	[dreg:$0x1] =	wrdreg $0xFFFFFFFF  }
0xc7: {  	_ =	task.clear_ibuf [dreg:s7], $0x2FFFF;
	_ =	strace $0x9FFFFFFF  }
0xc8: {  	(tm) =	ssettm $0x7FFFFFFF  }
0xc9: {  	_ =	shalt  }
tec
execute0_lowered:
.L_overlay_start_1:
0x0: {  	(tag) =	ssettag $0x1  }
0x1: {  	s1 =	srdreg.scid  }
0x2: {  	s0 =	stileid.u32;
	s6 =	sand.u32 $0x1, s1  }
0x3: {  	s5 =	rddreg [dreg:$0x0];
	s30 =	sshll.u32 s0, $0x7;
	s2 =	sshll.u32 s6, $0x6  }
0x4: {  	s9 =	rddreg [dreg:$0x1];
	s7 =	simm.s32 $0x80;
	s10 =	sor.u32 s2, s30  }
0x5: {  	s1 =	rddreg [dreg:$0x2];
	s2 =	simm.s32 $0x0;
	s3 =	sshrl.u32 s10, $0x3  }
0x6: {  	s11 =	ssub.s32 $0x2, s6;
	[smem:$0x7FF] =	sst s2;
	s3 =	sadd.s32 s3, s5  }
0x7: {  	_ =	strace $0x8000004A;
	s4 =	sadd.s32 $0x22E00, s3;
	s3 =	simm.s32 $0x2  }
0x8: {  	[tilespmem:s2], [sflag:$0x2] =	stream.linear.gather [hbm4b:s4+s2], $0x40, $0x38;
	[tilespmem:$0x2080] =	vst v63  }
0x9: {  	s8 =	simm.s32 $0x1;
	s12 =	sshrl.u32 s11, $0x1;
	_ =	swait.ge [sflag:s3], $0x40  }
0xa: {  	s6 =	simm.s32 $0x40;
	s11 =	ssub.s32 s11, s12;
	[sflag:s3] =	ssyncset.done $0x0  }
0xb: {  	s5 =	sadd.s32 $0x66000, s5;
	s31 =	smax.u32 s11, $0x1;
	[sflag:s3] =	ssyncadd.s32 $0xFFFFFFC0  }
0xc: {  	[tilespmem:s7], [sflag:$0x1] =	stream.indirect.gather [hbm4b:s5+s6], $0x80, s2, s6, $0xb8;
	[tilespmem:$0x2080] =	vst v63  }
0xd: {  	p0 =	sne.s32 s31, $0x1;
	_ =	swait.ge [sflag:s8], $0x2000  }
.Ltmp0:
0xe: {  	s10 =	sshll.u32 s10, $0x4;
	[sflag:s8] =	ssyncset.done $0x0;
	(pc) =	sbr.rel @!p0 .LBB2_2-.Ltmp0, $4  }
0xf: {  	s9 =	sadd.s32 s9, s10;
	[sflag:s8] =	ssyncadd.s32 $0xFFFFE000  }
0x10: {  	[hbm4b:s9+s2] =	stream.linear.scatter [tilespmem:s7], [sflag:$0x2], $0x2000, $0x38;
	[tilespmem:$0x2080] =	vst v63  }
0x11: {  	_ =	swait.ge [sflag:s3], $0x2000  }
0x12: {  	s10 =	sadd.s32 $0xFFFFFFFF, s31;
	[sflag:s3] =	ssyncset.done $0x0  }
.LBB2_1:
0x13: {  	p0 =	sne.s32 s10, $0x1;
	s10 =	sadd.s32 $0xFFFFFFFF, s10;
	[sflag:s3] =	ssyncadd.s32 $0xFFFFE000  }
0x14: {  	[tilespmem:s2], [sflag:$0x2] =	stream.linear.gather [hbm4b:s4+s2], $0x40, $0x38;
	[tilespmem:$0x2080] =	vst v63  }
0x15: {  	_ =	swait.ge [sflag:s3], $0x40  }
0x16: {  	[sflag:s3] =	ssyncset.done $0x0  }
0x17: {  	[sflag:s3] =	ssyncadd.s32 $0xFFFFFFC0  }
0x18: {  	[tilespmem:s7], [sflag:$0x1] =	stream.indirect.gather [hbm4b:s5+s6], $0x80, s2, s6, $0xb8;
	[tilespmem:$0x2080] =	vst v63  }
0x19: {  	_ =	swait.ge [sflag:s8], $0x2000  }
.Ltmp1:
0x1a: {  	[sflag:s8] =	ssyncset.done $0x0;
	(pc) =	sbr.rel @p0 .LBB2_1-.Ltmp1, $4  }
0x1b: {  	[sflag:s8] =	ssyncadd.s32 $0xFFFFE000  }
0x1c: {  	[hbm4b:s9+s2] =	stream.linear.scatter [tilespmem:s7], [sflag:$0x2], $0x2000, $0x38;
	[tilespmem:$0x2080] =	vst v63  }
0x1d: {  	_ =	swait.ge [sflag:s3], $0x2000  }
0x1e: {  	[sflag:s3] =	ssyncset.done $0x0  }
.LBB2_2:
0x1f: {  	[sflag:s3] =	ssyncadd.s32 $0xFFFFE000  }
0x20: {  	_ =	sfence.sel $0x180000  }
0x21: {  	[bflag:$0x0] =	sbarrier.arrive $0xFFFF  }
0x22: {  	p0 =	sne.s32 s0, $0x0;
	_ =	strace $0x9000004A  }
0x23: {  	s0 =	sadd.s32 @!p0 $0x100000, s1;
	[bflag:$0x2] =	sbarrier.arrive $0xFFFF  }
0x24: {  	[sflag:s0] =	ssyncadd.tile.s32 @!p0 $0x1;
	_ =	shalt  }
.Lfunc_end2:
_tile_overlayer_lowered:
.L_overlay_start_2:
0x25: {  	(tag) =	ssettag $0x2  }
0x26: {  	s0 =	rddreg [dreg:$0x0];
	s2 =	stileid.u32  }
0x27: {  	s1 =	rddreg [dreg:$0x1];
	p0 =	sne.s32 s2, $0x0  }
0x28: {  	s3 =	rddreg [dreg:$0x2];
	[bflag:$0x3] =	sbarrier.arrive $0xFFFF;
	s2 =	simm.s32 @!p0 $0x1C02  }
0x29: {  	[timem:s3], [sflag:s2] =	dma.local @!p0 [hbm:s0], s1  }
0x2a: {  	s0 =	simm.s32 @!p0 $0x2  }
0x2b: {  	_ =	swait.ge @!p0 [sflag:s0], s1  }
0x2c: {  	s1 =	ssub.s32 @!p0 $0x0, s1;
	[sflag:s0] =	ssyncset.done @!p0 $0x0  }
0x2d: {  	[sflag:s0] =	ssyncadd.s32 @!p0 s1  }
0x2e: {  	[bflag:$0x3] =	sbarrier.arrive $0xFFFF  }
0x2f: {  	_ =	shalt  }

</sc_bundles>
